<compile_context>
chip_gen: v7x
topology: tpu7x:2x2x1
jax: 0.10.2.dev20260603
libtpu: 0.0.44.dev20260713+nightly
codegen_flags: <defaults>
</compile_context>

<pallas_src>
import functools

import jax
import jax.numpy as jnp
from jax import lax
from jax.experimental import pallas as pl
from jax.experimental.pallas import tpu as pltpu
from jax.experimental.pallas import tpu_sc as plsc

_N = 10000
_E = 320000
_D_IN = 128
_D_HID = 128
_D_OUT = 256

_NC = 2
_NS = 16
_NH = _N // _NC
_NJ = 64
_ACC_R = _NH + _NJ
_K = 80
_EPW = _E // _NS
_CPW = 250
_EPP = _CPW * _K
_NBUF = 2
_IDXS = 4
_RPT = 312
_TAIL = _ACC_R - _NS * _RPT

_DGG = 80


def _make_sc_agg(with_deg):
    mesh = plsc.VectorSubcoreMesh(
        core_axis_name="c", subcore_axis_name="s",
        num_cores=_NC, num_subcores=_NS)

    out_type = [jax.ShapeDtypeStruct((_NC, _ACC_R, _D_IN), jnp.float32)]
    scratch = [
        pltpu.VMEM((_IDXS, 4, _K), jnp.int32),
        pltpu.VMEM((_NBUF, _K, _D_IN), jnp.float32),
        pltpu.VMEM_SHARED((_ACC_R, _D_IN), jnp.float32),
        pltpu.SemaphoreType.DMA((_NBUF,)),
        pltpu.SemaphoreType.DMA((_IDXS,)),
    ]
    if with_deg:
        out_type.append(
            jax.ShapeDtypeStruct((_NC, _NS * _DGG, 128), jnp.float32))
        scratch += [
            pltpu.VMEM((_NBUF, _K, 128), jnp.float32),
            pltpu.VMEM_SHARED((_NS * _DGG, 128), jnp.float32),
            pltpu.SemaphoreType.DMA((_NBUF,)),
        ]

    @functools.partial(
        pl.kernel, out_type=tuple(out_type), mesh=mesh,
        scratch_types=scratch)
    def agg(*refs):
        if with_deg:
            (x_hbm, tbl_hbm, zero_hbm, ident_hbm,
             out_hbm, deg_hbm,
             idx_v, rows_v, acc, sems_g, sems_i,
             orow_v, deg_acc, sems_o) = refs
        else:
            (x_hbm, tbl_hbm, zero_hbm,
             out_hbm,
             idx_v, rows_v, acc, sems_g, sems_i) = refs
        c = lax.axis_index("c")
        s = lax.axis_index("s")

        pltpu.sync_copy(zero_hbm.at[pl.ds(s * _RPT, _RPT)],
                        acc.at[pl.ds(s * _RPT, _RPT)])

        @pl.when(s == _NS - 1)
        def _zero_tail():
            pltpu.sync_copy(zero_hbm.at[pl.ds(_NS * _RPT, _TAIL)],
                            acc.at[pl.ds(_NS * _RPT, _TAIL)])

        if with_deg:
            pltpu.sync_copy(zero_hbm.at[pl.ds(0, _DGG)],
                            deg_acc.at[pl.ds(s * _DGG, _DGG)])

        plsc.subcore_barrier()

        def i_copy(g, t):
            return pltpu.make_async_copy(
                tbl_hbm.at[c, s, g], idx_v.at[t], sems_i.at[t])

        def g_copy(g, b):
            return pltpu.make_async_copy(
                x_hbm.at[idx_v.at[lax.rem(g, _IDXS), 0]], rows_v.at[b],
                sems_g.at[b])

        def o_copy(ss, db):
            return pltpu.make_async_copy(
                ident_hbm.at[idx_v.at[lax.rem(2 * ss + c, _IDXS), 3]],
                orow_v.at[db], sems_o.at[db])

        def deg_step(ss):
            db = lax.rem(ss, _NBUF)
            o_copy(ss, db).wait()
            pltpu.sync_copy(
                orow_v.at[db],
                deg_acc.at[idx_v.at[lax.rem(2 * ss + c, _IDXS), 2]],
                add=True)

        def chunk_body(g, b, last):
            sl = lax.rem(g, _IDXS)
            g_copy(g, b).wait()
            pltpu.sync_copy(rows_v.at[b], acc.at[idx_v.at[sl, 1]], add=True)
            if not last:
                i_copy(g + _IDXS, sl).start()
                i_copy(g + _NBUF, lax.rem(g + _NBUF, _IDXS)).wait()
                g_copy(g + _NBUF, b).start()

        for t in range(_IDXS):
            i_copy(t, t).start()
        for b in range(_NBUF):
            i_copy(b, b).wait()
            g_copy(b, b).start()
        if with_deg:
            o_copy(0, 0).start()

        def super_step(ss, carry):
            if with_deg:
                deg_step(ss)
            chunk_body(ss * _NBUF, 0, last=False)
            chunk_body(ss * _NBUF + 1, 1, last=False)
            if with_deg:
                o_copy(ss + 1, lax.rem(ss + 1, _NBUF)).start()
            return carry

        _LAST_SS = _CPW // _NBUF - 1
        lax.fori_loop(0, _LAST_SS, super_step, 0)
        if with_deg:
            deg_step(_LAST_SS)
        for b in range(_NBUF):
            chunk_body(_CPW - _NBUF + b, b, last=True)
        for b in range(_NBUF):
            g = _CPW + b
            i_copy(g, lax.rem(g, _IDXS)).wait()

        plsc.subcore_barrier()
        pltpu.sync_copy(acc.at[pl.ds(s * _RPT, _RPT)],
                        out_hbm.at[c, pl.ds(s * _RPT, _RPT)])

        @pl.when(s == _NS - 1)
        def _write_tail():
            pltpu.sync_copy(acc.at[pl.ds(_NS * _RPT, _TAIL)],
                            out_hbm.at[c, pl.ds(_NS * _RPT, _TAIL)])

        if with_deg:
            pltpu.sync_copy(deg_acc.at[pl.ds(s * _DGG, _DGG)],
                            deg_hbm.at[c, pl.ds(s * _DGG, _DGG)])

    return agg


@functools.cache
def _sc_agg(with_deg):
    return _make_sc_agg(with_deg)


_BLK = 2000


def _tc1_body(p_ref, deg_ref, x_ref, wl_ref, b_ref, wr_ref, h_ref, di_ref):
    deg = jnp.maximum(deg_ref[...], 1.0)
    deg_inv = 1.0 / deg
    agg = p_ref[...] * deg_inv
    h = (jnp.dot(agg, wl_ref[...], preferred_element_type=jnp.float32,
                 precision=lax.Precision.HIGHEST)
         + b_ref[...]
         + jnp.dot(x_ref[...], wr_ref[...], preferred_element_type=jnp.float32,
                   precision=lax.Precision.HIGHEST))
    h = jax.nn.sigmoid(h)
    nrm = jnp.sqrt(jnp.sum(h * h, axis=1, keepdims=True))
    h_ref[...] = h / jnp.maximum(nrm, 1e-12)
    di_ref[...] = deg_inv


def _tc1(agg, deg_col, x, W1_l, b1, W1_r):
    grid = _N // _BLK
    return pl.pallas_call(
        _tc1_body,
        grid=(grid,),
        in_specs=[
            pl.BlockSpec((_BLK, _D_IN), lambda i: (i, 0)),
            pl.BlockSpec((_BLK, 1), lambda i: (i, 0)),
            pl.BlockSpec((_BLK, _D_IN), lambda i: (i, 0)),
            pl.BlockSpec((_D_IN, _D_HID), lambda i: (0, 0)),
            pl.BlockSpec((1, _D_HID), lambda i: (0, 0)),
            pl.BlockSpec((_D_IN, _D_HID), lambda i: (0, 0)),
        ],
        out_specs=[
            pl.BlockSpec((_BLK, _D_HID), lambda i: (i, 0)),
            pl.BlockSpec((_BLK, 1), lambda i: (i, 0)),
        ],
        out_shape=[
            jax.ShapeDtypeStruct((_N, _D_HID), jnp.float32),
            jax.ShapeDtypeStruct((_N, 1), jnp.float32),
        ],
    )(agg, deg_col, x, W1_l, b1.reshape(1, -1), W1_r)


def _tc2_body(p_ref, di_ref, h_ref, wl_ref, b_ref, wr_ref, o_ref):
    agg = p_ref[...] * di_ref[...]
    h = (jnp.dot(agg, wl_ref[...], preferred_element_type=jnp.float32,
                 precision=lax.Precision.HIGHEST)
         + b_ref[...]
         + jnp.dot(h_ref[...], wr_ref[...], preferred_element_type=jnp.float32,
                   precision=lax.Precision.HIGHEST))
    h = jax.nn.sigmoid(h)
    nrm = jnp.sqrt(jnp.sum(h * h, axis=1, keepdims=True))
    h = h / jnp.maximum(nrm, 1e-12)
    m = jnp.max(h, axis=1, keepdims=True)
    lse = m + jnp.log(jnp.sum(jnp.exp(h - m), axis=1, keepdims=True))
    o_ref[...] = h - lse


def _tc2(agg, deg_inv, h1, W2_l, b2, W2_r):
    grid = _N // _BLK
    return pl.pallas_call(
        _tc2_body,
        grid=(grid,),
        in_specs=[
            pl.BlockSpec((_BLK, _D_HID), lambda i: (i, 0)),
            pl.BlockSpec((_BLK, 1), lambda i: (i, 0)),
            pl.BlockSpec((_BLK, _D_HID), lambda i: (i, 0)),
            pl.BlockSpec((_D_HID, _D_OUT), lambda i: (0, 0)),
            pl.BlockSpec((1, _D_OUT), lambda i: (0, 0)),
            pl.BlockSpec((_D_HID, _D_OUT), lambda i: (0, 0)),
        ],
        out_specs=pl.BlockSpec((_BLK, _D_OUT), lambda i: (i, 0)),
        out_shape=jax.ShapeDtypeStruct((_N, _D_OUT), jnp.float32),
    )(agg, deg_inv, h1, W2_l, b2.reshape(1, -1), W2_r)


def _edge_tables(edge_index):
    pad_n = _EPP - _EPW
    srcf = jnp.pad(edge_index[0].reshape(_NS, _EPW), ((0, 0), (0, pad_n)))
    dstf = jnp.pad(edge_index[1].reshape(_NS, _EPW), ((0, 0), (0, pad_n)),
                   constant_values=-1)
    srcf = jnp.broadcast_to(
        srcf.reshape(1, _NS, _CPW, _K), (_NC, _NS, _CPW, _K))
    dstf = dstf.reshape(1, _NS, _CPW, _K)
    pad_m = dstf < 0
    cid = jnp.arange(_NC, dtype=jnp.int32)[:, None, None, None]
    sid = jnp.arange(_NS, dtype=jnp.int32)[None, :, None, None]
    ln = dstf - cid * _NH
    inc = (ln >= 0) & (ln < _NH)
    spread = jax.lax.bitwise_and(
        jnp.arange(_NS * _EPP, dtype=jnp.int32).reshape(1, _NS, _CPW, _K),
        _NJ - 1)
    dstc = jnp.where(inc, ln, _NH + spread)
    wid = cid * _NS + sid
    dr = jnp.where(pad_m, 0,
                   jax.lax.shift_right_logical(dstf, 7)) + sid * _DGG
    dc = jnp.where(pad_m, _NC * _NS * 128,
                   jax.lax.bitwise_and(dstf, 127) * (_NC * _NS) + wid)
    dr = jnp.broadcast_to(dr, (_NC, _NS, _CPW, _K))
    dc = jnp.broadcast_to(dc, (_NC, _NS, _CPW, _K))
    tbl = jnp.stack([srcf, dstc, dr, dc], axis=3)
    pad = jnp.zeros((_NC, _NS, _IDXS, 4, _K), jnp.int32)
    return jnp.concatenate([tbl, pad], axis=2)


def kernel(x, edge_index, W1_l, b1, W1_r, W2_l, b2, W2_r):
    tbl = _edge_tables(edge_index)
    ident = jnp.concatenate([
        jnp.repeat(jnp.eye(128, dtype=jnp.float32), _NC * _NS, axis=0),
        jnp.zeros((8, 128), jnp.float32),
    ])
    zeros = jnp.zeros((_ACC_R, _D_IN), jnp.float32)

    parts1, deg = _sc_agg(True)(x, tbl, zeros, ident)
    agg1 = parts1[:, :_NH].reshape(_N, _D_IN)
    deg_col = (deg.reshape(_NC, _NS, _DGG * 128)[:, :, :_N]
               .sum(axis=(0, 1)).reshape(_N, 1))
    h1, deg_inv = _tc1(agg1, deg_col, x, W1_l, b1, W1_r)
    parts2 = _sc_agg(False)(h1, tbl, zeros)[0]
    agg2 = parts2[:, :_NH].reshape(_N, _D_HID)
    return _tc2(agg2, deg_inv, h1, W2_l, b2, W2_r)

# --- scband reference (transcript-rebuilt; emitter-appended) ---
"""Pipeline reference for scband-graph-sage-9706626089388 (READ-ONLY COPY).

The authoritative reference and input builder live on the scoring server;
editing this copy changes nothing except your own understanding.
"""

import jax, jax.numpy as jnp
import numpy as np

N = 10000
E = 320000
D_IN = 128
D_HID = 128
D_OUT = 256


def _glorot(key, shape):
    fan_in, fan_out = shape
    scale = jnp.sqrt(2.0 / (fan_in + fan_out))
    return jax.random.normal(key, shape, dtype=jnp.float32) * scale


def setup_inputs(seed: int = 0) -> dict:
    key = jax.random.key(seed)
    ks = jax.random.split(key, 8)
    x = jax.random.normal(ks[0], (N, D_IN), dtype=jnp.float32)
    edge_index = jax.random.randint(ks[1], (2, E), 0, N, dtype=jnp.int32)
    # SAGEConv(aggr='mean') params: lin_l (neighbor path, with bias), lin_r (root path, no bias)
    W1_l = _glorot(ks[2], (D_IN, D_HID))
    b1 = jnp.zeros((D_HID,), dtype=jnp.float32)
    W1_r = _glorot(ks[3], (D_IN, D_HID))
    W2_l = _glorot(ks[4], (D_HID, D_OUT))
    b2 = jnp.zeros((D_OUT,), dtype=jnp.float32)
    W2_r = _glorot(ks[5], (D_HID, D_OUT))
    return {"x": x, "edge_index": edge_index, "W1_l": W1_l, "b1": b1, "W1_r": W1_r, "W2_l": W2_l, "b2": b2, "W2_r": W2_r}


def _sage_conv(x, src, dst, W_l, b_l, W_r):
    # mean aggregation of source-node features at destination nodes
    ones = jnp.ones((src.shape[0],), dtype=x.dtype)
    deg = jax.ops.segment_sum(ones, dst, num_segments=N)
    deg = jnp.maximum(deg, 1.0)
    msg = jnp.take(x, src, axis=0)  # gather: [E, d]
    agg = jax.ops.segment_sum(msg, dst, num_segments=N) / deg[:, None]
    return agg @ W_l + b_l + x @ W_r


def _l2_normalize(h):
    nrm = jnp.linalg.norm(h, ord=2, axis=1, keepdims=True)
    return h / jnp.maximum(nrm, 1e-12)


def reference(x, edge_index, W1_l, b1, W1_r, W2_l, b2, W2_r):
    src = edge_index[0]
    dst = edge_index[1]
    h = _sage_conv(x, src, dst, W1_l, b1, W1_r)
    # dropout p=0.4 is identity in eval mode
    h = jax.nn.sigmoid(h)
    h = _l2_normalize(h)
    h = _sage_conv(h, src, dst, W2_l, b2, W2_r)
    h = jax.nn.sigmoid(h)
    h = _l2_normalize(h)
    return jax.nn.log_softmax(h, axis=-1)

if __name__ == "__main__":
    import jax
    _d = setup_inputs()
    print(jax.jit(kernel)(*tuple(_d.values())))

</pallas_src>

<mosaic_0001>
#map = affine_map<(d0, d1) -> (0, 0)>
#map1 = affine_map<(d0, d1) -> (0, 0, 0, 0, 0)>
#map2 = affine_map<(d0, d1) -> (0, 0, 0)>
module attributes {stable_mosaic.version = 14 : i64} {
  func.func @agg(%arg0: i32, %arg1: i32, %arg2: memref<10000x128xf32, #tpu.memory_space<hbm>>, %arg3: memref<2x16x254x4x80xi32, #tpu.memory_space<hbm>>, %arg4: memref<5064x128xf32, #tpu.memory_space<hbm>>, %arg5: memref<2x5064x128xf32, #tpu.memory_space<hbm>>, %arg6: memref<4x4x80xi32, #tpu.memory_space<vmem>>, %arg7: memref<2x80x128xf32, #tpu.memory_space<vmem>>, %arg8: memref<5064x128xf32, #tpu.memory_space<vmem_shared>>, %arg9: memref<2x!tpu.dma_semaphore, #tpu.memory_space<semaphore_mem>>, %arg10: memref<4x!tpu.dma_semaphore, #tpu.memory_space<semaphore_mem>>) attributes {dimension_semantics = [#tpu.dimension_semantics<core_parallel>, #tpu.dimension_semantics<subcore_parallel>], iteration_bounds = array<i64: 2, 16>, scalar_prefetch = 0 : i64, scratch_operands = 5 : i64, tpu.core_type = #tpu.core_type<sc_vector_subcore>, window_params = [{transform_indices = #map}, {transform_indices = #map1}, {transform_indices = #map}, {transform_indices = #map2}]} {
    %mul3A = arith.constant 312 : i32
    %mul3A_0 = arith.muli %arg1, %mul3A : i32
    %mul3A_1 = arith.constant 312 : i32
    %mul3A_2 = arith.muli %arg1, %mul3A_1 : i32
    "tpu.region"() ({
      %run_scoped3A_268 = tpu.sem_alloc : memref<!tpu.dma_semaphore, #tpu.memory_space<semaphore_mem>>
      %dma_start3A_269 = arith.constant 0 : i32
      %dma_start3A_270 = tpu.memref_slice %arg8[%mul3A_2, %dma_start3A_269] : memref<5064x128xf32, #tpu.memory_space<vmem_shared>> -> memref<312x128xf32, #tpu.memory_space<vmem_shared>>
      %dma_start3A_271 = arith.constant 0 : i32
      %dma_start3A_272 = tpu.memref_slice %arg4[%mul3A_0, %dma_start3A_271] : memref<5064x128xf32, #tpu.memory_space<hbm>> -> memref<312x128xf32, #tpu.memory_space<hbm>>
      tpu.enqueue_dma source(%dma_start3A_272 : memref<312x128xf32, #tpu.memory_space<hbm>>) target(%dma_start3A_270 : memref<312x128xf32, #tpu.memory_space<vmem_shared>>) target_semaphore(%run_scoped3A_268 : memref<!tpu.dma_semaphore, #tpu.memory_space<semaphore_mem>>)
      %dma_wait3A_273 = arith.constant 0 : i32
      %dma_wait3A_274 = tpu.memref_slice %arg8[%mul3A_2, %dma_wait3A_273] : memref<5064x128xf32, #tpu.memory_space<vmem_shared>> -> memref<312x128xf32, #tpu.memory_space<vmem_shared>>
      %dma_wait3A_275 = arith.constant 0 : i32
      %dma_wait3A_276 = tpu.memref_slice %arg4[%mul3A_0, %dma_wait3A_275] : memref<5064x128xf32, #tpu.memory_space<hbm>> -> memref<312x128xf32, #tpu.memory_space<hbm>>
      tpu.wait_dma2 semaphore(%run_scoped3A_268 : memref<!tpu.dma_semaphore, #tpu.memory_space<semaphore_mem>>) src(%dma_wait3A_276 : memref<312x128xf32, #tpu.memory_space<hbm>>) dst(%dma_wait3A_274 : memref<312x128xf32, #tpu.memory_space<vmem_shared>>)
      tpu.yield
    }) : () -> ()
    %eq3A = arith.constant 15 : i32
    %eq3A_3 = arith.cmpi eq, %arg1, %eq3A : i32
    %convert_element_type3A = arith.extui %eq3A_3 : i1 to i32
    %cond3A = arith.constant 0 : i32
    %cond3A_4 = arith.cmpi ne, %convert_element_type3A, %cond3A : i32
    scf.if %cond3A_4 {
      "tpu.region"() ({
        %run_scoped3A_268 = tpu.sem_alloc : memref<!tpu.dma_semaphore, #tpu.memory_space<semaphore_mem>>
        %dma_start3A_269 = arith.constant 4992 : i32
        %dma_start3A_270 = arith.constant 0 : i32
        %dma_start3A_271 = tpu.memref_slice %arg8[%dma_start3A_269, %dma_start3A_270] : memref<5064x128xf32, #tpu.memory_space<vmem_shared>> -> memref<72x128xf32, #tpu.memory_space<vmem_shared>>
        %dma_start3A_272 = arith.constant 4992 : i32
        %dma_start3A_273 = arith.constant 0 : i32
        %dma_start3A_274 = tpu.memref_slice %arg4[%dma_start3A_272, %dma_start3A_273] : memref<5064x128xf32, #tpu.memory_space<hbm>> -> memref<72x128xf32, #tpu.memory_space<hbm>>
        tpu.enqueue_dma source(%dma_start3A_274 : memref<72x128xf32, #tpu.memory_space<hbm>>) target(%dma_start3A_271 : memref<72x128xf32, #tpu.memory_space<vmem_shared>>) target_semaphore(%run_scoped3A_268 : memref<!tpu.dma_semaphore, #tpu.memory_space<semaphore_mem>>)
        %dma_wait3A_275 = arith.constant 4992 : i32
        %dma_wait3A_276 = arith.constant 0 : i32
        %dma_wait3A_277 = tpu.memref_slice %arg8[%dma_wait3A_275, %dma_wait3A_276] : memref<5064x128xf32, #tpu.memory_space<vmem_shared>> -> memref<72x128xf32, #tpu.memory_space<vmem_shared>>
        %dma_wait3A_278 = arith.constant 4992 : i32
        %dma_wait3A_279 = arith.constant 0 : i32
        %dma_wait3A_280 = tpu.memref_slice %arg4[%dma_wait3A_278, %dma_wait3A_279] : memref<5064x128xf32, #tpu.memory_space<hbm>> -> memref<72x128xf32, #tpu.memory_space<hbm>>
        tpu.wait_dma2 semaphore(%run_scoped3A_268 : memref<!tpu.dma_semaphore, #tpu.memory_space<semaphore_mem>>) src(%dma_wait3A_280 : memref<72x128xf32, #tpu.memory_space<hbm>>) dst(%dma_wait3A_277 : memref<72x128xf32, #tpu.memory_space<vmem_shared>>)
        tpu.yield
      }) : () -> ()
    } else {
    }
    %barrier3A = arith.constant 0 : index
    tpu.barrier barrier_id(%barrier3A)
    %dma_start3A = arith.constant 0 : i32
    %dma_start3A_5 = arith.constant 0 : i32
    %dma_start3A_6 = arith.constant 0 : i32
    %dma_start3A_7 = arith.constant 0 : i32
    %dma_start3A_8 = arith.constant 0 : i32
    %dma_start3A_9 = tpu.memref_slice %arg6[%dma_start3A_5, %dma_start3A_7, %dma_start3A_8] : memref<4x4x80xi32, #tpu.memory_space<vmem>> -> memref<1x4x80xi32, #tpu.memory_space<vmem>>
    %dma_start3A_10 = tpu.memref_squeeze %dma_start3A_9 : memref<1x4x80xi32, #tpu.memory_space<vmem>> -> memref<4x80xi32, #tpu.memory_space<vmem>>
    %dma_start3A_11 = arith.constant 0 : i32
    %dma_start3A_12 = arith.constant 0 : i32
    %dma_start3A_13 = tpu.memref_slice %arg3[%arg0, %arg1, %dma_start3A, %dma_start3A_11, %dma_start3A_12] : memref<2x16x254x4x80xi32, #tpu.memory_space<hbm>> -> memref<1x1x1x4x80xi32, #tpu.memory_space<hbm>>
    %dma_start3A_14 = tpu.memref_squeeze %dma_start3A_13 : memref<1x1x1x4x80xi32, #tpu.memory_space<hbm>> -> memref<4x80xi32, #tpu.memory_space<hbm>>
    %dma_start3A_15 = tpu.memref_slice %arg10[%dma_start3A_6] : memref<4x!tpu.dma_semaphore, #tpu.memory_space<semaphore_mem>> -> memref<1x!tpu.dma_semaphore, #tpu.memory_space<semaphore_mem>>
    %dma_start3A_16 = tpu.memref_squeeze %dma_start3A_15 : memref<1x!tpu.dma_semaphore, #tpu.memory_space<semaphore_mem>> -> memref<!tpu.dma_semaphore, #tpu.memory_space<semaphore_mem>>
    %dma_start3A_17 = arith.constant 0 : i32
    %dma_start3A_18 = arith.constant 0 : i32
    %dma_start3A_19 = tpu.memref_slice %arg6[%dma_start3A_5, %dma_start3A_17, %dma_start3A_18] : memref<4x4x80xi32, #tpu.memory_space<vmem>> -> memref<1x4x80xi32, #tpu.memory_space<vmem>>
    %dma_start3A_20 = tpu.memref_squeeze %dma_start3A_19 : memref<1x4x80xi32, #tpu.memory_space<vmem>> -> memref<4x80xi32, #tpu.memory_space<vmem>>
    %dma_start3A_21 = arith.constant 0 : i32
    %dma_start3A_22 = arith.constant 0 : i32
    %dma_start3A_23 = tpu.memref_slice %arg3[%arg0, %arg1, %dma_start3A, %dma_start3A_21, %dma_start3A_22] : memref<2x16x254x4x80xi32, #tpu.memory_space<hbm>> -> memref<1x1x1x4x80xi32, #tpu.memory_space<hbm>>
    %dma_start3A_24 = tpu.memref_squeeze %dma_start3A_23 : memref<1x1x1x4x80xi32, #tpu.memory_space<hbm>> -> memref<4x80xi32, #tpu.memory_space<hbm>>
    tpu.enqueue_dma source(%dma_start3A_24 : memref<4x80xi32, #tpu.memory_space<hbm>>) target(%dma_start3A_20 : memref<4x80xi32, #tpu.memory_space<vmem>>) target_semaphore(%dma_start3A_16 : memref<!tpu.dma_semaphore, #tpu.memory_space<semaphore_mem>>)
    %dma_start3A_25 = arith.constant 1 : i32
    %dma_start3A_26 = arith.constant 1 : i32
    %dma_start3A_27 = arith.constant 1 : i32
    %dma_start3A_28 = arith.constant 0 : i32
    %dma_start3A_29 = arith.constant 0 : i32
    %dma_start3A_30 = tpu.memref_slice %arg6[%dma_start3A_26, %dma_start3A_28, %dma_start3A_29] : memref<4x4x80xi32, #tpu.memory_space<vmem>> -> memref<1x4x80xi32, #tpu.memory_space<vmem>>
    %dma_start3A_31 = tpu.memref_squeeze %dma_start3A_30 : memref<1x4x80xi32, #tpu.memory_space<vmem>> -> memref<4x80xi32, #tpu.memory_space<vmem>>
    %dma_start3A_32 = arith.constant 0 : i32
    %dma_start3A_33 = arith.constant 0 : i32
    %dma_start3A_34 = tpu.memref_slice %arg3[%arg0, %arg1, %dma_start3A_25, %dma_start3A_32, %dma_start3A_33] : memref<2x16x254x4x80xi32, #tpu.memory_space<hbm>> -> memref<1x1x1x4x80xi32, #tpu.memory_space<hbm>>
    %dma_start3A_35 = tpu.memref_squeeze %dma_start3A_34 : memref<1x1x1x4x80xi32, #tpu.memory_space<hbm>> -> memref<4x80xi32, #tpu.memory_space<hbm>>
    %dma_start3A_36 = tpu.memref_slice %arg10[%dma_start3A_27] : memref<4x!tpu.dma_semaphore, #tpu.memory_space<semaphore_mem>> -> memref<1x!tpu.dma_semaphore, #tpu.memory_space<semaphore_mem>>
    %dma_start3A_37 = tpu.memref_squeeze %dma_start3A_36 : memref<1x!tpu.dma_semaphore, #tpu.memory_space<semaphore_mem>> -> memref<!tpu.dma_semaphore, #tpu.memory_space<semaphore_mem>>
    %dma_start3A_38 = arith.constant 0 : i32
    %dma_start3A_39 = arith.constant 0 : i32
    %dma_start3A_40 = tpu.memref_slice %arg6[%dma_start3A_26, %dma_start3A_38, %dma_start3A_39] : memref<4x4x80xi32, #tpu.memory_space<vmem>> -> memref<1x4x80xi32, #tpu.memory_space<vmem>>
    %dma_start3A_41 = tpu.memref_squeeze %dma_start3A_40 : memref<1x4x80xi32, #tpu.memory_space<vmem>> -> memref<4x80xi32, #tpu.memory_space<vmem>>
    %dma_start3A_42 = arith.constant 0 : i32
    %dma_start3A_43 = arith.constant 0 : i32
    %dma_start3A_44 = tpu.memref_slice %arg3[%arg0, %arg1, %dma_start3A_25, %dma_start3A_42, %dma_start3A_43] : memref<2x16x254x4x80xi32, #tpu.memory_space<hbm>> -> memref<1x1x1x4x80xi32, #tpu.memory_space<hbm>>
    %dma_start3A_45 = tpu.memref_squeeze %dma_start3A_44 : memref<1x1x1x4x80xi32, #tpu.memory_space<hbm>> -> memref<4x80xi32, #tpu.memory_space<hbm>>
    tpu.enqueue_dma source(%dma_start3A_45 : memref<4x80xi32, #tpu.memory_space<hbm>>) target(%dma_start3A_41 : memref<4x80xi32, #tpu.memory_space<vmem>>) target_semaphore(%dma_start3A_37 : memref<!tpu.dma_semaphore, #tpu.memory_space<semaphore_mem>>)
    %dma_start3A_46 = arith.constant 2 : i32
    %dma_start3A_47 = arith.constant 2 : i32
    %dma_start3A_48 = arith.constant 2 : i32
    %dma_start3A_49 = arith.constant 0 : i32
    %dma_start3A_50 = arith.constant 0 : i32
    %dma_start3A_51 = tpu.memref_slice %arg6[%dma_start3A_47, %dma_start3A_49, %dma_start3A_50] : memref<4x4x80xi32, #tpu.memory_space<vmem>> -> memref<1x4x80xi32, #tpu.memory_space<vmem>>
    %dma_start3A_52 = tpu.memref_squeeze %dma_start3A_51 : memref<1x4x80xi32, #tpu.memory_space<vmem>> -> memref<4x80xi32, #tpu.memory_space<vmem>>
    %dma_start3A_53 = arith.constant 0 : i32
    %dma_start3A_54 = arith.constant 0 : i32
    %dma_start3A_55 = tpu.memref_slice %arg3[%arg0, %arg1, %dma_start3A_46, %dma_start3A_53, %dma_start3A_54] : memref<2x16x254x4x80xi32, #tpu.memory_space<hbm>> -> memref<1x1x1x4x80xi32, #tpu.memory_space<hbm>>
    %dma_start3A_56 = tpu.memref_squeeze %dma_start3A_55 : memref<1x1x1x4x80xi32, #tpu.memory_space<hbm>> -> memref<4x80xi32, #tpu.memory_space<hbm>>
    %dma_start3A_57 = tpu.memref_slice %arg10[%dma_start3A_48] : memref<4x!tpu.dma_semaphore, #tpu.memory_space<semaphore_mem>> -> memref<1x!tpu.dma_semaphore, #tpu.memory_space<semaphore_mem>>
    %dma_start3A_58 = tpu.memref_squeeze %dma_start3A_57 : memref<1x!tpu.dma_semaphore, #tpu.memory_space<semaphore_mem>> -> memref<!tpu.dma_semaphore, #tpu.memory_space<semaphore_mem>>
    %dma_start3A_59 = arith.constant 0 : i32
    %dma_start3A_60 = arith.constant 0 : i32
    %dma_start3A_61 = tpu.memref_slice %arg6[%dma_start3A_47, %dma_start3A_59, %dma_start3A_60] : memref<4x4x80xi32, #tpu.memory_space<vmem>> -> memref<1x4x80xi32, #tpu.memory_space<vmem>>
    %dma_start3A_62 = tpu.memref_squeeze %dma_start3A_61 : memref<1x4x80xi32, #tpu.memory_space<vmem>> -> memref<4x80xi32, #tpu.memory_space<vmem>>
    %dma_start3A_63 = arith.constant 0 : i32
    %dma_start3A_64 = arith.constant 0 : i32
    %dma_start3A_65 = tpu.memref_slice %arg3[%arg0, %arg1, %dma_start3A_46, %dma_start3A_63, %dma_start3A_64] : memref<2x16x254x4x80xi32, #tpu.memory_space<hbm>> -> memref<1x1x1x4x80xi32, #tpu.memory_space<hbm>>
    %dma_start3A_66 = tpu.memref_squeeze %dma_start3A_65 : memref<1x1x1x4x80xi32, #tpu.memory_space<hbm>> -> memref<4x80xi32, #tpu.memory_space<hbm>>
    tpu.enqueue_dma source(%dma_start3A_66 : memref<4x80xi32, #tpu.memory_space<hbm>>) target(%dma_start3A_62 : memref<4x80xi32, #tpu.memory_space<vmem>>) target_semaphore(%dma_start3A_58 : memref<!tpu.dma_semaphore, #tpu.memory_space<semaphore_mem>>)
    %dma_start3A_67 = arith.constant 3 : i32
    %dma_start3A_68 = arith.constant 3 : i32
    %dma_start3A_69 = arith.constant 3 : i32
    %dma_start3A_70 = arith.constant 0 : i32
    %dma_start3A_71 = arith.constant 0 : i32
    %dma_start3A_72 = tpu.memref_slice %arg6[%dma_start3A_68, %dma_start3A_70, %dma_start3A_71] : memref<4x4x80xi32, #tpu.memory_space<vmem>> -> memref<1x4x80xi32, #tpu.memory_space<vmem>>
    %dma_start3A_73 = tpu.memref_squeeze %dma_start3A_72 : memref<1x4x80xi32, #tpu.memory_space<vmem>> -> memref<4x80xi32, #tpu.memory_space<vmem>>
    %dma_start3A_74 = arith.constant 0 : i32
    %dma_start3A_75 = arith.constant 0 : i32
    %dma_start3A_76 = tpu.memref_slice %arg3[%arg0, %arg1, %dma_start3A_67, %dma_start3A_74, %dma_start3A_75] : memref<2x16x254x4x80xi32, #tpu.memory_space<hbm>> -> memref<1x1x1x4x80xi32, #tpu.memory_space<hbm>>
    %dma_start3A_77 = tpu.memref_squeeze %dma_start3A_76 : memref<1x1x1x4x80xi32, #tpu.memory_space<hbm>> -> memref<4x80xi32, #tpu.memory_space<hbm>>
    %dma_start3A_78 = tpu.memref_slice %arg10[%dma_start3A_69] : memref<4x!tpu.dma_semaphore, #tpu.memory_space<semaphore_mem>> -> memref<1x!tpu.dma_semaphore, #tpu.memory_space<semaphore_mem>>
    %dma_start3A_79 = tpu.memref_squeeze %dma_start3A_78 : memref<1x!tpu.dma_semaphore, #tpu.memory_space<semaphore_mem>> -> memref<!tpu.dma_semaphore, #tpu.memory_space<semaphore_mem>>
    %dma_start3A_80 = arith.constant 0 : i32
    %dma_start3A_81 = arith.constant 0 : i32
    %dma_start3A_82 = tpu.memref_slice %arg6[%dma_start3A_68, %dma_start3A_80, %dma_start3A_81] : memref<4x4x80xi32, #tpu.memory_space<vmem>> -> memref<1x4x80xi32, #tpu.memory_space<vmem>>
    %dma_start3A_83 = tpu.memref_squeeze %dma_start3A_82 : memref<1x4x80xi32, #tpu.memory_space<vmem>> -> memref<4x80xi32, #tpu.memory_space<vmem>>
    %dma_start3A_84 = arith.constant 0 : i32
    %dma_start3A_85 = arith.constant 0 : i32
    %dma_start3A_86 = tpu.memref_slice %arg3[%arg0, %arg1, %dma_start3A_67, %dma_start3A_84, %dma_start3A_85] : memref<2x16x254x4x80xi32, #tpu.memory_space<hbm>> -> memref<1x1x1x4x80xi32, #tpu.memory_space<hbm>>
    %dma_start3A_87 = tpu.memref_squeeze %dma_start3A_86 : memref<1x1x1x4x80xi32, #tpu.memory_space<hbm>> -> memref<4x80xi32, #tpu.memory_space<hbm>>
    tpu.enqueue_dma source(%dma_start3A_87 : memref<4x80xi32, #tpu.memory_space<hbm>>) target(%dma_start3A_83 : memref<4x80xi32, #tpu.memory_space<vmem>>) target_semaphore(%dma_start3A_79 : memref<!tpu.dma_semaphore, #tpu.memory_space<semaphore_mem>>)
    %dma_wait3A = arith.constant 0 : i32
    %dma_wait3A_88 = arith.constant 0 : i32
    %dma_wait3A_89 = arith.constant 0 : i32
    %dma_wait3A_90 = arith.constant 0 : i32
    %dma_wait3A_91 = arith.constant 0 : i32
    %dma_wait3A_92 = tpu.memref_slice %arg6[%dma_wait3A_88, %dma_wait3A_90, %dma_wait3A_91] : memref<4x4x80xi32, #tpu.memory_space<vmem>> -> memref<1x4x80xi32, #tpu.memory_space<vmem>>
    %dma_wait3A_93 = tpu.memref_squeeze %dma_wait3A_92 : memref<1x4x80xi32, #tpu.memory_space<vmem>> -> memref<4x80xi32, #tpu.memory_space<vmem>>
    %dma_wait3A_94 = arith.constant 0 : i32
    %dma_wait3A_95 = arith.constant 0 : i32
    %dma_wait3A_96 = tpu.memref_slice %arg3[%arg0, %arg1, %dma_wait3A, %dma_wait3A_94, %dma_wait3A_95] : memref<2x16x254x4x80xi32, #tpu.memory_space<hbm>> -> memref<1x1x1x4x80xi32, #tpu.memory_space<hbm>>
    %dma_wait3A_97 = tpu.memref_squeeze %dma_wait3A_96 : memref<1x1x1x4x80xi32, #tpu.memory_space<hbm>> -> memref<4x80xi32, #tpu.memory_space<hbm>>
    %dma_wait3A_98 = tpu.memref_slice %arg10[%dma_wait3A_89] : memref<4x!tpu.dma_semaphore, #tpu.memory_space<semaphore_mem>> -> memref<1x!tpu.dma_semaphore, #tpu.memory_space<semaphore_mem>>
    %dma_wait3A_99 = tpu.memref_squeeze %dma_wait3A_98 : memref<1x!tpu.dma_semaphore, #tpu.memory_space<semaphore_mem>> -> memref<!tpu.dma_semaphore, #tpu.memory_space<semaphore_mem>>
    %dma_wait3A_100 = arith.constant 0 : i32
    %dma_wait3A_101 = arith.constant 0 : i32
    %dma_wait3A_102 = tpu.memref_slice %arg6[%dma_wait3A_88, %dma_wait3A_100, %dma_wait3A_101] : memref<4x4x80xi32, #tpu.memory_space<vmem>> -> memref<1x4x80xi32, #tpu.memory_space<vmem>>
    %dma_wait3A_103 = tpu.memref_squeeze %dma_wait3A_102 : memref<1x4x80xi32, #tpu.memory_space<vmem>> -> memref<4x80xi32, #tpu.memory_space<vmem>>
    %dma_wait3A_104 = arith.constant 0 : i32
    %dma_wait3A_105 = arith.constant 0 : i32
    %dma_wait3A_106 = tpu.memref_slice %arg3[%arg0, %arg1, %dma_wait3A, %dma_wait3A_104, %dma_wait3A_105] : memref<2x16x254x4x80xi32, #tpu.memory_space<hbm>> -> memref<1x1x1x4x80xi32, #tpu.memory_space<hbm>>
    %dma_wait3A_107 = tpu.memref_squeeze %dma_wait3A_106 : memref<1x1x1x4x80xi32, #tpu.memory_space<hbm>> -> memref<4x80xi32, #tpu.memory_space<hbm>>
    tpu.wait_dma2 semaphore(%dma_wait3A_99 : memref<!tpu.dma_semaphore, #tpu.memory_space<semaphore_mem>>) src(%dma_wait3A_107 : memref<4x80xi32, #tpu.memory_space<hbm>>) dst(%dma_wait3A_103 : memref<4x80xi32, #tpu.memory_space<vmem>>)
    %rem3A = arith.constant 0 : i32
    %rem3A_108 = arith.constant 4 : i32
    %rem3A_109 = arith.remsi %rem3A, %rem3A_108 : i32
    %dma_start3A_110 = arith.constant 0 : i32
    %dma_start3A_111 = arith.constant 0 : i32
    %dma_start3A_112 = arith.constant 0 : i32
    %dma_start3A_113 = arith.constant 0 : i32
    %dma_start3A_114 = arith.constant 0 : i32
    %dma_start3A_115 = tpu.memref_slice %arg7[%dma_start3A_111, %dma_start3A_113, %dma_start3A_114] : memref<2x80x128xf32, #tpu.memory_space<vmem>> -> memref<1x80x128xf32, #tpu.memory_space<vmem>>
    %dma_start3A_116 = tpu.memref_squeeze %dma_start3A_115 : memref<1x80x128xf32, #tpu.memory_space<vmem>> -> memref<80x128xf32, #tpu.memory_space<vmem>>
    %dma_start3A_117 = arith.constant 0 : i32
    %dma_start3A_118 = tpu.memref_slice %arg6[%rem3A_109, %dma_start3A_110, %dma_start3A_117] : memref<4x4x80xi32, #tpu.memory_space<vmem>> -> memref<1x1x80xi32, #tpu.memory_space<vmem>>
    %dma_start3A_119 = tpu.memref_squeeze %dma_start3A_118 : memref<1x1x80xi32, #tpu.memory_space<vmem>> -> memref<80xi32, #tpu.memory_space<vmem>>
    %dma_start3A_120 = arith.constant 0 : i32
    %dma_start3A_121 = arith.constant 0 : i32
    %dma_start3A_122 = tpu.memref_slice %arg2[%dma_start3A_120, %dma_start3A_121] : memref<10000x128xf32, #tpu.memory_space<hbm>> -> memref<10000x128xf32, #tpu.memory_space<hbm>>
    %dma_start3A_123 = tpu.memref_slice %arg9[%dma_start3A_112] : memref<2x!tpu.dma_semaphore, #tpu.memory_space<semaphore_mem>> -> memref<1x!tpu.dma_semaphore, #tpu.memory_space<semaphore_mem>>
    %dma_start3A_124 = tpu.memref_squeeze %dma_start3A_123 : memref<1x!tpu.dma_semaphore, #tpu.memory_space<semaphore_mem>> -> memref<!tpu.dma_semaphore, #tpu.memory_space<semaphore_mem>>
    tpu.enqueue_indirect_dma source(%dma_start3A_122 : memref<10000x128xf32, #tpu.memory_space<hbm>>) target(%dma_start3A_116 : memref<80x128xf32, #tpu.memory_space<vmem>>) offsets(%dma_start3A_119 : memref<80xi32, #tpu.memory_space<vmem>>) semaphore(%dma_start3A_124 : memref<!tpu.dma_semaphore, #tpu.memory_space<semaphore_mem>>)
    %dma_wait3A_125 = arith.constant 1 : i32
    %dma_wait3A_126 = arith.constant 1 : i32
    %dma_wait3A_127 = arith.constant 1 : i32
    %dma_wait3A_128 = arith.constant 0 : i32
    %dma_wait3A_129 = arith.constant 0 : i32
    %dma_wait3A_130 = tpu.memref_slice %arg6[%dma_wait3A_126, %dma_wait3A_128, %dma_wait3A_129] : memref<4x4x80xi32, #tpu.memory_space<vmem>> -> memref<1x4x80xi32, #tpu.memory_space<vmem>>
    %dma_wait3A_131 = tpu.memref_squeeze %dma_wait3A_130 : memref<1x4x80xi32, #tpu.memory_space<vmem>> -> memref<4x80xi32, #tpu.memory_space<vmem>>
    %dma_wait3A_132 = arith.constant 0 : i32
    %dma_wait3A_133 = arith.constant 0 : i32
    %dma_wait3A_134 = tpu.memref_slice %arg3[%arg0, %arg1, %dma_wait3A_125, %dma_wait3A_132, %dma_wait3A_133] : memref<2x16x254x4x80xi32, #tpu.memory_space<hbm>> -> memref<1x1x1x4x80xi32, #tpu.memory_space<hbm>>
    %dma_wait3A_135 = tpu.memref_squeeze %dma_wait3A_134 : memref<1x1x1x4x80xi32, #tpu.memory_space<hbm>> -> memref<4x80xi32, #tpu.memory_space<hbm>>
    %dma_wait3A_136 = tpu.memref_slice %arg10[%dma_wait3A_127] : memref<4x!tpu.dma_semaphore, #tpu.memory_space<semaphore_mem>> -> memref<1x!tpu.dma_semaphore, #tpu.memory_space<semaphore_mem>>
    %dma_wait3A_137 = tpu.memref_squeeze %dma_wait3A_136 : memref<1x!tpu.dma_semaphore, #tpu.memory_space<semaphore_mem>> -> memref<!tpu.dma_semaphore, #tpu.memory_space<semaphore_mem>>
    %dma_wait3A_138 = arith.constant 0 : i32
    %dma_wait3A_139 = arith.constant 0 : i32
    %dma_wait3A_140 = tpu.memref_slice %arg6[%dma_wait3A_126, %dma_wait3A_138, %dma_wait3A_139] : memref<4x4x80xi32, #tpu.memory_space<vmem>> -> memref<1x4x80xi32, #tpu.memory_space<vmem>>
    %dma_wait3A_141 = tpu.memref_squeeze %dma_wait3A_140 : memref<1x4x80xi32, #tpu.memory_space<vmem>> -> memref<4x80xi32, #tpu.memory_space<vmem>>
    %dma_wait3A_142 = arith.constant 0 : i32
    %dma_wait3A_143 = arith.constant 0 : i32
    %dma_wait3A_144 = tpu.memref_slice %arg3[%arg0, %arg1, %dma_wait3A_125, %dma_wait3A_142, %dma_wait3A_143] : memref<2x16x254x4x80xi32, #tpu.memory_space<hbm>> -> memref<1x1x1x4x80xi32, #tpu.memory_space<hbm>>
    %dma_wait3A_145 = tpu.memref_squeeze %dma_wait3A_144 : memref<1x1x1x4x80xi32, #tpu.memory_space<hbm>> -> memref<4x80xi32, #tpu.memory_space<hbm>>
    tpu.wait_dma2 semaphore(%dma_wait3A_137 : memref<!tpu.dma_semaphore, #tpu.memory_space<semaphore_mem>>) src(%dma_wait3A_145 : memref<4x80xi32, #tpu.memory_space<hbm>>) dst(%dma_wait3A_141 : memref<4x80xi32, #tpu.memory_space<vmem>>)
    %rem3A_146 = arith.constant 1 : i32
    %rem3A_147 = arith.constant 4 : i32
    %rem3A_148 = arith.remsi %rem3A_146, %rem3A_147 : i32
    %dma_start3A_149 = arith.constant 0 : i32
    %dma_start3A_150 = arith.constant 1 : i32
    %dma_start3A_151 = arith.constant 1 : i32
    %dma_start3A_152 = arith.constant 0 : i32
    %dma_start3A_153 = arith.constant 0 : i32
    %dma_start3A_154 = tpu.memref_slice %arg7[%dma_start3A_150, %dma_start3A_152, %dma_start3A_153] : memref<2x80x128xf32, #tpu.memory_space<vmem>> -> memref<1x80x128xf32, #tpu.memory_space<vmem>>
    %dma_start3A_155 = tpu.memref_squeeze %dma_start3A_154 : memref<1x80x128xf32, #tpu.memory_space<vmem>> -> memref<80x128xf32, #tpu.memory_space<vmem>>
    %dma_start3A_156 = arith.constant 0 : i32
    %dma_start3A_157 = tpu.memref_slice %arg6[%rem3A_148, %dma_start3A_149, %dma_start3A_156] : memref<4x4x80xi32, #tpu.memory_space<vmem>> -> memref<1x1x80xi32, #tpu.memory_space<vmem>>
    %dma_start3A_158 = tpu.memref_squeeze %dma_start3A_157 : memref<1x1x80xi32, #tpu.memory_space<vmem>> -> memref<80xi32, #tpu.memory_space<vmem>>
    %dma_start3A_159 = arith.constant 0 : i32
    %dma_start3A_160 = arith.constant 0 : i32
    %dma_start3A_161 = tpu.memref_slice %arg2[%dma_start3A_159, %dma_start3A_160] : memref<10000x128xf32, #tpu.memory_space<hbm>> -> memref<10000x128xf32, #tpu.memory_space<hbm>>
    %dma_start3A_162 = tpu.memref_slice %arg9[%dma_start3A_151] : memref<2x!tpu.dma_semaphore, #tpu.memory_space<semaphore_mem>> -> memref<1x!tpu.dma_semaphore, #tpu.memory_space<semaphore_mem>>
    %dma_start3A_163 = tpu.memref_squeeze %dma_start3A_162 : memref<1x!tpu.dma_semaphore, #tpu.memory_space<semaphore_mem>> -> memref<!tpu.dma_semaphore, #tpu.memory_space<semaphore_mem>>
    tpu.enqueue_indirect_dma source(%dma_start3A_161 : memref<10000x128xf32, #tpu.memory_space<hbm>>) target(%dma_start3A_155 : memref<80x128xf32, #tpu.memory_space<vmem>>) offsets(%dma_start3A_158 : memref<80xi32, #tpu.memory_space<vmem>>) semaphore(%dma_start3A_163 : memref<!tpu.dma_semaphore, #tpu.memory_space<semaphore_mem>>)
    %scan3A = arith.constant 0 : i32
    %scan3A_164 = arith.constant 0 : i32
    %scan3A_165 = arith.constant 124 : i32
    %scan3A_166 = arith.addi %scan3A_164, %scan3A_165 : i32
    %scan3A_167 = arith.constant 1 : i32
    scf.for %scan3A_268 = %scan3A_164 to %scan3A_166 step %scan3A_167  : i32 {
      %mul3A_269 = arith.constant 2 : i32
      %mul3A_270 = arith.muli %scan3A_268, %mul3A_269 : i32
      %rem3A_271 = arith.constant 4 : i32
      %rem3A_272 = arith.remsi %mul3A_270, %rem3A_271 : i32
      %rem3A_273 = arith.constant 4 : i32
      %rem3A_274 = arith.remsi %mul3A_270, %rem3A_273 : i32
      %dma_wait3A_275 = arith.constant 0 : i32
      %dma_wait3A_276 = arith.constant 0 : i32
      %dma_wait3A_277 = arith.constant 0 : i32
      %dma_wait3A_278 = arith.constant 0 : i32
      %dma_wait3A_279 = arith.constant 0 : i32
      %dma_wait3A_280 = tpu.memref_slice %arg7[%dma_wait3A_276, %dma_wait3A_278, %dma_wait3A_279] : memref<2x80x128xf32, #tpu.memory_space<vmem>> -> memref<1x80x128xf32, #tpu.memory_space<vmem>>
      %dma_wait3A_281 = tpu.memref_squeeze %dma_wait3A_280 : memref<1x80x128xf32, #tpu.memory_space<vmem>> -> memref<80x128xf32, #tpu.memory_space<vmem>>
      %dma_wait3A_282 = arith.constant 0 : i32
      %dma_wait3A_283 = tpu.memref_slice %arg6[%rem3A_274, %dma_wait3A_275, %dma_wait3A_282] : memref<4x4x80xi32, #tpu.memory_space<vmem>> -> memref<1x1x80xi32, #tpu.memory_space<vmem>>
      %dma_wait3A_284 = tpu.memref_squeeze %dma_wait3A_283 : memref<1x1x80xi32, #tpu.memory_space<vmem>> -> memref<80xi32, #tpu.memory_space<vmem>>
      %dma_wait3A_285 = arith.constant 0 : i32
      %dma_wait3A_286 = arith.constant 0 : i32
      %dma_wait3A_287 = tpu.memref_slice %arg2[%dma_wait3A_285, %dma_wait3A_286] : memref<10000x128xf32, #tpu.memory_space<hbm>> -> memref<10000x128xf32, #tpu.memory_space<hbm>>
      %dma_wait3A_288 = tpu.memref_slice %arg9[%dma_wait3A_277] : memref<2x!tpu.dma_semaphore, #tpu.memory_space<semaphore_mem>> -> memref<1x!tpu.dma_semaphore, #tpu.memory_space<semaphore_mem>>
      %dma_wait3A_289 = tpu.memref_squeeze %dma_wait3A_288 : memref<1x!tpu.dma_semaphore, #tpu.memory_space<semaphore_mem>> -> memref<!tpu.dma_semaphore, #tpu.memory_space<semaphore_mem>>
      tpu.wait_indirect_dma semaphore(%dma_wait3A_289 : memref<!tpu.dma_semaphore, #tpu.memory_space<semaphore_mem>>) src(%dma_wait3A_287 : memref<10000x128xf32, #tpu.memory_space<hbm>>) dst(%dma_wait3A_281 : memref<80x128xf32, #tpu.memory_space<vmem>>)
      %run_scoped3A_290 = arith.constant 0 : i32
      %run_scoped3A_291 = arith.constant 1 : i32
      "tpu.region"() ({
        %run_scoped3A_442 = tpu.sem_alloc : memref<!tpu.dma_semaphore, #tpu.memory_space<semaphore_mem>>
        %dma_start3A_443 = arith.constant 0 : i32
        %dma_start3A_444 = arith.constant 0 : i32
        %dma_start3A_445 = tpu.memref_slice %arg7[%run_scoped3A_290, %dma_start3A_443, %dma_start3A_444] : memref<2x80x128xf32, #tpu.memory_space<vmem>> -> memref<1x80x128xf32, #tpu.memory_space<vmem>>
        %dma_start3A_446 = tpu.memref_squeeze %dma_start3A_445 : memref<1x80x128xf32, #tpu.memory_space<vmem>> -> memref<80x128xf32, #tpu.memory_space<vmem>>
        %dma_start3A_447 = arith.constant 0 : i32
        %dma_start3A_448 = tpu.memref_slice %arg6[%rem3A_272, %run_scoped3A_291, %dma_start3A_447] : memref<4x4x80xi32, #tpu.memory_space<vmem>> -> memref<1x1x80xi32, #tpu.memory_space<vmem>>
        %dma_start3A_449 = tpu.memref_squeeze %dma_start3A_448 : memref<1x1x80xi32, #tpu.memory_space<vmem>> -> memref<80xi32, #tpu.memory_space<vmem>>
        %dma_start3A_450 = arith.constant 0 : i32
        %dma_start3A_451 = arith.constant 0 : i32
        %dma_start3A_452 = tpu.memref_slice %arg8[%dma_start3A_450, %dma_start3A_451] : memref<5064x128xf32, #tpu.memory_space<vmem_shared>> -> memref<5064x128xf32, #tpu.memory_space<vmem_shared>>
        tpu.enqueue_indirect_dma source(%dma_start3A_446 : memref<80x128xf32, #tpu.memory_space<vmem>>) target(%dma_start3A_452 : memref<5064x128xf32, #tpu.memory_space<vmem_shared>>) offsets(%dma_start3A_449 : memref<80xi32, #tpu.memory_space<vmem>>) semaphore(%run_scoped3A_442 : memref<!tpu.dma_semaphore, #tpu.memory_space<semaphore_mem>>) {add = true}
        %dma_wait3A_453 = arith.constant 0 : i32
        %dma_wait3A_454 = arith.constant 0 : i32
        %dma_wait3A_455 = tpu.memref_slice %arg7[%run_scoped3A_290, %dma_wait3A_453, %dma_wait3A_454] : memref<2x80x128xf32, #tpu.memory_space<vmem>> -> memref<1x80x128xf32, #tpu.memory_space<vmem>>
        %dma_wait3A_456 = tpu.memref_squeeze %dma_wait3A_455 : memref<1x80x128xf32, #tpu.memory_space<vmem>> -> memref<80x128xf32, #tpu.memory_space<vmem>>
        %dma_wait3A_457 = arith.constant 0 : i32
        %dma_wait3A_458 = tpu.memref_slice %arg6[%rem3A_272, %run_scoped3A_291, %dma_wait3A_457] : memref<4x4x80xi32, #tpu.memory_space<vmem>> -> memref<1x1x80xi32, #tpu.memory_space<vmem>>
        %dma_wait3A_459 = tpu.memref_squeeze %dma_wait3A_458 : memref<1x1x80xi32, #tpu.memory_space<vmem>> -> memref<80xi32, #tpu.memory_space<vmem>>
        %dma_wait3A_460 = arith.constant 0 : i32
        %dma_wait3A_461 = arith.constant 0 : i32
        %dma_wait3A_462 = tpu.memref_slice %arg8[%dma_wait3A_460, %dma_wait3A_461] : memref<5064x128xf32, #tpu.memory_space<vmem_shared>> -> memref<5064x128xf32, #tpu.memory_space<vmem_shared>>
        tpu.wait_indirect_dma semaphore(%run_scoped3A_442 : memref<!tpu.dma_semaphore, #tpu.memory_space<semaphore_mem>>) src(%dma_wait3A_456 : memref<80x128xf32, #tpu.memory_space<vmem>>) dst(%dma_wait3A_462 : memref<5064x128xf32, #tpu.memory_space<vmem_shared>>)
        tpu.yield
      }) : () -> ()
      %add3A = arith.constant 4 : i32
      %add3A_292 = arith.addi %mul3A_270, %add3A : i32
      %dma_start3A_293 = arith.constant 0 : i32
      %dma_start3A_294 = arith.constant 0 : i32
      %dma_start3A_295 = tpu.memref_slice %arg6[%rem3A_272, %dma_start3A_293, %dma_start3A_294] : memref<4x4x80xi32, #tpu.memory_space<vmem>> -> memref<1x4x80xi32, #tpu.memory_space<vmem>>
      %dma_start3A_296 = tpu.memref_squeeze %dma_start3A_295 : memref<1x4x80xi32, #tpu.memory_space<vmem>> -> memref<4x80xi32, #tpu.memory_space<vmem>>
      %dma_start3A_297 = arith.constant 0 : i32
      %dma_start3A_298 = arith.constant 0 : i32
      %dma_start3A_299 = tpu.memref_slice %arg3[%arg0, %arg1, %add3A_292, %dma_start3A_297, %dma_start3A_298] : memref<2x16x254x4x80xi32, #tpu.memory_space<hbm>> -> memref<1x1x1x4x80xi32, #tpu.memory_space<hbm>>
      %dma_start3A_300 = tpu.memref_squeeze %dma_start3A_299 : memref<1x1x1x4x80xi32, #tpu.memory_space<hbm>> -> memref<4x80xi32, #tpu.memory_space<hbm>>
      %dma_start3A_301 = tpu.memref_slice %arg10[%rem3A_272] : memref<4x!tpu.dma_semaphore, #tpu.memory_space<semaphore_mem>> -> memref<1x!tpu.dma_semaphore, #tpu.memory_space<semaphore_mem>>
      %dma_start3A_302 = tpu.memref_squeeze %dma_start3A_301 : memref<1x!tpu.dma_semaphore, #tpu.memory_space<semaphore_mem>> -> memref<!tpu.dma_semaphore, #tpu.memory_space<semaphore_mem>>
      %dma_start3A_303 = arith.constant 0 : i32
      %dma_start3A_304 = arith.constant 0 : i32
      %dma_start3A_305 = tpu.memref_slice %arg6[%rem3A_272, %dma_start3A_303, %dma_start3A_304] : memref<4x4x80xi32, #tpu.memory_space<vmem>> -> memref<1x4x80xi32, #tpu.memory_space<vmem>>
      %dma_start3A_306 = tpu.memref_squeeze %dma_start3A_305 : memref<1x4x80xi32, #tpu.memory_space<vmem>> -> memref<4x80xi32, #tpu.memory_space<vmem>>
      %dma_start3A_307 = arith.constant 0 : i32
      %dma_start3A_308 = arith.constant 0 : i32
      %dma_start3A_309 = tpu.memref_slice %arg3[%arg0, %arg1, %add3A_292, %dma_start3A_307, %dma_start3A_308] : memref<2x16x254x4x80xi32, #tpu.memory_space<hbm>> -> memref<1x1x1x4x80xi32, #tpu.memory_space<hbm>>
      %dma_start3A_310 = tpu.memref_squeeze %dma_start3A_309 : memref<1x1x1x4x80xi32, #tpu.memory_space<hbm>> -> memref<4x80xi32, #tpu.memory_space<hbm>>
      tpu.enqueue_dma source(%dma_start3A_310 : memref<4x80xi32, #tpu.memory_space<hbm>>) target(%dma_start3A_306 : memref<4x80xi32, #tpu.memory_space<vmem>>) target_semaphore(%dma_start3A_302 : memref<!tpu.dma_semaphore, #tpu.memory_space<semaphore_mem>>)
      %add3A_311 = arith.constant 2 : i32
      %add3A_312 = arith.addi %mul3A_270, %add3A_311 : i32
      %add3A_313 = arith.constant 2 : i32
      %add3A_314 = arith.addi %mul3A_270, %add3A_313 : i32
      %rem3A_315 = arith.constant 4 : i32
      %rem3A_316 = arith.remsi %add3A_314, %rem3A_315 : i32
      %dma_wait3A_317 = arith.constant 0 : i32
      %dma_wait3A_318 = arith.constant 0 : i32
      %dma_wait3A_319 = tpu.memref_slice %arg6[%rem3A_316, %dma_wait3A_317, %dma_wait3A_318] : memref<4x4x80xi32, #tpu.memory_space<vmem>> -> memref<1x4x80xi32, #tpu.memory_space<vmem>>
      %dma_wait3A_320 = tpu.memref_squeeze %dma_wait3A_319 : memref<1x4x80xi32, #tpu.memory_space<vmem>> -> memref<4x80xi32, #tpu.memory_space<vmem>>
      %dma_wait3A_321 = arith.constant 0 : i32
      %dma_wait3A_322 = arith.constant 0 : i32
      %dma_wait3A_323 = tpu.memref_slice %arg3[%arg0, %arg1, %add3A_312, %dma_wait3A_321, %dma_wait3A_322] : memref<2x16x254x4x80xi32, #tpu.memory_space<hbm>> -> memref<1x1x1x4x80xi32, #tpu.memory_space<hbm>>
      %dma_wait3A_324 = tpu.memref_squeeze %dma_wait3A_323 : memref<1x1x1x4x80xi32, #tpu.memory_space<hbm>> -> memref<4x80xi32, #tpu.memory_space<hbm>>
      %dma_wait3A_325 = tpu.memref_slice %arg10[%rem3A_316] : memref<4x!tpu.dma_semaphore, #tpu.memory_space<semaphore_mem>> -> memref<1x!tpu.dma_semaphore, #tpu.memory_space<semaphore_mem>>
      %dma_wait3A_326 = tpu.memref_squeeze %dma_wait3A_325 : memref<1x!tpu.dma_semaphore, #tpu.memory_space<semaphore_mem>> -> memref<!tpu.dma_semaphore, #tpu.memory_space<semaphore_mem>>
      %dma_wait3A_327 = arith.constant 0 : i32
      %dma_wait3A_328 = arith.constant 0 : i32
      %dma_wait3A_329 = tpu.memref_slice %arg6[%rem3A_316, %dma_wait3A_327, %dma_wait3A_328] : memref<4x4x80xi32, #tpu.memory_space<vmem>> -> memref<1x4x80xi32, #tpu.memory_space<vmem>>
      %dma_wait3A_330 = tpu.memref_squeeze %dma_wait3A_329 : memref<1x4x80xi32, #tpu.memory_space<vmem>> -> memref<4x80xi32, #tpu.memory_space<vmem>>
      %dma_wait3A_331 = arith.constant 0 : i32
      %dma_wait3A_332 = arith.constant 0 : i32
      %dma_wait3A_333 = tpu.memref_slice %arg3[%arg0, %arg1, %add3A_312, %dma_wait3A_331, %dma_wait3A_332] : memref<2x16x254x4x80xi32, #tpu.memory_space<hbm>> -> memref<1x1x1x4x80xi32, #tpu.memory_space<hbm>>
      %dma_wait3A_334 = tpu.memref_squeeze %dma_wait3A_333 : memref<1x1x1x4x80xi32, #tpu.memory_space<hbm>> -> memref<4x80xi32, #tpu.memory_space<hbm>>
      tpu.wait_dma2 semaphore(%dma_wait3A_326 : memref<!tpu.dma_semaphore, #tpu.memory_space<semaphore_mem>>) src(%dma_wait3A_334 : memref<4x80xi32, #tpu.memory_space<hbm>>) dst(%dma_wait3A_330 : memref<4x80xi32, #tpu.memory_space<vmem>>)
      %add3A_335 = arith.constant 2 : i32
      %add3A_336 = arith.addi %mul3A_270, %add3A_335 : i32
      %rem3A_337 = arith.constant 4 : i32
      %rem3A_338 = arith.remsi %add3A_336, %rem3A_337 : i32
      %dma_start3A_339 = arith.constant 0 : i32
      %dma_start3A_340 = arith.constant 0 : i32
      %dma_start3A_341 = arith.constant 0 : i32
      %dma_start3A_342 = arith.constant 0 : i32
      %dma_start3A_343 = arith.constant 0 : i32
      %dma_start3A_344 = tpu.memref_slice %arg7[%dma_start3A_340, %dma_start3A_342, %dma_start3A_343] : memref<2x80x128xf32, #tpu.memory_space<vmem>> -> memref<1x80x128xf32, #tpu.memory_space<vmem>>
      %dma_start3A_345 = tpu.memref_squeeze %dma_start3A_344 : memref<1x80x128xf32, #tpu.memory_space<vmem>> -> memref<80x128xf32, #tpu.memory_space<vmem>>
      %dma_start3A_346 = arith.constant 0 : i32
      %dma_start3A_347 = tpu.memref_slice %arg6[%rem3A_338, %dma_start3A_339, %dma_start3A_346] : memref<4x4x80xi32, #tpu.memory_space<vmem>> -> memref<1x1x80xi32, #tpu.memory_space<vmem>>
      %dma_start3A_348 = tpu.memref_squeeze %dma_start3A_347 : memref<1x1x80xi32, #tpu.memory_space<vmem>> -> memref<80xi32, #tpu.memory_space<vmem>>
      %dma_start3A_349 = arith.constant 0 : i32
      %dma_start3A_350 = arith.constant 0 : i32
      %dma_start3A_351 = tpu.memref_slice %arg2[%dma_start3A_349, %dma_start3A_350] : memref<10000x128xf32, #tpu.memory_space<hbm>> -> memref<10000x128xf32, #tpu.memory_space<hbm>>
      %dma_start3A_352 = tpu.memref_slice %arg9[%dma_start3A_341] : memref<2x!tpu.dma_semaphore, #tpu.memory_space<semaphore_mem>> -> memref<1x!tpu.dma_semaphore, #tpu.memory_space<semaphore_mem>>
      %dma_start3A_353 = tpu.memref_squeeze %dma_start3A_352 : memref<1x!tpu.dma_semaphore, #tpu.memory_space<semaphore_mem>> -> memref<!tpu.dma_semaphore, #tpu.memory_space<semaphore_mem>>
      tpu.enqueue_indirect_dma source(%dma_start3A_351 : memref<10000x128xf32, #tpu.memory_space<hbm>>) target(%dma_start3A_345 : memref<80x128xf32, #tpu.memory_space<vmem>>) offsets(%dma_start3A_348 : memref<80xi32, #tpu.memory_space<vmem>>) semaphore(%dma_start3A_353 : memref<!tpu.dma_semaphore, #tpu.memory_space<semaphore_mem>>)
      %mul3A_354 = arith.constant 2 : i32
      %mul3A_355 = arith.muli %scan3A_268, %mul3A_354 : i32
      %add3A_356 = arith.constant 1 : i32
      %add3A_357 = arith.addi %mul3A_355, %add3A_356 : i32
      %rem3A_358 = arith.constant 4 : i32
      %rem3A_359 = arith.remsi %add3A_357, %rem3A_358 : i32
      %rem3A_360 = arith.constant 4 : i32
      %rem3A_361 = arith.remsi %add3A_357, %rem3A_360 : i32
      %dma_wait3A_362 = arith.constant 0 : i32
      %dma_wait3A_363 = arith.constant 1 : i32
      %dma_wait3A_364 = arith.constant 1 : i32
      %dma_wait3A_365 = arith.constant 0 : i32
      %dma_wait3A_366 = arith.constant 0 : i32
      %dma_wait3A_367 = tpu.memref_slice %arg7[%dma_wait3A_363, %dma_wait3A_365, %dma_wait3A_366] : memref<2x80x128xf32, #tpu.memory_space<vmem>> -> memref<1x80x128xf32, #tpu.memory_space<vmem>>
      %dma_wait3A_368 = tpu.memref_squeeze %dma_wait3A_367 : memref<1x80x128xf32, #tpu.memory_space<vmem>> -> memref<80x128xf32, #tpu.memory_space<vmem>>
      %dma_wait3A_369 = arith.constant 0 : i32
      %dma_wait3A_370 = tpu.memref_slice %arg6[%rem3A_361, %dma_wait3A_362, %dma_wait3A_369] : memref<4x4x80xi32, #tpu.memory_space<vmem>> -> memref<1x1x80xi32, #tpu.memory_space<vmem>>
      %dma_wait3A_371 = tpu.memref_squeeze %dma_wait3A_370 : memref<1x1x80xi32, #tpu.memory_space<vmem>> -> memref<80xi32, #tpu.memory_space<vmem>>
      %dma_wait3A_372 = arith.constant 0 : i32
      %dma_wait3A_373 = arith.constant 0 : i32
      %dma_wait3A_374 = tpu.memref_slice %arg2[%dma_wait3A_372, %dma_wait3A_373] : memref<10000x128xf32, #tpu.memory_space<hbm>> -> memref<10000x128xf32, #tpu.memory_space<hbm>>
      %dma_wait3A_375 = tpu.memref_slice %arg9[%dma_wait3A_364] : memref<2x!tpu.dma_semaphore, #tpu.memory_space<semaphore_mem>> -> memref<1x!tpu.dma_semaphore, #tpu.memory_space<semaphore_mem>>
      %dma_wait3A_376 = tpu.memref_squeeze %dma_wait3A_375 : memref<1x!tpu.dma_semaphore, #tpu.memory_space<semaphore_mem>> -> memref<!tpu.dma_semaphore, #tpu.memory_space<semaphore_mem>>
      tpu.wait_indirect_dma semaphore(%dma_wait3A_376 : memref<!tpu.dma_semaphore, #tpu.memory_space<semaphore_mem>>) src(%dma_wait3A_374 : memref<10000x128xf32, #tpu.memory_space<hbm>>) dst(%dma_wait3A_368 : memref<80x128xf32, #tpu.memory_space<vmem>>)
      %run_scoped3A_377 = arith.constant 1 : i32
      %run_scoped3A_378 = arith.constant 1 : i32
      "tpu.region"() ({
        %run_scoped3A_442 = tpu.sem_alloc : memref<!tpu.dma_semaphore, #tpu.memory_space<semaphore_mem>>
        %dma_start3A_443 = arith.constant 0 : i32
        %dma_start3A_444 = arith.constant 0 : i32
        %dma_start3A_445 = tpu.memref_slice %arg7[%run_scoped3A_377, %dma_start3A_443, %dma_start3A_444] : memref<2x80x128xf32, #tpu.memory_space<vmem>> -> memref<1x80x128xf32, #tpu.memory_space<vmem>>
        %dma_start3A_446 = tpu.memref_squeeze %dma_start3A_445 : memref<1x80x128xf32, #tpu.memory_space<vmem>> -> memref<80x128xf32, #tpu.memory_space<vmem>>
        %dma_start3A_447 = arith.constant 0 : i32
        %dma_start3A_448 = tpu.memref_slice %arg6[%rem3A_359, %run_scoped3A_378, %dma_start3A_447] : memref<4x4x80xi32, #tpu.memory_space<vmem>> -> memref<1x1x80xi32, #tpu.memory_space<vmem>>
        %dma_start3A_449 = tpu.memref_squeeze %dma_start3A_448 : memref<1x1x80xi32, #tpu.memory_space<vmem>> -> memref<80xi32, #tpu.memory_space<vmem>>
        %dma_start3A_450 = arith.constant 0 : i32
        %dma_start3A_451 = arith.constant 0 : i32
        %dma_start3A_452 = tpu.memref_slice %arg8[%dma_start3A_450, %dma_start3A_451] : memref<5064x128xf32, #tpu.memory_space<vmem_shared>> -> memref<5064x128xf32, #tpu.memory_space<vmem_shared>>
        tpu.enqueue_indirect_dma source(%dma_start3A_446 : memref<80x128xf32, #tpu.memory_space<vmem>>) target(%dma_start3A_452 : memref<5064x128xf32, #tpu.memory_space<vmem_shared>>) offsets(%dma_start3A_449 : memref<80xi32, #tpu.memory_space<vmem>>) semaphore(%run_scoped3A_442 : memref<!tpu.dma_semaphore, #tpu.memory_space<semaphore_mem>>) {add = true}
        %dma_wait3A_453 = arith.constant 0 : i32
        %dma_wait3A_454 = arith.constant 0 : i32
        %dma_wait3A_455 = tpu.memref_slice %arg7[%run_scoped3A_377, %dma_wait3A_453, %dma_wait3A_454] : memref<2x80x128xf32, #tpu.memory_space<vmem>> -> memref<1x80x128xf32, #tpu.memory_space<vmem>>
        %dma_wait3A_456 = tpu.memref_squeeze %dma_wait3A_455 : memref<1x80x128xf32, #tpu.memory_space<vmem>> -> memref<80x128xf32, #tpu.memory_space<vmem>>
        %dma_wait3A_457 = arith.constant 0 : i32
        %dma_wait3A_458 = tpu.memref_slice %arg6[%rem3A_359, %run_scoped3A_378, %dma_wait3A_457] : memref<4x4x80xi32, #tpu.memory_space<vmem>> -> memref<1x1x80xi32, #tpu.memory_space<vmem>>
        %dma_wait3A_459 = tpu.memref_squeeze %dma_wait3A_458 : memref<1x1x80xi32, #tpu.memory_space<vmem>> -> memref<80xi32, #tpu.memory_space<vmem>>
        %dma_wait3A_460 = arith.constant 0 : i32
        %dma_wait3A_461 = arith.constant 0 : i32
        %dma_wait3A_462 = tpu.memref_slice %arg8[%dma_wait3A_460, %dma_wait3A_461] : memref<5064x128xf32, #tpu.memory_space<vmem_shared>> -> memref<5064x128xf32, #tpu.memory_space<vmem_shared>>
        tpu.wait_indirect_dma semaphore(%run_scoped3A_442 : memref<!tpu.dma_semaphore, #tpu.memory_space<semaphore_mem>>) src(%dma_wait3A_456 : memref<80x128xf32, #tpu.memory_space<vmem>>) dst(%dma_wait3A_462 : memref<5064x128xf32, #tpu.memory_space<vmem_shared>>)
        tpu.yield
      }) : () -> ()
      %add3A_379 = arith.constant 4 : i32
      %add3A_380 = arith.addi %add3A_357, %add3A_379 : i32
      %dma_start3A_381 = arith.constant 0 : i32
      %dma_start3A_382 = arith.constant 0 : i32
      %dma_start3A_383 = tpu.memref_slice %arg6[%rem3A_359, %dma_start3A_381, %dma_start3A_382] : memref<4x4x80xi32, #tpu.memory_space<vmem>> -> memref<1x4x80xi32, #tpu.memory_space<vmem>>
      %dma_start3A_384 = tpu.memref_squeeze %dma_start3A_383 : memref<1x4x80xi32, #tpu.memory_space<vmem>> -> memref<4x80xi32, #tpu.memory_space<vmem>>
      %dma_start3A_385 = arith.constant 0 : i32
      %dma_start3A_386 = arith.constant 0 : i32
      %dma_start3A_387 = tpu.memref_slice %arg3[%arg0, %arg1, %add3A_380, %dma_start3A_385, %dma_start3A_386] : memref<2x16x254x4x80xi32, #tpu.memory_space<hbm>> -> memref<1x1x1x4x80xi32, #tpu.memory_space<hbm>>
      %dma_start3A_388 = tpu.memref_squeeze %dma_start3A_387 : memref<1x1x1x4x80xi32, #tpu.memory_space<hbm>> -> memref<4x80xi32, #tpu.memory_space<hbm>>
      %dma_start3A_389 = tpu.memref_slice %arg10[%rem3A_359] : memref<4x!tpu.dma_semaphore, #tpu.memory_space<semaphore_mem>> -> memref<1x!tpu.dma_semaphore, #tpu.memory_space<semaphore_mem>>
      %dma_start3A_390 = tpu.memref_squeeze %dma_start3A_389 : memref<1x!tpu.dma_semaphore, #tpu.memory_space<semaphore_mem>> -> memref<!tpu.dma_semaphore, #tpu.memory_space<semaphore_mem>>
      %dma_start3A_391 = arith.constant 0 : i32
      %dma_start3A_392 = arith.constant 0 : i32
      %dma_start3A_393 = tpu.memref_slice %arg6[%rem3A_359, %dma_start3A_391, %dma_start3A_392] : memref<4x4x80xi32, #tpu.memory_space<vmem>> -> memref<1x4x80xi32, #tpu.memory_space<vmem>>
      %dma_start3A_394 = tpu.memref_squeeze %dma_start3A_393 : memref<1x4x80xi32, #tpu.memory_space<vmem>> -> memref<4x80xi32, #tpu.memory_space<vmem>>
      %dma_start3A_395 = arith.constant 0 : i32
      %dma_start3A_396 = arith.constant 0 : i32
      %dma_start3A_397 = tpu.memref_slice %arg3[%arg0, %arg1, %add3A_380, %dma_start3A_395, %dma_start3A_396] : memref<2x16x254x4x80xi32, #tpu.memory_space<hbm>> -> memref<1x1x1x4x80xi32, #tpu.memory_space<hbm>>
      %dma_start3A_398 = tpu.memref_squeeze %dma_start3A_397 : memref<1x1x1x4x80xi32, #tpu.memory_space<hbm>> -> memref<4x80xi32, #tpu.memory_space<hbm>>
      tpu.enqueue_dma source(%dma_start3A_398 : memref<4x80xi32, #tpu.memory_space<hbm>>) target(%dma_start3A_394 : memref<4x80xi32, #tpu.memory_space<vmem>>) target_semaphore(%dma_start3A_390 : memref<!tpu.dma_semaphore, #tpu.memory_space<semaphore_mem>>)
      %add3A_399 = arith.constant 2 : i32
      %add3A_400 = arith.addi %add3A_357, %add3A_399 : i32
      %add3A_401 = arith.constant 2 : i32
      %add3A_402 = arith.addi %add3A_357, %add3A_401 : i32
      %rem3A_403 = arith.constant 4 : i32
      %rem3A_404 = arith.remsi %add3A_402, %rem3A_403 : i32
      %dma_wait3A_405 = arith.constant 0 : i32
      %dma_wait3A_406 = arith.constant 0 : i32
      %dma_wait3A_407 = tpu.memref_slice %arg6[%rem3A_404, %dma_wait3A_405, %dma_wait3A_406] : memref<4x4x80xi32, #tpu.memory_space<vmem>> -> memref<1x4x80xi32, #tpu.memory_space<vmem>>
      %dma_wait3A_408 = tpu.memref_squeeze %dma_wait3A_407 : memref<1x4x80xi32, #tpu.memory_space<vmem>> -> memref<4x80xi32, #tpu.memory_space<vmem>>
      %dma_wait3A_409 = arith.constant 0 : i32
      %dma_wait3A_410 = arith.constant 0 : i32
      %dma_wait3A_411 = tpu.memref_slice %arg3[%arg0, %arg1, %add3A_400, %dma_wait3A_409, %dma_wait3A_410] : memref<2x16x254x4x80xi32, #tpu.memory_space<hbm>> -> memref<1x1x1x4x80xi32, #tpu.memory_space<hbm>>
      %dma_wait3A_412 = tpu.memref_squeeze %dma_wait3A_411 : memref<1x1x1x4x80xi32, #tpu.memory_space<hbm>> -> memref<4x80xi32, #tpu.memory_space<hbm>>
      %dma_wait3A_413 = tpu.memref_slice %arg10[%rem3A_404] : memref<4x!tpu.dma_semaphore, #tpu.memory_space<semaphore_mem>> -> memref<1x!tpu.dma_semaphore, #tpu.memory_space<semaphore_mem>>
      %dma_wait3A_414 = tpu.memref_squeeze %dma_wait3A_413 : memref<1x!tpu.dma_semaphore, #tpu.memory_space<semaphore_mem>> -> memref<!tpu.dma_semaphore, #tpu.memory_space<semaphore_mem>>
      %dma_wait3A_415 = arith.constant 0 : i32
      %dma_wait3A_416 = arith.constant 0 : i32
      %dma_wait3A_417 = tpu.memref_slice %arg6[%rem3A_404, %dma_wait3A_415, %dma_wait3A_416] : memref<4x4x80xi32, #tpu.memory_space<vmem>> -> memref<1x4x80xi32, #tpu.memory_space<vmem>>
      %dma_wait3A_418 = tpu.memref_squeeze %dma_wait3A_417 : memref<1x4x80xi32, #tpu.memory_space<vmem>> -> memref<4x80xi32, #tpu.memory_space<vmem>>
      %dma_wait3A_419 = arith.constant 0 : i32
      %dma_wait3A_420 = arith.constant 0 : i32
      %dma_wait3A_421 = tpu.memref_slice %arg3[%arg0, %arg1, %add3A_400, %dma_wait3A_419, %dma_wait3A_420] : memref<2x16x254x4x80xi32, #tpu.memory_space<hbm>> -> memref<1x1x1x4x80xi32, #tpu.memory_space<hbm>>
      %dma_wait3A_422 = tpu.memref_squeeze %dma_wait3A_421 : memref<1x1x1x4x80xi32, #tpu.memory_space<hbm>> -> memref<4x80xi32, #tpu.memory_space<hbm>>
      tpu.wait_dma2 semaphore(%dma_wait3A_414 : memref<!tpu.dma_semaphore, #tpu.memory_space<semaphore_mem>>) src(%dma_wait3A_422 : memref<4x80xi32, #tpu.memory_space<hbm>>) dst(%dma_wait3A_418 : memref<4x80xi32, #tpu.memory_space<vmem>>)
      %add3A_423 = arith.constant 2 : i32
      %add3A_424 = arith.addi %add3A_357, %add3A_423 : i32
      %rem3A_425 = arith.constant 4 : i32
      %rem3A_426 = arith.remsi %add3A_424, %rem3A_425 : i32
      %dma_start3A_427 = arith.constant 0 : i32
      %dma_start3A_428 = arith.constant 1 : i32
      %dma_start3A_429 = arith.constant 1 : i32
      %dma_start3A_430 = arith.constant 0 : i32
      %dma_start3A_431 = arith.constant 0 : i32
      %dma_start3A_432 = tpu.memref_slice %arg7[%dma_start3A_428, %dma_start3A_430, %dma_start3A_431] : memref<2x80x128xf32, #tpu.memory_space<vmem>> -> memref<1x80x128xf32, #tpu.memory_space<vmem>>
      %dma_start3A_433 = tpu.memref_squeeze %dma_start3A_432 : memref<1x80x128xf32, #tpu.memory_space<vmem>> -> memref<80x128xf32, #tpu.memory_space<vmem>>
      %dma_start3A_434 = arith.constant 0 : i32
      %dma_start3A_435 = tpu.memref_slice %arg6[%rem3A_426, %dma_start3A_427, %dma_start3A_434] : memref<4x4x80xi32, #tpu.memory_space<vmem>> -> memref<1x1x80xi32, #tpu.memory_space<vmem>>
      %dma_start3A_436 = tpu.memref_squeeze %dma_start3A_435 : memref<1x1x80xi32, #tpu.memory_space<vmem>> -> memref<80xi32, #tpu.memory_space<vmem>>
      %dma_start3A_437 = arith.constant 0 : i32
      %dma_start3A_438 = arith.constant 0 : i32
      %dma_start3A_439 = tpu.memref_slice %arg2[%dma_start3A_437, %dma_start3A_438] : memref<10000x128xf32, #tpu.memory_space<hbm>> -> memref<10000x128xf32, #tpu.memory_space<hbm>>
      %dma_start3A_440 = tpu.memref_slice %arg9[%dma_start3A_429] : memref<2x!tpu.dma_semaphore, #tpu.memory_space<semaphore_mem>> -> memref<1x!tpu.dma_semaphore, #tpu.memory_space<semaphore_mem>>
      %dma_start3A_441 = tpu.memref_squeeze %dma_start3A_440 : memref<1x!tpu.dma_semaphore, #tpu.memory_space<semaphore_mem>> -> memref<!tpu.dma_semaphore, #tpu.memory_space<semaphore_mem>>
      tpu.enqueue_indirect_dma source(%dma_start3A_439 : memref<10000x128xf32, #tpu.memory_space<hbm>>) target(%dma_start3A_433 : memref<80x128xf32, #tpu.memory_space<vmem>>) offsets(%dma_start3A_436 : memref<80xi32, #tpu.memory_space<vmem>>) semaphore(%dma_start3A_441 : memref<!tpu.dma_semaphore, #tpu.memory_space<semaphore_mem>>)
    }
    %scan3A_168 = arith.constant 124 : i32
    %rem3A_169 = arith.constant 248 : i32
    %rem3A_170 = arith.constant 4 : i32
    %rem3A_171 = arith.remsi %rem3A_169, %rem3A_170 : i32
    %rem3A_172 = arith.constant 248 : i32
    %rem3A_173 = arith.constant 4 : i32
    %rem3A_174 = arith.remsi %rem3A_172, %rem3A_173 : i32
    %dma_wait3A_175 = arith.constant 0 : i32
    %dma_wait3A_176 = arith.constant 0 : i32
    %dma_wait3A_177 = arith.constant 0 : i32
    %dma_wait3A_178 = arith.constant 0 : i32
    %dma_wait3A_179 = arith.constant 0 : i32
    %dma_wait3A_180 = tpu.memref_slice %arg7[%dma_wait3A_176, %dma_wait3A_178, %dma_wait3A_179] : memref<2x80x128xf32, #tpu.memory_space<vmem>> -> memref<1x80x128xf32, #tpu.memory_space<vmem>>
    %dma_wait3A_181 = tpu.memref_squeeze %dma_wait3A_180 : memref<1x80x128xf32, #tpu.memory_space<vmem>> -> memref<80x128xf32, #tpu.memory_space<vmem>>
    %dma_wait3A_182 = arith.constant 0 : i32
    %dma_wait3A_183 = tpu.memref_slice %arg6[%rem3A_174, %dma_wait3A_175, %dma_wait3A_182] : memref<4x4x80xi32, #tpu.memory_space<vmem>> -> memref<1x1x80xi32, #tpu.memory_space<vmem>>
    %dma_wait3A_184 = tpu.memref_squeeze %dma_wait3A_183 : memref<1x1x80xi32, #tpu.memory_space<vmem>> -> memref<80xi32, #tpu.memory_space<vmem>>
    %dma_wait3A_185 = arith.constant 0 : i32
    %dma_wait3A_186 = arith.constant 0 : i32
    %dma_wait3A_187 = tpu.memref_slice %arg2[%dma_wait3A_185, %dma_wait3A_186] : memref<10000x128xf32, #tpu.memory_space<hbm>> -> memref<10000x128xf32, #tpu.memory_space<hbm>>
    %dma_wait3A_188 = tpu.memref_slice %arg9[%dma_wait3A_177] : memref<2x!tpu.dma_semaphore, #tpu.memory_space<semaphore_mem>> -> memref<1x!tpu.dma_semaphore, #tpu.memory_space<semaphore_mem>>
    %dma_wait3A_189 = tpu.memref_squeeze %dma_wait3A_188 : memref<1x!tpu.dma_semaphore, #tpu.memory_space<semaphore_mem>> -> memref<!tpu.dma_semaphore, #tpu.memory_space<semaphore_mem>>
    tpu.wait_indirect_dma semaphore(%dma_wait3A_189 : memref<!tpu.dma_semaphore, #tpu.memory_space<semaphore_mem>>) src(%dma_wait3A_187 : memref<10000x128xf32, #tpu.memory_space<hbm>>) dst(%dma_wait3A_181 : memref<80x128xf32, #tpu.memory_space<vmem>>)
    %run_scoped3A = arith.constant 0 : i32
    %run_scoped3A_190 = arith.constant 1 : i32
    "tpu.region"() ({
      %run_scoped3A_268 = tpu.sem_alloc : memref<!tpu.dma_semaphore, #tpu.memory_space<semaphore_mem>>
      %dma_start3A_269 = arith.constant 0 : i32
      %dma_start3A_270 = arith.constant 0 : i32
      %dma_start3A_271 = tpu.memref_slice %arg7[%run_scoped3A, %dma_start3A_269, %dma_start3A_270] : memref<2x80x128xf32, #tpu.memory_space<vmem>> -> memref<1x80x128xf32, #tpu.memory_space<vmem>>
      %dma_start3A_272 = tpu.memref_squeeze %dma_start3A_271 : memref<1x80x128xf32, #tpu.memory_space<vmem>> -> memref<80x128xf32, #tpu.memory_space<vmem>>
      %dma_start3A_273 = arith.constant 0 : i32
      %dma_start3A_274 = tpu.memref_slice %arg6[%rem3A_171, %run_scoped3A_190, %dma_start3A_273] : memref<4x4x80xi32, #tpu.memory_space<vmem>> -> memref<1x1x80xi32, #tpu.memory_space<vmem>>
      %dma_start3A_275 = tpu.memref_squeeze %dma_start3A_274 : memref<1x1x80xi32, #tpu.memory_space<vmem>> -> memref<80xi32, #tpu.memory_space<vmem>>
      %dma_start3A_276 = arith.constant 0 : i32
      %dma_start3A_277 = arith.constant 0 : i32
      %dma_start3A_278 = tpu.memref_slice %arg8[%dma_start3A_276, %dma_start3A_277] : memref<5064x128xf32, #tpu.memory_space<vmem_shared>> -> memref<5064x128xf32, #tpu.memory_space<vmem_shared>>
      tpu.enqueue_indirect_dma source(%dma_start3A_272 : memref<80x128xf32, #tpu.memory_space<vmem>>) target(%dma_start3A_278 : memref<5064x128xf32, #tpu.memory_space<vmem_shared>>) offsets(%dma_start3A_275 : memref<80xi32, #tpu.memory_space<vmem>>) semaphore(%run_scoped3A_268 : memref<!tpu.dma_semaphore, #tpu.memory_space<semaphore_mem>>) {add = true}
      %dma_wait3A_279 = arith.constant 0 : i32
      %dma_wait3A_280 = arith.constant 0 : i32
      %dma_wait3A_281 = tpu.memref_slice %arg7[%run_scoped3A, %dma_wait3A_279, %dma_wait3A_280] : memref<2x80x128xf32, #tpu.memory_space<vmem>> -> memref<1x80x128xf32, #tpu.memory_space<vmem>>
      %dma_wait3A_282 = tpu.memref_squeeze %dma_wait3A_281 : memref<1x80x128xf32, #tpu.memory_space<vmem>> -> memref<80x128xf32, #tpu.memory_space<vmem>>
      %dma_wait3A_283 = arith.constant 0 : i32
      %dma_wait3A_284 = tpu.memref_slice %arg6[%rem3A_171, %run_scoped3A_190, %dma_wait3A_283] : memref<4x4x80xi32, #tpu.memory_space<vmem>> -> memref<1x1x80xi32, #tpu.memory_space<vmem>>
      %dma_wait3A_285 = tpu.memref_squeeze %dma_wait3A_284 : memref<1x1x80xi32, #tpu.memory_space<vmem>> -> memref<80xi32, #tpu.memory_space<vmem>>
      %dma_wait3A_286 = arith.constant 0 : i32
      %dma_wait3A_287 = arith.constant 0 : i32
      %dma_wait3A_288 = tpu.memref_slice %arg8[%dma_wait3A_286, %dma_wait3A_287] : memref<5064x128xf32, #tpu.memory_space<vmem_shared>> -> memref<5064x128xf32, #tpu.memory_space<vmem_shared>>
      tpu.wait_indirect_dma semaphore(%run_scoped3A_268 : memref<!tpu.dma_semaphore, #tpu.memory_space<semaphore_mem>>) src(%dma_wait3A_282 : memref<80x128xf32, #tpu.memory_space<vmem>>) dst(%dma_wait3A_288 : memref<5064x128xf32, #tpu.memory_space<vmem_shared>>)
      tpu.yield
    }) : () -> ()
    %rem3A_191 = arith.constant 249 : i32
    %rem3A_192 = arith.constant 4 : i32
    %rem3A_193 = arith.remsi %rem3A_191, %rem3A_192 : i32
    %rem3A_194 = arith.constant 249 : i32
    %rem3A_195 = arith.constant 4 : i32
    %rem3A_196 = arith.remsi %rem3A_194, %rem3A_195 : i32
    %dma_wait3A_197 = arith.constant 0 : i32
    %dma_wait3A_198 = arith.constant 1 : i32
    %dma_wait3A_199 = arith.constant 1 : i32
    %dma_wait3A_200 = arith.constant 0 : i32
    %dma_wait3A_201 = arith.constant 0 : i32
    %dma_wait3A_202 = tpu.memref_slice %arg7[%dma_wait3A_198, %dma_wait3A_200, %dma_wait3A_201] : memref<2x80x128xf32, #tpu.memory_space<vmem>> -> memref<1x80x128xf32, #tpu.memory_space<vmem>>
    %dma_wait3A_203 = tpu.memref_squeeze %dma_wait3A_202 : memref<1x80x128xf32, #tpu.memory_space<vmem>> -> memref<80x128xf32, #tpu.memory_space<vmem>>
    %dma_wait3A_204 = arith.constant 0 : i32
    %dma_wait3A_205 = tpu.memref_slice %arg6[%rem3A_196, %dma_wait3A_197, %dma_wait3A_204] : memref<4x4x80xi32, #tpu.memory_space<vmem>> -> memref<1x1x80xi32, #tpu.memory_space<vmem>>
    %dma_wait3A_206 = tpu.memref_squeeze %dma_wait3A_205 : memref<1x1x80xi32, #tpu.memory_space<vmem>> -> memref<80xi32, #tpu.memory_space<vmem>>
    %dma_wait3A_207 = arith.constant 0 : i32
    %dma_wait3A_208 = arith.constant 0 : i32
    %dma_wait3A_209 = tpu.memref_slice %arg2[%dma_wait3A_207, %dma_wait3A_208] : memref<10000x128xf32, #tpu.memory_space<hbm>> -> memref<10000x128xf32, #tpu.memory_space<hbm>>
    %dma_wait3A_210 = tpu.memref_slice %arg9[%dma_wait3A_199] : memref<2x!tpu.dma_semaphore, #tpu.memory_space<semaphore_mem>> -> memref<1x!tpu.dma_semaphore, #tpu.memory_space<semaphore_mem>>
    %dma_wait3A_211 = tpu.memref_squeeze %dma_wait3A_210 : memref<1x!tpu.dma_semaphore, #tpu.memory_space<semaphore_mem>> -> memref<!tpu.dma_semaphore, #tpu.memory_space<semaphore_mem>>
    tpu.wait_indirect_dma semaphore(%dma_wait3A_211 : memref<!tpu.dma_semaphore, #tpu.memory_space<semaphore_mem>>) src(%dma_wait3A_209 : memref<10000x128xf32, #tpu.memory_space<hbm>>) dst(%dma_wait3A_203 : memref<80x128xf32, #tpu.memory_space<vmem>>)
    %run_scoped3A_212 = arith.constant 1 : i32
    %run_scoped3A_213 = arith.constant 1 : i32
    "tpu.region"() ({
      %run_scoped3A_268 = tpu.sem_alloc : memref<!tpu.dma_semaphore, #tpu.memory_space<semaphore_mem>>
      %dma_start3A_269 = arith.constant 0 : i32
      %dma_start3A_270 = arith.constant 0 : i32
      %dma_start3A_271 = tpu.memref_slice %arg7[%run_scoped3A_212, %dma_start3A_269, %dma_start3A_270] : memref<2x80x128xf32, #tpu.memory_space<vmem>> -> memref<1x80x128xf32, #tpu.memory_space<vmem>>
      %dma_start3A_272 = tpu.memref_squeeze %dma_start3A_271 : memref<1x80x128xf32, #tpu.memory_space<vmem>> -> memref<80x128xf32, #tpu.memory_space<vmem>>
      %dma_start3A_273 = arith.constant 0 : i32
      %dma_start3A_274 = tpu.memref_slice %arg6[%rem3A_193, %run_scoped3A_213, %dma_start3A_273] : memref<4x4x80xi32, #tpu.memory_space<vmem>> -> memref<1x1x80xi32, #tpu.memory_space<vmem>>
      %dma_start3A_275 = tpu.memref_squeeze %dma_start3A_274 : memref<1x1x80xi32, #tpu.memory_space<vmem>> -> memref<80xi32, #tpu.memory_space<vmem>>
      %dma_start3A_276 = arith.constant 0 : i32
      %dma_start3A_277 = arith.constant 0 : i32
      %dma_start3A_278 = tpu.memref_slice %arg8[%dma_start3A_276, %dma_start3A_277] : memref<5064x128xf32, #tpu.memory_space<vmem_shared>> -> memref<5064x128xf32, #tpu.memory_space<vmem_shared>>
      tpu.enqueue_indirect_dma source(%dma_start3A_272 : memref<80x128xf32, #tpu.memory_space<vmem>>) target(%dma_start3A_278 : memref<5064x128xf32, #tpu.memory_space<vmem_shared>>) offsets(%dma_start3A_275 : memref<80xi32, #tpu.memory_space<vmem>>) semaphore(%run_scoped3A_268 : memref<!tpu.dma_semaphore, #tpu.memory_space<semaphore_mem>>) {add = true}
      %dma_wait3A_279 = arith.constant 0 : i32
      %dma_wait3A_280 = arith.constant 0 : i32
      %dma_wait3A_281 = tpu.memref_slice %arg7[%run_scoped3A_212, %dma_wait3A_279, %dma_wait3A_280] : memref<2x80x128xf32, #tpu.memory_space<vmem>> -> memref<1x80x128xf32, #tpu.memory_space<vmem>>
      %dma_wait3A_282 = tpu.memref_squeeze %dma_wait3A_281 : memref<1x80x128xf32, #tpu.memory_space<vmem>> -> memref<80x128xf32, #tpu.memory_space<vmem>>
      %dma_wait3A_283 = arith.constant 0 : i32
      %dma_wait3A_284 = tpu.memref_slice %arg6[%rem3A_193, %run_scoped3A_213, %dma_wait3A_283] : memref<4x4x80xi32, #tpu.memory_space<vmem>> -> memref<1x1x80xi32, #tpu.memory_space<vmem>>
      %dma_wait3A_285 = tpu.memref_squeeze %dma_wait3A_284 : memref<1x1x80xi32, #tpu.memory_space<vmem>> -> memref<80xi32, #tpu.memory_space<vmem>>
      %dma_wait3A_286 = arith.constant 0 : i32
      %dma_wait3A_287 = arith.constant 0 : i32
      %dma_wait3A_288 = tpu.memref_slice %arg8[%dma_wait3A_286, %dma_wait3A_287] : memref<5064x128xf32, #tpu.memory_space<vmem_shared>> -> memref<5064x128xf32, #tpu.memory_space<vmem_shared>>
      tpu.wait_indirect_dma semaphore(%run_scoped3A_268 : memref<!tpu.dma_semaphore, #tpu.memory_space<semaphore_mem>>) src(%dma_wait3A_282 : memref<80x128xf32, #tpu.memory_space<vmem>>) dst(%dma_wait3A_288 : memref<5064x128xf32, #tpu.memory_space<vmem_shared>>)
      tpu.yield
    }) : () -> ()
    %rem3A_214 = arith.constant 250 : i32
    %rem3A_215 = arith.constant 4 : i32
    %rem3A_216 = arith.remsi %rem3A_214, %rem3A_215 : i32
    %dma_wait3A_217 = arith.constant 250 : i32
    %dma_wait3A_218 = arith.constant 0 : i32
    %dma_wait3A_219 = arith.constant 0 : i32
    %dma_wait3A_220 = tpu.memref_slice %arg6[%rem3A_216, %dma_wait3A_218, %dma_wait3A_219] : memref<4x4x80xi32, #tpu.memory_space<vmem>> -> memref<1x4x80xi32, #tpu.memory_space<vmem>>
    %dma_wait3A_221 = tpu.memref_squeeze %dma_wait3A_220 : memref<1x4x80xi32, #tpu.memory_space<vmem>> -> memref<4x80xi32, #tpu.memory_space<vmem>>
    %dma_wait3A_222 = arith.constant 0 : i32
    %dma_wait3A_223 = arith.constant 0 : i32
    %dma_wait3A_224 = tpu.memref_slice %arg3[%arg0, %arg1, %dma_wait3A_217, %dma_wait3A_222, %dma_wait3A_223] : memref<2x16x254x4x80xi32, #tpu.memory_space<hbm>> -> memref<1x1x1x4x80xi32, #tpu.memory_space<hbm>>
    %dma_wait3A_225 = tpu.memref_squeeze %dma_wait3A_224 : memref<1x1x1x4x80xi32, #tpu.memory_space<hbm>> -> memref<4x80xi32, #tpu.memory_space<hbm>>
    %dma_wait3A_226 = tpu.memref_slice %arg10[%rem3A_216] : memref<4x!tpu.dma_semaphore, #tpu.memory_space<semaphore_mem>> -> memref<1x!tpu.dma_semaphore, #tpu.memory_space<semaphore_mem>>
    %dma_wait3A_227 = tpu.memref_squeeze %dma_wait3A_226 : memref<1x!tpu.dma_semaphore, #tpu.memory_space<semaphore_mem>> -> memref<!tpu.dma_semaphore, #tpu.memory_space<semaphore_mem>>
    %dma_wait3A_228 = arith.constant 0 : i32
    %dma_wait3A_229 = arith.constant 0 : i32
    %dma_wait3A_230 = tpu.memref_slice %arg6[%rem3A_216, %dma_wait3A_228, %dma_wait3A_229] : memref<4x4x80xi32, #tpu.memory_space<vmem>> -> memref<1x4x80xi32, #tpu.memory_space<vmem>>
    %dma_wait3A_231 = tpu.memref_squeeze %dma_wait3A_230 : memref<1x4x80xi32, #tpu.memory_space<vmem>> -> memref<4x80xi32, #tpu.memory_space<vmem>>
    %dma_wait3A_232 = arith.constant 0 : i32
    %dma_wait3A_233 = arith.constant 0 : i32
    %dma_wait3A_234 = tpu.memref_slice %arg3[%arg0, %arg1, %dma_wait3A_217, %dma_wait3A_232, %dma_wait3A_233] : memref<2x16x254x4x80xi32, #tpu.memory_space<hbm>> -> memref<1x1x1x4x80xi32, #tpu.memory_space<hbm>>
    %dma_wait3A_235 = tpu.memref_squeeze %dma_wait3A_234 : memref<1x1x1x4x80xi32, #tpu.memory_space<hbm>> -> memref<4x80xi32, #tpu.memory_space<hbm>>
    tpu.wait_dma2 semaphore(%dma_wait3A_227 : memref<!tpu.dma_semaphore, #tpu.memory_space<semaphore_mem>>) src(%dma_wait3A_235 : memref<4x80xi32, #tpu.memory_space<hbm>>) dst(%dma_wait3A_231 : memref<4x80xi32, #tpu.memory_space<vmem>>)
    %rem3A_236 = arith.constant 251 : i32
    %rem3A_237 = arith.constant 4 : i32
    %rem3A_238 = arith.remsi %rem3A_236, %rem3A_237 : i32
    %dma_wait3A_239 = arith.constant 251 : i32
    %dma_wait3A_240 = arith.constant 0 : i32
    %dma_wait3A_241 = arith.constant 0 : i32
    %dma_wait3A_242 = tpu.memref_slice %arg6[%rem3A_238, %dma_wait3A_240, %dma_wait3A_241] : memref<4x4x80xi32, #tpu.memory_space<vmem>> -> memref<1x4x80xi32, #tpu.memory_space<vmem>>
    %dma_wait3A_243 = tpu.memref_squeeze %dma_wait3A_242 : memref<1x4x80xi32, #tpu.memory_space<vmem>> -> memref<4x80xi32, #tpu.memory_space<vmem>>
    %dma_wait3A_244 = arith.constant 0 : i32
    %dma_wait3A_245 = arith.constant 0 : i32
    %dma_wait3A_246 = tpu.memref_slice %arg3[%arg0, %arg1, %dma_wait3A_239, %dma_wait3A_244, %dma_wait3A_245] : memref<2x16x254x4x80xi32, #tpu.memory_space<hbm>> -> memref<1x1x1x4x80xi32, #tpu.memory_space<hbm>>
    %dma_wait3A_247 = tpu.memref_squeeze %dma_wait3A_246 : memref<1x1x1x4x80xi32, #tpu.memory_space<hbm>> -> memref<4x80xi32, #tpu.memory_space<hbm>>
    %dma_wait3A_248 = tpu.memref_slice %arg10[%rem3A_238] : memref<4x!tpu.dma_semaphore, #tpu.memory_space<semaphore_mem>> -> memref<1x!tpu.dma_semaphore, #tpu.memory_space<semaphore_mem>>
    %dma_wait3A_249 = tpu.memref_squeeze %dma_wait3A_248 : memref<1x!tpu.dma_semaphore, #tpu.memory_space<semaphore_mem>> -> memref<!tpu.dma_semaphore, #tpu.memory_space<semaphore_mem>>
    %dma_wait3A_250 = arith.constant 0 : i32
    %dma_wait3A_251 = arith.constant 0 : i32
    %dma_wait3A_252 = tpu.memref_slice %arg6[%rem3A_238, %dma_wait3A_250, %dma_wait3A_251] : memref<4x4x80xi32, #tpu.memory_space<vmem>> -> memref<1x4x80xi32, #tpu.memory_space<vmem>>
    %dma_wait3A_253 = tpu.memref_squeeze %dma_wait3A_252 : memref<1x4x80xi32, #tpu.memory_space<vmem>> -> memref<4x80xi32, #tpu.memory_space<vmem>>
    %dma_wait3A_254 = arith.constant 0 : i32
    %dma_wait3A_255 = arith.constant 0 : i32
    %dma_wait3A_256 = tpu.memref_slice %arg3[%arg0, %arg1, %dma_wait3A_239, %dma_wait3A_254, %dma_wait3A_255] : memref<2x16x254x4x80xi32, #tpu.memory_space<hbm>> -> memref<1x1x1x4x80xi32, #tpu.memory_space<hbm>>
    %dma_wait3A_257 = tpu.memref_squeeze %dma_wait3A_256 : memref<1x1x1x4x80xi32, #tpu.memory_space<hbm>> -> memref<4x80xi32, #tpu.memory_space<hbm>>
    tpu.wait_dma2 semaphore(%dma_wait3A_249 : memref<!tpu.dma_semaphore, #tpu.memory_space<semaphore_mem>>) src(%dma_wait3A_257 : memref<4x80xi32, #tpu.memory_space<hbm>>) dst(%dma_wait3A_253 : memref<4x80xi32, #tpu.memory_space<vmem>>)
    %barrier3A_258 = arith.constant 0 : index
    tpu.barrier barrier_id(%barrier3A_258)
    %mul3A_259 = arith.constant 312 : i32
    %mul3A_260 = arith.muli %arg1, %mul3A_259 : i32
    %mul3A_261 = arith.constant 312 : i32
    %mul3A_262 = arith.muli %arg1, %mul3A_261 : i32
    "tpu.region"() ({
      %run_scoped3A_268 = tpu.sem_alloc : memref<!tpu.dma_semaphore, #tpu.memory_space<semaphore_mem>>
      %dma_start3A_269 = arith.constant 0 : i32
      %dma_start3A_270 = tpu.memref_slice %arg5[%arg0, %mul3A_262, %dma_start3A_269] : memref<2x5064x128xf32, #tpu.memory_space<hbm>> -> memref<1x312x128xf32, #tpu.memory_space<hbm>>
      %dma_start3A_271 = tpu.memref_squeeze %dma_start3A_270 : memref<1x312x128xf32, #tpu.memory_space<hbm>> -> memref<312x128xf32, #tpu.memory_space<hbm>>
      %dma_start3A_272 = arith.constant 0 : i32
      %dma_start3A_273 = tpu.memref_slice %arg8[%mul3A_260, %dma_start3A_272] : memref<5064x128xf32, #tpu.memory_space<vmem_shared>> -> memref<312x128xf32, #tpu.memory_space<vmem_shared>>
      tpu.enqueue_dma source(%dma_start3A_273 : memref<312x128xf32, #tpu.memory_space<vmem_shared>>) target(%dma_start3A_271 : memref<312x128xf32, #tpu.memory_space<hbm>>) target_semaphore(%run_scoped3A_268 : memref<!tpu.dma_semaphore, #tpu.memory_space<semaphore_mem>>)
      %dma_wait3A_274 = arith.constant 0 : i32
      %dma_wait3A_275 = tpu.memref_slice %arg5[%arg0, %mul3A_262, %dma_wait3A_274] : memref<2x5064x128xf32, #tpu.memory_space<hbm>> -> memref<1x312x128xf32, #tpu.memory_space<hbm>>
      %dma_wait3A_276 = tpu.memref_squeeze %dma_wait3A_275 : memref<1x312x128xf32, #tpu.memory_space<hbm>> -> memref<312x128xf32, #tpu.memory_space<hbm>>
      %dma_wait3A_277 = arith.constant 0 : i32
      %dma_wait3A_278 = tpu.memref_slice %arg8[%mul3A_260, %dma_wait3A_277] : memref<5064x128xf32, #tpu.memory_space<vmem_shared>> -> memref<312x128xf32, #tpu.memory_space<vmem_shared>>
      tpu.wait_dma2 semaphore(%run_scoped3A_268 : memref<!tpu.dma_semaphore, #tpu.memory_space<semaphore_mem>>) src(%dma_wait3A_278 : memref<312x128xf32, #tpu.memory_space<vmem_shared>>) dst(%dma_wait3A_276 : memref<312x128xf32, #tpu.memory_space<hbm>>)
      tpu.yield
    }) : () -> ()
    %eq3A_263 = arith.constant 15 : i32
    %eq3A_264 = arith.cmpi eq, %arg1, %eq3A_263 : i32
    %convert_element_type3A_265 = arith.extui %eq3A_264 : i1 to i32
    %cond3A_266 = arith.constant 0 : i32
    %cond3A_267 = arith.cmpi ne, %convert_element_type3A_265, %cond3A_266 : i32
    scf.if %cond3A_267 {
      "tpu.region"() ({
        %run_scoped3A_268 = tpu.sem_alloc : memref<!tpu.dma_semaphore, #tpu.memory_space<semaphore_mem>>
        %dma_start3A_269 = arith.constant 4992 : i32
        %dma_start3A_270 = arith.constant 0 : i32
        %dma_start3A_271 = tpu.memref_slice %arg5[%arg0, %dma_start3A_269, %dma_start3A_270] : memref<2x5064x128xf32, #tpu.memory_space<hbm>> -> memref<1x72x128xf32, #tpu.memory_space<hbm>>
        %dma_start3A_272 = tpu.memref_squeeze %dma_start3A_271 : memref<1x72x128xf32, #tpu.memory_space<hbm>> -> memref<72x128xf32, #tpu.memory_space<hbm>>
        %dma_start3A_273 = arith.constant 4992 : i32
        %dma_start3A_274 = arith.constant 0 : i32
        %dma_start3A_275 = tpu.memref_slice %arg8[%dma_start3A_273, %dma_start3A_274] : memref<5064x128xf32, #tpu.memory_space<vmem_shared>> -> memref<72x128xf32, #tpu.memory_space<vmem_shared>>
        tpu.enqueue_dma source(%dma_start3A_275 : memref<72x128xf32, #tpu.memory_space<vmem_shared>>) target(%dma_start3A_272 : memref<72x128xf32, #tpu.memory_space<hbm>>) target_semaphore(%run_scoped3A_268 : memref<!tpu.dma_semaphore, #tpu.memory_space<semaphore_mem>>)
        %dma_wait3A_276 = arith.constant 4992 : i32
        %dma_wait3A_277 = arith.constant 0 : i32
        %dma_wait3A_278 = tpu.memref_slice %arg5[%arg0, %dma_wait3A_276, %dma_wait3A_277] : memref<2x5064x128xf32, #tpu.memory_space<hbm>> -> memref<1x72x128xf32, #tpu.memory_space<hbm>>
        %dma_wait3A_279 = tpu.memref_squeeze %dma_wait3A_278 : memref<1x72x128xf32, #tpu.memory_space<hbm>> -> memref<72x128xf32, #tpu.memory_space<hbm>>
        %dma_wait3A_280 = arith.constant 4992 : i32
        %dma_wait3A_281 = arith.constant 0 : i32
        %dma_wait3A_282 = tpu.memref_slice %arg8[%dma_wait3A_280, %dma_wait3A_281] : memref<5064x128xf32, #tpu.memory_space<vmem_shared>> -> memref<72x128xf32, #tpu.memory_space<vmem_shared>>
        tpu.wait_dma2 semaphore(%run_scoped3A_268 : memref<!tpu.dma_semaphore, #tpu.memory_space<semaphore_mem>>) src(%dma_wait3A_282 : memref<72x128xf32, #tpu.memory_space<vmem_shared>>) dst(%dma_wait3A_279 : memref<72x128xf32, #tpu.memory_space<hbm>>)
        tpu.yield
      }) : () -> ()
    } else {
    }
    return
  }
}

#map = affine_map<(d0, d1) -> (0, 0)>
#map1 = affine_map<(d0, d1) -> (0, 0, 0, 0, 0)>
#map2 = affine_map<(d0, d1) -> (0, 0, 0)>
module attributes {stable_mosaic.version = 14 : i64} {
  func.func @agg(%arg0: i32, %arg1: i32, %arg2: memref<10000x128xf32, #tpu.memory_space<hbm>>, %arg3: memref<2x16x254x4x80xi32, #tpu.memory_space<hbm>>, %arg4: memref<5064x128xf32, #tpu.memory_space<hbm>>, %arg5: memref<4104x128xf32, #tpu.memory_space<hbm>>, %arg6: memref<2x5064x128xf32, #tpu.memory_space<hbm>>, %arg7: memref<2x1280x128xf32, #tpu.memory_space<hbm>>, %arg8: memref<4x4x80xi32, #tpu.memory_space<vmem>>, %arg9: memref<2x80x128xf32, #tpu.memory_space<vmem>>, %arg10: memref<5064x128xf32, #tpu.memory_space<vmem_shared>>, %arg11: memref<2x!tpu.dma_semaphore, #tpu.memory_space<semaphore_mem>>, %arg12: memref<4x!tpu.dma_semaphore, #tpu.memory_space<semaphore_mem>>, %arg13: memref<2x80x128xf32, #tpu.memory_space<vmem>>, %arg14: memref<1280x128xf32, #tpu.memory_space<vmem_shared>>, %arg15: memref<2x!tpu.dma_semaphore, #tpu.memory_space<semaphore_mem>>) attributes {dimension_semantics = [#tpu.dimension_semantics<core_parallel>, #tpu.dimension_semantics<subcore_parallel>], iteration_bounds = array<i64: 2, 16>, scalar_prefetch = 0 : i64, scratch_operands = 8 : i64, tpu.core_type = #tpu.core_type<sc_vector_subcore>, window_params = [{transform_indices = #map}, {transform_indices = #map1}, {transform_indices = #map}, {transform_indices = #map}, {transform_indices = #map2}, {transform_indices = #map2}]} {
    %mul3A = arith.constant 312 : i32
    %mul3A_0 = arith.muli %arg1, %mul3A : i32
    %mul3A_1 = arith.constant 312 : i32
    %mul3A_2 = arith.muli %arg1, %mul3A_1 : i32
    "tpu.region"() ({
      %run_scoped3A_317 = tpu.sem_alloc : memref<!tpu.dma_semaphore, #tpu.memory_space<semaphore_mem>>
      %dma_start3A_318 = arith.constant 0 : i32
      %dma_start3A_319 = tpu.memref_slice %arg10[%mul3A_2, %dma_start3A_318] : memref<5064x128xf32, #tpu.memory_space<vmem_shared>> -> memref<312x128xf32, #tpu.memory_space<vmem_shared>>
      %dma_start3A_320 = arith.constant 0 : i32
      %dma_start3A_321 = tpu.memref_slice %arg4[%mul3A_0, %dma_start3A_320] : memref<5064x128xf32, #tpu.memory_space<hbm>> -> memref<312x128xf32, #tpu.memory_space<hbm>>
      tpu.enqueue_dma source(%dma_start3A_321 : memref<312x128xf32, #tpu.memory_space<hbm>>) target(%dma_start3A_319 : memref<312x128xf32, #tpu.memory_space<vmem_shared>>) target_semaphore(%run_scoped3A_317 : memref<!tpu.dma_semaphore, #tpu.memory_space<semaphore_mem>>)
      %dma_wait3A_322 = arith.constant 0 : i32
      %dma_wait3A_323 = tpu.memref_slice %arg10[%mul3A_2, %dma_wait3A_322] : memref<5064x128xf32, #tpu.memory_space<vmem_shared>> -> memref<312x128xf32, #tpu.memory_space<vmem_shared>>
      %dma_wait3A_324 = arith.constant 0 : i32
      %dma_wait3A_325 = tpu.memref_slice %arg4[%mul3A_0, %dma_wait3A_324] : memref<5064x128xf32, #tpu.memory_space<hbm>> -> memref<312x128xf32, #tpu.memory_space<hbm>>
      tpu.wait_dma2 semaphore(%run_scoped3A_317 : memref<!tpu.dma_semaphore, #tpu.memory_space<semaphore_mem>>) src(%dma_wait3A_325 : memref<312x128xf32, #tpu.memory_space<hbm>>) dst(%dma_wait3A_323 : memref<312x128xf32, #tpu.memory_space<vmem_shared>>)
      tpu.yield
    }) : () -> ()
    %eq3A = arith.constant 15 : i32
    %eq3A_3 = arith.cmpi eq, %arg1, %eq3A : i32
    %convert_element_type3A = arith.extui %eq3A_3 : i1 to i32
    %cond3A = arith.constant 0 : i32
    %cond3A_4 = arith.cmpi ne, %convert_element_type3A, %cond3A : i32
    scf.if %cond3A_4 {
      "tpu.region"() ({
        %run_scoped3A_317 = tpu.sem_alloc : memref<!tpu.dma_semaphore, #tpu.memory_space<semaphore_mem>>
        %dma_start3A_318 = arith.constant 4992 : i32
        %dma_start3A_319 = arith.constant 0 : i32
        %dma_start3A_320 = tpu.memref_slice %arg10[%dma_start3A_318, %dma_start3A_319] : memref<5064x128xf32, #tpu.memory_space<vmem_shared>> -> memref<72x128xf32, #tpu.memory_space<vmem_shared>>
        %dma_start3A_321 = arith.constant 4992 : i32
        %dma_start3A_322 = arith.constant 0 : i32
        %dma_start3A_323 = tpu.memref_slice %arg4[%dma_start3A_321, %dma_start3A_322] : memref<5064x128xf32, #tpu.memory_space<hbm>> -> memref<72x128xf32, #tpu.memory_space<hbm>>
        tpu.enqueue_dma source(%dma_start3A_323 : memref<72x128xf32, #tpu.memory_space<hbm>>) target(%dma_start3A_320 : memref<72x128xf32, #tpu.memory_space<vmem_shared>>) target_semaphore(%run_scoped3A_317 : memref<!tpu.dma_semaphore, #tpu.memory_space<semaphore_mem>>)
        %dma_wait3A_324 = arith.constant 4992 : i32
        %dma_wait3A_325 = arith.constant 0 : i32
        %dma_wait3A_326 = tpu.memref_slice %arg10[%dma_wait3A_324, %dma_wait3A_325] : memref<5064x128xf32, #tpu.memory_space<vmem_shared>> -> memref<72x128xf32, #tpu.memory_space<vmem_shared>>
        %dma_wait3A_327 = arith.constant 4992 : i32
        %dma_wait3A_328 = arith.constant 0 : i32
        %dma_wait3A_329 = tpu.memref_slice %arg4[%dma_wait3A_327, %dma_wait3A_328] : memref<5064x128xf32, #tpu.memory_space<hbm>> -> memref<72x128xf32, #tpu.memory_space<hbm>>
        tpu.wait_dma2 semaphore(%run_scoped3A_317 : memref<!tpu.dma_semaphore, #tpu.memory_space<semaphore_mem>>) src(%dma_wait3A_329 : memref<72x128xf32, #tpu.memory_space<hbm>>) dst(%dma_wait3A_326 : memref<72x128xf32, #tpu.memory_space<vmem_shared>>)
        tpu.yield
      }) : () -> ()
    } else {
    }
    %mul3A_5 = arith.constant 80 : i32
    %mul3A_6 = arith.muli %arg1, %mul3A_5 : i32
    "tpu.region"() ({
      %run_scoped3A_317 = tpu.sem_alloc : memref<!tpu.dma_semaphore, #tpu.memory_space<semaphore_mem>>
      %dma_start3A_318 = arith.constant 0 : i32
      %dma_start3A_319 = tpu.memref_slice %arg14[%mul3A_6, %dma_start3A_318] : memref<1280x128xf32, #tpu.memory_space<vmem_shared>> -> memref<80x128xf32, #tpu.memory_space<vmem_shared>>
      %dma_start3A_320 = arith.constant 0 : i32
      %dma_start3A_321 = arith.constant 0 : i32
      %dma_start3A_322 = tpu.memref_slice %arg4[%dma_start3A_320, %dma_start3A_321] : memref<5064x128xf32, #tpu.memory_space<hbm>> -> memref<80x128xf32, #tpu.memory_space<hbm>>
      tpu.enqueue_dma source(%dma_start3A_322 : memref<80x128xf32, #tpu.memory_space<hbm>>) target(%dma_start3A_319 : memref<80x128xf32, #tpu.memory_space<vmem_shared>>) target_semaphore(%run_scoped3A_317 : memref<!tpu.dma_semaphore, #tpu.memory_space<semaphore_mem>>)
      %dma_wait3A_323 = arith.constant 0 : i32
      %dma_wait3A_324 = tpu.memref_slice %arg14[%mul3A_6, %dma_wait3A_323] : memref<1280x128xf32, #tpu.memory_space<vmem_shared>> -> memref<80x128xf32, #tpu.memory_space<vmem_shared>>
      %dma_wait3A_325 = arith.constant 0 : i32
      %dma_wait3A_326 = arith.constant 0 : i32
      %dma_wait3A_327 = tpu.memref_slice %arg4[%dma_wait3A_325, %dma_wait3A_326] : memref<5064x128xf32, #tpu.memory_space<hbm>> -> memref<80x128xf32, #tpu.memory_space<hbm>>
      tpu.wait_dma2 semaphore(%run_scoped3A_317 : memref<!tpu.dma_semaphore, #tpu.memory_space<semaphore_mem>>) src(%dma_wait3A_327 : memref<80x128xf32, #tpu.memory_space<hbm>>) dst(%dma_wait3A_324 : memref<80x128xf32, #tpu.memory_space<vmem_shared>>)
      tpu.yield
    }) : () -> ()
    %barrier3A = arith.constant 0 : index
    tpu.barrier barrier_id(%barrier3A)
    %dma_start3A = arith.constant 0 : i32
    %dma_start3A_7 = arith.constant 0 : i32
    %dma_start3A_8 = arith.constant 0 : i32
    %dma_start3A_9 = arith.constant 0 : i32
    %dma_start3A_10 = arith.constant 0 : i32
    %dma_start3A_11 = tpu.memref_slice %arg8[%dma_start3A_7, %dma_start3A_9, %dma_start3A_10] : memref<4x4x80xi32, #tpu.memory_space<vmem>> -> memref<1x4x80xi32, #tpu.memory_space<vmem>>
    %dma_start3A_12 = tpu.memref_squeeze %dma_start3A_11 : memref<1x4x80xi32, #tpu.memory_space<vmem>> -> memref<4x80xi32, #tpu.memory_space<vmem>>
    %dma_start3A_13 = arith.constant 0 : i32
    %dma_start3A_14 = arith.constant 0 : i32
    %dma_start3A_15 = tpu.memref_slice %arg3[%arg0, %arg1, %dma_start3A, %dma_start3A_13, %dma_start3A_14] : memref<2x16x254x4x80xi32, #tpu.memory_space<hbm>> -> memref<1x1x1x4x80xi32, #tpu.memory_space<hbm>>
    %dma_start3A_16 = tpu.memref_squeeze %dma_start3A_15 : memref<1x1x1x4x80xi32, #tpu.memory_space<hbm>> -> memref<4x80xi32, #tpu.memory_space<hbm>>
    %dma_start3A_17 = tpu.memref_slice %arg12[%dma_start3A_8] : memref<4x!tpu.dma_semaphore, #tpu.memory_space<semaphore_mem>> -> memref<1x!tpu.dma_semaphore, #tpu.memory_space<semaphore_mem>>
    %dma_start3A_18 = tpu.memref_squeeze %dma_start3A_17 : memref<1x!tpu.dma_semaphore, #tpu.memory_space<semaphore_mem>> -> memref<!tpu.dma_semaphore, #tpu.memory_space<semaphore_mem>>
    %dma_start3A_19 = arith.constant 0 : i32
    %dma_start3A_20 = arith.constant 0 : i32
    %dma_start3A_21 = tpu.memref_slice %arg8[%dma_start3A_7, %dma_start3A_19, %dma_start3A_20] : memref<4x4x80xi32, #tpu.memory_space<vmem>> -> memref<1x4x80xi32, #tpu.memory_space<vmem>>
    %dma_start3A_22 = tpu.memref_squeeze %dma_start3A_21 : memref<1x4x80xi32, #tpu.memory_space<vmem>> -> memref<4x80xi32, #tpu.memory_space<vmem>>
    %dma_start3A_23 = arith.constant 0 : i32
    %dma_start3A_24 = arith.constant 0 : i32
    %dma_start3A_25 = tpu.memref_slice %arg3[%arg0, %arg1, %dma_start3A, %dma_start3A_23, %dma_start3A_24] : memref<2x16x254x4x80xi32, #tpu.memory_space<hbm>> -> memref<1x1x1x4x80xi32, #tpu.memory_space<hbm>>
    %dma_start3A_26 = tpu.memref_squeeze %dma_start3A_25 : memref<1x1x1x4x80xi32, #tpu.memory_space<hbm>> -> memref<4x80xi32, #tpu.memory_space<hbm>>
    tpu.enqueue_dma source(%dma_start3A_26 : memref<4x80xi32, #tpu.memory_space<hbm>>) target(%dma_start3A_22 : memref<4x80xi32, #tpu.memory_space<vmem>>) target_semaphore(%dma_start3A_18 : memref<!tpu.dma_semaphore, #tpu.memory_space<semaphore_mem>>)
    %dma_start3A_27 = arith.constant 1 : i32
    %dma_start3A_28 = arith.constant 1 : i32
    %dma_start3A_29 = arith.constant 1 : i32
    %dma_start3A_30 = arith.constant 0 : i32
    %dma_start3A_31 = arith.constant 0 : i32
    %dma_start3A_32 = tpu.memref_slice %arg8[%dma_start3A_28, %dma_start3A_30, %dma_start3A_31] : memref<4x4x80xi32, #tpu.memory_space<vmem>> -> memref<1x4x80xi32, #tpu.memory_space<vmem>>
    %dma_start3A_33 = tpu.memref_squeeze %dma_start3A_32 : memref<1x4x80xi32, #tpu.memory_space<vmem>> -> memref<4x80xi32, #tpu.memory_space<vmem>>
    %dma_start3A_34 = arith.constant 0 : i32
    %dma_start3A_35 = arith.constant 0 : i32
    %dma_start3A_36 = tpu.memref_slice %arg3[%arg0, %arg1, %dma_start3A_27, %dma_start3A_34, %dma_start3A_35] : memref<2x16x254x4x80xi32, #tpu.memory_space<hbm>> -> memref<1x1x1x4x80xi32, #tpu.memory_space<hbm>>
    %dma_start3A_37 = tpu.memref_squeeze %dma_start3A_36 : memref<1x1x1x4x80xi32, #tpu.memory_space<hbm>> -> memref<4x80xi32, #tpu.memory_space<hbm>>
    %dma_start3A_38 = tpu.memref_slice %arg12[%dma_start3A_29] : memref<4x!tpu.dma_semaphore, #tpu.memory_space<semaphore_mem>> -> memref<1x!tpu.dma_semaphore, #tpu.memory_space<semaphore_mem>>
    %dma_start3A_39 = tpu.memref_squeeze %dma_start3A_38 : memref<1x!tpu.dma_semaphore, #tpu.memory_space<semaphore_mem>> -> memref<!tpu.dma_semaphore, #tpu.memory_space<semaphore_mem>>
    %dma_start3A_40 = arith.constant 0 : i32
    %dma_start3A_41 = arith.constant 0 : i32
    %dma_start3A_42 = tpu.memref_slice %arg8[%dma_start3A_28, %dma_start3A_40, %dma_start3A_41] : memref<4x4x80xi32, #tpu.memory_space<vmem>> -> memref<1x4x80xi32, #tpu.memory_space<vmem>>
    %dma_start3A_43 = tpu.memref_squeeze %dma_start3A_42 : memref<1x4x80xi32, #tpu.memory_space<vmem>> -> memref<4x80xi32, #tpu.memory_space<vmem>>
    %dma_start3A_44 = arith.constant 0 : i32
    %dma_start3A_45 = arith.constant 0 : i32
    %dma_start3A_46 = tpu.memref_slice %arg3[%arg0, %arg1, %dma_start3A_27, %dma_start3A_44, %dma_start3A_45] : memref<2x16x254x4x80xi32, #tpu.memory_space<hbm>> -> memref<1x1x1x4x80xi32, #tpu.memory_space<hbm>>
    %dma_start3A_47 = tpu.memref_squeeze %dma_start3A_46 : memref<1x1x1x4x80xi32, #tpu.memory_space<hbm>> -> memref<4x80xi32, #tpu.memory_space<hbm>>
    tpu.enqueue_dma source(%dma_start3A_47 : memref<4x80xi32, #tpu.memory_space<hbm>>) target(%dma_start3A_43 : memref<4x80xi32, #tpu.memory_space<vmem>>) target_semaphore(%dma_start3A_39 : memref<!tpu.dma_semaphore, #tpu.memory_space<semaphore_mem>>)
    %dma_start3A_48 = arith.constant 2 : i32
    %dma_start3A_49 = arith.constant 2 : i32
    %dma_start3A_50 = arith.constant 2 : i32
    %dma_start3A_51 = arith.constant 0 : i32
    %dma_start3A_52 = arith.constant 0 : i32
    %dma_start3A_53 = tpu.memref_slice %arg8[%dma_start3A_49, %dma_start3A_51, %dma_start3A_52] : memref<4x4x80xi32, #tpu.memory_space<vmem>> -> memref<1x4x80xi32, #tpu.memory_space<vmem>>
    %dma_start3A_54 = tpu.memref_squeeze %dma_start3A_53 : memref<1x4x80xi32, #tpu.memory_space<vmem>> -> memref<4x80xi32, #tpu.memory_space<vmem>>
    %dma_start3A_55 = arith.constant 0 : i32
    %dma_start3A_56 = arith.constant 0 : i32
    %dma_start3A_57 = tpu.memref_slice %arg3[%arg0, %arg1, %dma_start3A_48, %dma_start3A_55, %dma_start3A_56] : memref<2x16x254x4x80xi32, #tpu.memory_space<hbm>> -> memref<1x1x1x4x80xi32, #tpu.memory_space<hbm>>
    %dma_start3A_58 = tpu.memref_squeeze %dma_start3A_57 : memref<1x1x1x4x80xi32, #tpu.memory_space<hbm>> -> memref<4x80xi32, #tpu.memory_space<hbm>>
    %dma_start3A_59 = tpu.memref_slice %arg12[%dma_start3A_50] : memref<4x!tpu.dma_semaphore, #tpu.memory_space<semaphore_mem>> -> memref<1x!tpu.dma_semaphore, #tpu.memory_space<semaphore_mem>>
    %dma_start3A_60 = tpu.memref_squeeze %dma_start3A_59 : memref<1x!tpu.dma_semaphore, #tpu.memory_space<semaphore_mem>> -> memref<!tpu.dma_semaphore, #tpu.memory_space<semaphore_mem>>
    %dma_start3A_61 = arith.constant 0 : i32
    %dma_start3A_62 = arith.constant 0 : i32
    %dma_start3A_63 = tpu.memref_slice %arg8[%dma_start3A_49, %dma_start3A_61, %dma_start3A_62] : memref<4x4x80xi32, #tpu.memory_space<vmem>> -> memref<1x4x80xi32, #tpu.memory_space<vmem>>
    %dma_start3A_64 = tpu.memref_squeeze %dma_start3A_63 : memref<1x4x80xi32, #tpu.memory_space<vmem>> -> memref<4x80xi32, #tpu.memory_space<vmem>>
    %dma_start3A_65 = arith.constant 0 : i32
    %dma_start3A_66 = arith.constant 0 : i32
    %dma_start3A_67 = tpu.memref_slice %arg3[%arg0, %arg1, %dma_start3A_48, %dma_start3A_65, %dma_start3A_66] : memref<2x16x254x4x80xi32, #tpu.memory_space<hbm>> -> memref<1x1x1x4x80xi32, #tpu.memory_space<hbm>>
    %dma_start3A_68 = tpu.memref_squeeze %dma_start3A_67 : memref<1x1x1x4x80xi32, #tpu.memory_space<hbm>> -> memref<4x80xi32, #tpu.memory_space<hbm>>
    tpu.enqueue_dma source(%dma_start3A_68 : memref<4x80xi32, #tpu.memory_space<hbm>>) target(%dma_start3A_64 : memref<4x80xi32, #tpu.memory_space<vmem>>) target_semaphore(%dma_start3A_60 : memref<!tpu.dma_semaphore, #tpu.memory_space<semaphore_mem>>)
    %dma_start3A_69 = arith.constant 3 : i32
    %dma_start3A_70 = arith.constant 3 : i32
    %dma_start3A_71 = arith.constant 3 : i32
    %dma_start3A_72 = arith.constant 0 : i32
    %dma_start3A_73 = arith.constant 0 : i32
    %dma_start3A_74 = tpu.memref_slice %arg8[%dma_start3A_70, %dma_start3A_72, %dma_start3A_73] : memref<4x4x80xi32, #tpu.memory_space<vmem>> -> memref<1x4x80xi32, #tpu.memory_space<vmem>>
    %dma_start3A_75 = tpu.memref_squeeze %dma_start3A_74 : memref<1x4x80xi32, #tpu.memory_space<vmem>> -> memref<4x80xi32, #tpu.memory_space<vmem>>
    %dma_start3A_76 = arith.constant 0 : i32
    %dma_start3A_77 = arith.constant 0 : i32
    %dma_start3A_78 = tpu.memref_slice %arg3[%arg0, %arg1, %dma_start3A_69, %dma_start3A_76, %dma_start3A_77] : memref<2x16x254x4x80xi32, #tpu.memory_space<hbm>> -> memref<1x1x1x4x80xi32, #tpu.memory_space<hbm>>
    %dma_start3A_79 = tpu.memref_squeeze %dma_start3A_78 : memref<1x1x1x4x80xi32, #tpu.memory_space<hbm>> -> memref<4x80xi32, #tpu.memory_space<hbm>>
    %dma_start3A_80 = tpu.memref_slice %arg12[%dma_start3A_71] : memref<4x!tpu.dma_semaphore, #tpu.memory_space<semaphore_mem>> -> memref<1x!tpu.dma_semaphore, #tpu.memory_space<semaphore_mem>>
    %dma_start3A_81 = tpu.memref_squeeze %dma_start3A_80 : memref<1x!tpu.dma_semaphore, #tpu.memory_space<semaphore_mem>> -> memref<!tpu.dma_semaphore, #tpu.memory_space<semaphore_mem>>
    %dma_start3A_82 = arith.constant 0 : i32
    %dma_start3A_83 = arith.constant 0 : i32
    %dma_start3A_84 = tpu.memref_slice %arg8[%dma_start3A_70, %dma_start3A_82, %dma_start3A_83] : memref<4x4x80xi32, #tpu.memory_space<vmem>> -> memref<1x4x80xi32, #tpu.memory_space<vmem>>
    %dma_start3A_85 = tpu.memref_squeeze %dma_start3A_84 : memref<1x4x80xi32, #tpu.memory_space<vmem>> -> memref<4x80xi32, #tpu.memory_space<vmem>>
    %dma_start3A_86 = arith.constant 0 : i32
    %dma_start3A_87 = arith.constant 0 : i32
    %dma_start3A_88 = tpu.memref_slice %arg3[%arg0, %arg1, %dma_start3A_69, %dma_start3A_86, %dma_start3A_87] : memref<2x16x254x4x80xi32, #tpu.memory_space<hbm>> -> memref<1x1x1x4x80xi32, #tpu.memory_space<hbm>>
    %dma_start3A_89 = tpu.memref_squeeze %dma_start3A_88 : memref<1x1x1x4x80xi32, #tpu.memory_space<hbm>> -> memref<4x80xi32, #tpu.memory_space<hbm>>
    tpu.enqueue_dma source(%dma_start3A_89 : memref<4x80xi32, #tpu.memory_space<hbm>>) target(%dma_start3A_85 : memref<4x80xi32, #tpu.memory_space<vmem>>) target_semaphore(%dma_start3A_81 : memref<!tpu.dma_semaphore, #tpu.memory_space<semaphore_mem>>)
    %dma_wait3A = arith.constant 0 : i32
    %dma_wait3A_90 = arith.constant 0 : i32
    %dma_wait3A_91 = arith.constant 0 : i32
    %dma_wait3A_92 = arith.constant 0 : i32
    %dma_wait3A_93 = arith.constant 0 : i32
    %dma_wait3A_94 = tpu.memref_slice %arg8[%dma_wait3A_90, %dma_wait3A_92, %dma_wait3A_93] : memref<4x4x80xi32, #tpu.memory_space<vmem>> -> memref<1x4x80xi32, #tpu.memory_space<vmem>>
    %dma_wait3A_95 = tpu.memref_squeeze %dma_wait3A_94 : memref<1x4x80xi32, #tpu.memory_space<vmem>> -> memref<4x80xi32, #tpu.memory_space<vmem>>
    %dma_wait3A_96 = arith.constant 0 : i32
    %dma_wait3A_97 = arith.constant 0 : i32
    %dma_wait3A_98 = tpu.memref_slice %arg3[%arg0, %arg1, %dma_wait3A, %dma_wait3A_96, %dma_wait3A_97] : memref<2x16x254x4x80xi32, #tpu.memory_space<hbm>> -> memref<1x1x1x4x80xi32, #tpu.memory_space<hbm>>
    %dma_wait3A_99 = tpu.memref_squeeze %dma_wait3A_98 : memref<1x1x1x4x80xi32, #tpu.memory_space<hbm>> -> memref<4x80xi32, #tpu.memory_space<hbm>>
    %dma_wait3A_100 = tpu.memref_slice %arg12[%dma_wait3A_91] : memref<4x!tpu.dma_semaphore, #tpu.memory_space<semaphore_mem>> -> memref<1x!tpu.dma_semaphore, #tpu.memory_space<semaphore_mem>>
    %dma_wait3A_101 = tpu.memref_squeeze %dma_wait3A_100 : memref<1x!tpu.dma_semaphore, #tpu.memory_space<semaphore_mem>> -> memref<!tpu.dma_semaphore, #tpu.memory_space<semaphore_mem>>
    %dma_wait3A_102 = arith.constant 0 : i32
    %dma_wait3A_103 = arith.constant 0 : i32
    %dma_wait3A_104 = tpu.memref_slice %arg8[%dma_wait3A_90, %dma_wait3A_102, %dma_wait3A_103] : memref<4x4x80xi32, #tpu.memory_space<vmem>> -> memref<1x4x80xi32, #tpu.memory_space<vmem>>
    %dma_wait3A_105 = tpu.memref_squeeze %dma_wait3A_104 : memref<1x4x80xi32, #tpu.memory_space<vmem>> -> memref<4x80xi32, #tpu.memory_space<vmem>>
    %dma_wait3A_106 = arith.constant 0 : i32
    %dma_wait3A_107 = arith.constant 0 : i32
    %dma_wait3A_108 = tpu.memref_slice %arg3[%arg0, %arg1, %dma_wait3A, %dma_wait3A_106, %dma_wait3A_107] : memref<2x16x254x4x80xi32, #tpu.memory_space<hbm>> -> memref<1x1x1x4x80xi32, #tpu.memory_space<hbm>>
    %dma_wait3A_109 = tpu.memref_squeeze %dma_wait3A_108 : memref<1x1x1x4x80xi32, #tpu.memory_space<hbm>> -> memref<4x80xi32, #tpu.memory_space<hbm>>
    tpu.wait_dma2 semaphore(%dma_wait3A_101 : memref<!tpu.dma_semaphore, #tpu.memory_space<semaphore_mem>>) src(%dma_wait3A_109 : memref<4x80xi32, #tpu.memory_space<hbm>>) dst(%dma_wait3A_105 : memref<4x80xi32, #tpu.memory_space<vmem>>)
    %rem3A = arith.constant 0 : i32
    %rem3A_110 = arith.constant 4 : i32
    %rem3A_111 = arith.remsi %rem3A, %rem3A_110 : i32
    %dma_start3A_112 = arith.constant 0 : i32
    %dma_start3A_113 = arith.constant 0 : i32
    %dma_start3A_114 = arith.constant 0 : i32
    %dma_start3A_115 = arith.constant 0 : i32
    %dma_start3A_116 = arith.constant 0 : i32
    %dma_start3A_117 = tpu.memref_slice %arg9[%dma_start3A_113, %dma_start3A_115, %dma_start3A_116] : memref<2x80x128xf32, #tpu.memory_space<vmem>> -> memref<1x80x128xf32, #tpu.memory_space<vmem>>
    %dma_start3A_118 = tpu.memref_squeeze %dma_start3A_117 : memref<1x80x128xf32, #tpu.memory_space<vmem>> -> memref<80x128xf32, #tpu.memory_space<vmem>>
    %dma_start3A_119 = arith.constant 0 : i32
    %dma_start3A_120 = tpu.memref_slice %arg8[%rem3A_111, %dma_start3A_112, %dma_start3A_119] : memref<4x4x80xi32, #tpu.memory_space<vmem>> -> memref<1x1x80xi32, #tpu.memory_space<vmem>>
    %dma_start3A_121 = tpu.memref_squeeze %dma_start3A_120 : memref<1x1x80xi32, #tpu.memory_space<vmem>> -> memref<80xi32, #tpu.memory_space<vmem>>
    %dma_start3A_122 = arith.constant 0 : i32
    %dma_start3A_123 = arith.constant 0 : i32
    %dma_start3A_124 = tpu.memref_slice %arg2[%dma_start3A_122, %dma_start3A_123] : memref<10000x128xf32, #tpu.memory_space<hbm>> -> memref<10000x128xf32, #tpu.memory_space<hbm>>
    %dma_start3A_125 = tpu.memref_slice %arg11[%dma_start3A_114] : memref<2x!tpu.dma_semaphore, #tpu.memory_space<semaphore_mem>> -> memref<1x!tpu.dma_semaphore, #tpu.memory_space<semaphore_mem>>
    %dma_start3A_126 = tpu.memref_squeeze %dma_start3A_125 : memref<1x!tpu.dma_semaphore, #tpu.memory_space<semaphore_mem>> -> memref<!tpu.dma_semaphore, #tpu.memory_space<semaphore_mem>>
    tpu.enqueue_indirect_dma source(%dma_start3A_124 : memref<10000x128xf32, #tpu.memory_space<hbm>>) target(%dma_start3A_118 : memref<80x128xf32, #tpu.memory_space<vmem>>) offsets(%dma_start3A_121 : memref<80xi32, #tpu.memory_space<vmem>>) semaphore(%dma_start3A_126 : memref<!tpu.dma_semaphore, #tpu.memory_space<semaphore_mem>>)
    %dma_wait3A_127 = arith.constant 1 : i32
    %dma_wait3A_128 = arith.constant 1 : i32
    %dma_wait3A_129 = arith.constant 1 : i32
    %dma_wait3A_130 = arith.constant 0 : i32
    %dma_wait3A_131 = arith.constant 0 : i32
    %dma_wait3A_132 = tpu.memref_slice %arg8[%dma_wait3A_128, %dma_wait3A_130, %dma_wait3A_131] : memref<4x4x80xi32, #tpu.memory_space<vmem>> -> memref<1x4x80xi32, #tpu.memory_space<vmem>>
    %dma_wait3A_133 = tpu.memref_squeeze %dma_wait3A_132 : memref<1x4x80xi32, #tpu.memory_space<vmem>> -> memref<4x80xi32, #tpu.memory_space<vmem>>
    %dma_wait3A_134 = arith.constant 0 : i32
    %dma_wait3A_135 = arith.constant 0 : i32
    %dma_wait3A_136 = tpu.memref_slice %arg3[%arg0, %arg1, %dma_wait3A_127, %dma_wait3A_134, %dma_wait3A_135] : memref<2x16x254x4x80xi32, #tpu.memory_space<hbm>> -> memref<1x1x1x4x80xi32, #tpu.memory_space<hbm>>
    %dma_wait3A_137 = tpu.memref_squeeze %dma_wait3A_136 : memref<1x1x1x4x80xi32, #tpu.memory_space<hbm>> -> memref<4x80xi32, #tpu.memory_space<hbm>>
    %dma_wait3A_138 = tpu.memref_slice %arg12[%dma_wait3A_129] : memref<4x!tpu.dma_semaphore, #tpu.memory_space<semaphore_mem>> -> memref<1x!tpu.dma_semaphore, #tpu.memory_space<semaphore_mem>>
    %dma_wait3A_139 = tpu.memref_squeeze %dma_wait3A_138 : memref<1x!tpu.dma_semaphore, #tpu.memory_space<semaphore_mem>> -> memref<!tpu.dma_semaphore, #tpu.memory_space<semaphore_mem>>
    %dma_wait3A_140 = arith.constant 0 : i32
    %dma_wait3A_141 = arith.constant 0 : i32
    %dma_wait3A_142 = tpu.memref_slice %arg8[%dma_wait3A_128, %dma_wait3A_140, %dma_wait3A_141] : memref<4x4x80xi32, #tpu.memory_space<vmem>> -> memref<1x4x80xi32, #tpu.memory_space<vmem>>
    %dma_wait3A_143 = tpu.memref_squeeze %dma_wait3A_142 : memref<1x4x80xi32, #tpu.memory_space<vmem>> -> memref<4x80xi32, #tpu.memory_space<vmem>>
    %dma_wait3A_144 = arith.constant 0 : i32
    %dma_wait3A_145 = arith.constant 0 : i32
    %dma_wait3A_146 = tpu.memref_slice %arg3[%arg0, %arg1, %dma_wait3A_127, %dma_wait3A_144, %dma_wait3A_145] : memref<2x16x254x4x80xi32, #tpu.memory_space<hbm>> -> memref<1x1x1x4x80xi32, #tpu.memory_space<hbm>>
    %dma_wait3A_147 = tpu.memref_squeeze %dma_wait3A_146 : memref<1x1x1x4x80xi32, #tpu.memory_space<hbm>> -> memref<4x80xi32, #tpu.memory_space<hbm>>
    tpu.wait_dma2 semaphore(%dma_wait3A_139 : memref<!tpu.dma_semaphore, #tpu.memory_space<semaphore_mem>>) src(%dma_wait3A_147 : memref<4x80xi32, #tpu.memory_space<hbm>>) dst(%dma_wait3A_143 : memref<4x80xi32, #tpu.memory_space<vmem>>)
    %rem3A_148 = arith.constant 1 : i32
    %rem3A_149 = arith.constant 4 : i32
    %rem3A_150 = arith.remsi %rem3A_148, %rem3A_149 : i32
    %dma_start3A_151 = arith.constant 0 : i32
    %dma_start3A_152 = arith.constant 1 : i32
    %dma_start3A_153 = arith.constant 1 : i32
    %dma_start3A_154 = arith.constant 0 : i32
    %dma_start3A_155 = arith.constant 0 : i32
    %dma_start3A_156 = tpu.memref_slice %arg9[%dma_start3A_152, %dma_start3A_154, %dma_start3A_155] : memref<2x80x128xf32, #tpu.memory_space<vmem>> -> memref<1x80x128xf32, #tpu.memory_space<vmem>>
    %dma_start3A_157 = tpu.memref_squeeze %dma_start3A_156 : memref<1x80x128xf32, #tpu.memory_space<vmem>> -> memref<80x128xf32, #tpu.memory_space<vmem>>
    %dma_start3A_158 = arith.constant 0 : i32
    %dma_start3A_159 = tpu.memref_slice %arg8[%rem3A_150, %dma_start3A_151, %dma_start3A_158] : memref<4x4x80xi32, #tpu.memory_space<vmem>> -> memref<1x1x80xi32, #tpu.memory_space<vmem>>
    %dma_start3A_160 = tpu.memref_squeeze %dma_start3A_159 : memref<1x1x80xi32, #tpu.memory_space<vmem>> -> memref<80xi32, #tpu.memory_space<vmem>>
    %dma_start3A_161 = arith.constant 0 : i32
    %dma_start3A_162 = arith.constant 0 : i32
    %dma_start3A_163 = tpu.memref_slice %arg2[%dma_start3A_161, %dma_start3A_162] : memref<10000x128xf32, #tpu.memory_space<hbm>> -> memref<10000x128xf32, #tpu.memory_space<hbm>>
    %dma_start3A_164 = tpu.memref_slice %arg11[%dma_start3A_153] : memref<2x!tpu.dma_semaphore, #tpu.memory_space<semaphore_mem>> -> memref<1x!tpu.dma_semaphore, #tpu.memory_space<semaphore_mem>>
    %dma_start3A_165 = tpu.memref_squeeze %dma_start3A_164 : memref<1x!tpu.dma_semaphore, #tpu.memory_space<semaphore_mem>> -> memref<!tpu.dma_semaphore, #tpu.memory_space<semaphore_mem>>
    tpu.enqueue_indirect_dma source(%dma_start3A_163 : memref<10000x128xf32, #tpu.memory_space<hbm>>) target(%dma_start3A_157 : memref<80x128xf32, #tpu.memory_space<vmem>>) offsets(%dma_start3A_160 : memref<80xi32, #tpu.memory_space<vmem>>) semaphore(%dma_start3A_165 : memref<!tpu.dma_semaphore, #tpu.memory_space<semaphore_mem>>)
    %add3A = arith.constant 0 : i32
    %add3A_166 = arith.addi %add3A, %arg0 : i32
    %rem3A_167 = arith.constant 4 : i32
    %rem3A_168 = arith.remsi %add3A_166, %rem3A_167 : i32
    %dma_start3A_169 = arith.constant 3 : i32
    %dma_start3A_170 = arith.constant 0 : i32
    %dma_start3A_171 = arith.constant 0 : i32
    %dma_start3A_172 = arith.constant 0 : i32
    %dma_start3A_173 = arith.constant 0 : i32
    %dma_start3A_174 = tpu.memref_slice %arg13[%dma_start3A_170, %dma_start3A_172, %dma_start3A_173] : memref<2x80x128xf32, #tpu.memory_space<vmem>> -> memref<1x80x128xf32, #tpu.memory_space<vmem>>
    %dma_start3A_175 = tpu.memref_squeeze %dma_start3A_174 : memref<1x80x128xf32, #tpu.memory_space<vmem>> -> memref<80x128xf32, #tpu.memory_space<vmem>>
    %dma_start3A_176 = arith.constant 0 : i32
    %dma_start3A_177 = tpu.memref_slice %arg8[%rem3A_168, %dma_start3A_169, %dma_start3A_176] : memref<4x4x80xi32, #tpu.memory_space<vmem>> -> memref<1x1x80xi32, #tpu.memory_space<vmem>>
    %dma_start3A_178 = tpu.memref_squeeze %dma_start3A_177 : memref<1x1x80xi32, #tpu.memory_space<vmem>> -> memref<80xi32, #tpu.memory_space<vmem>>
    %dma_start3A_179 = arith.constant 0 : i32
    %dma_start3A_180 = arith.constant 0 : i32
    %dma_start3A_181 = tpu.memref_slice %arg5[%dma_start3A_179, %dma_start3A_180] : memref<4104x128xf32, #tpu.memory_space<hbm>> -> memref<4104x128xf32, #tpu.memory_space<hbm>>
    %dma_start3A_182 = tpu.memref_slice %arg15[%dma_start3A_171] : memref<2x!tpu.dma_semaphore, #tpu.memory_space<semaphore_mem>> -> memref<1x!tpu.dma_semaphore, #tpu.memory_space<semaphore_mem>>
    %dma_start3A_183 = tpu.memref_squeeze %dma_start3A_182 : memref<1x!tpu.dma_semaphore, #tpu.memory_space<semaphore_mem>> -> memref<!tpu.dma_semaphore, #tpu.memory_space<semaphore_mem>>
    tpu.enqueue_indirect_dma source(%dma_start3A_181 : memref<4104x128xf32, #tpu.memory_space<hbm>>) target(%dma_start3A_175 : memref<80x128xf32, #tpu.memory_space<vmem>>) offsets(%dma_start3A_178 : memref<80xi32, #tpu.memory_space<vmem>>) semaphore(%dma_start3A_183 : memref<!tpu.dma_semaphore, #tpu.memory_space<semaphore_mem>>)
    %scan3A = arith.constant 0 : i32
    %scan3A_184 = arith.constant 0 : i32
    %scan3A_185 = arith.constant 124 : i32
    %scan3A_186 = arith.addi %scan3A_184, %scan3A_185 : i32
    %scan3A_187 = arith.constant 1 : i32
    scf.for %scan3A_317 = %scan3A_184 to %scan3A_186 step %scan3A_187  : i32 {
      %rem3A_318 = arith.constant 2 : i32
      %rem3A_319 = arith.remsi %scan3A_317, %rem3A_318 : i32
      %mul3A_320 = arith.constant 2 : i32
      %mul3A_321 = arith.muli %mul3A_320, %scan3A_317 : i32
      %add3A_322 = arith.addi %mul3A_321, %arg0 : i32
      %rem3A_323 = arith.constant 4 : i32
      %rem3A_324 = arith.remsi %add3A_322, %rem3A_323 : i32
      %dma_wait3A_325 = arith.constant 3 : i32
      %dma_wait3A_326 = arith.constant 0 : i32
      %dma_wait3A_327 = arith.constant 0 : i32
      %dma_wait3A_328 = tpu.memref_slice %arg13[%rem3A_319, %dma_wait3A_326, %dma_wait3A_327] : memref<2x80x128xf32, #tpu.memory_space<vmem>> -> memref<1x80x128xf32, #tpu.memory_space<vmem>>
      %dma_wait3A_329 = tpu.memref_squeeze %dma_wait3A_328 : memref<1x80x128xf32, #tpu.memory_space<vmem>> -> memref<80x128xf32, #tpu.memory_space<vmem>>
      %dma_wait3A_330 = arith.constant 0 : i32
      %dma_wait3A_331 = tpu.memref_slice %arg8[%rem3A_324, %dma_wait3A_325, %dma_wait3A_330] : memref<4x4x80xi32, #tpu.memory_space<vmem>> -> memref<1x1x80xi32, #tpu.memory_space<vmem>>
      %dma_wait3A_332 = tpu.memref_squeeze %dma_wait3A_331 : memref<1x1x80xi32, #tpu.memory_space<vmem>> -> memref<80xi32, #tpu.memory_space<vmem>>
      %dma_wait3A_333 = arith.constant 0 : i32
      %dma_wait3A_334 = arith.constant 0 : i32
      %dma_wait3A_335 = tpu.memref_slice %arg5[%dma_wait3A_333, %dma_wait3A_334] : memref<4104x128xf32, #tpu.memory_space<hbm>> -> memref<4104x128xf32, #tpu.memory_space<hbm>>
      %dma_wait3A_336 = tpu.memref_slice %arg15[%rem3A_319] : memref<2x!tpu.dma_semaphore, #tpu.memory_space<semaphore_mem>> -> memref<1x!tpu.dma_semaphore, #tpu.memory_space<semaphore_mem>>
      %dma_wait3A_337 = tpu.memref_squeeze %dma_wait3A_336 : memref<1x!tpu.dma_semaphore, #tpu.memory_space<semaphore_mem>> -> memref<!tpu.dma_semaphore, #tpu.memory_space<semaphore_mem>>
      tpu.wait_indirect_dma semaphore(%dma_wait3A_337 : memref<!tpu.dma_semaphore, #tpu.memory_space<semaphore_mem>>) src(%dma_wait3A_335 : memref<4104x128xf32, #tpu.memory_space<hbm>>) dst(%dma_wait3A_329 : memref<80x128xf32, #tpu.memory_space<vmem>>)
      %mul3A_338 = arith.constant 2 : i32
      %mul3A_339 = arith.muli %mul3A_338, %scan3A_317 : i32
      %add3A_340 = arith.addi %mul3A_339, %arg0 : i32
      %rem3A_341 = arith.constant 4 : i32
      %rem3A_342 = arith.remsi %add3A_340, %rem3A_341 : i32
      %run_scoped3A_343 = arith.constant 2 : i32
      "tpu.region"() ({
        %run_scoped3A_542 = tpu.sem_alloc : memref<!tpu.dma_semaphore, #tpu.memory_space<semaphore_mem>>
        %dma_start3A_543 = arith.constant 0 : i32
        %dma_start3A_544 = arith.constant 0 : i32
        %dma_start3A_545 = tpu.memref_slice %arg13[%rem3A_319, %dma_start3A_543, %dma_start3A_544] : memref<2x80x128xf32, #tpu.memory_space<vmem>> -> memref<1x80x128xf32, #tpu.memory_space<vmem>>
        %dma_start3A_546 = tpu.memref_squeeze %dma_start3A_545 : memref<1x80x128xf32, #tpu.memory_space<vmem>> -> memref<80x128xf32, #tpu.memory_space<vmem>>
        %dma_start3A_547 = arith.constant 0 : i32
        %dma_start3A_548 = tpu.memref_slice %arg8[%rem3A_342, %run_scoped3A_343, %dma_start3A_547] : memref<4x4x80xi32, #tpu.memory_space<vmem>> -> memref<1x1x80xi32, #tpu.memory_space<vmem>>
        %dma_start3A_549 = tpu.memref_squeeze %dma_start3A_548 : memref<1x1x80xi32, #tpu.memory_space<vmem>> -> memref<80xi32, #tpu.memory_space<vmem>>
        %dma_start3A_550 = arith.constant 0 : i32
        %dma_start3A_551 = arith.constant 0 : i32
        %dma_start3A_552 = tpu.memref_slice %arg14[%dma_start3A_550, %dma_start3A_551] : memref<1280x128xf32, #tpu.memory_space<vmem_shared>> -> memref<1280x128xf32, #tpu.memory_space<vmem_shared>>
        tpu.enqueue_indirect_dma source(%dma_start3A_546 : memref<80x128xf32, #tpu.memory_space<vmem>>) target(%dma_start3A_552 : memref<1280x128xf32, #tpu.memory_space<vmem_shared>>) offsets(%dma_start3A_549 : memref<80xi32, #tpu.memory_space<vmem>>) semaphore(%run_scoped3A_542 : memref<!tpu.dma_semaphore, #tpu.memory_space<semaphore_mem>>) {add = true}
        %dma_wait3A_553 = arith.constant 0 : i32
        %dma_wait3A_554 = arith.constant 0 : i32
        %dma_wait3A_555 = tpu.memref_slice %arg13[%rem3A_319, %dma_wait3A_553, %dma_wait3A_554] : memref<2x80x128xf32, #tpu.memory_space<vmem>> -> memref<1x80x128xf32, #tpu.memory_space<vmem>>
        %dma_wait3A_556 = tpu.memref_squeeze %dma_wait3A_555 : memref<1x80x128xf32, #tpu.memory_space<vmem>> -> memref<80x128xf32, #tpu.memory_space<vmem>>
        %dma_wait3A_557 = arith.constant 0 : i32
        %dma_wait3A_558 = tpu.memref_slice %arg8[%rem3A_342, %run_scoped3A_343, %dma_wait3A_557] : memref<4x4x80xi32, #tpu.memory_space<vmem>> -> memref<1x1x80xi32, #tpu.memory_space<vmem>>
        %dma_wait3A_559 = tpu.memref_squeeze %dma_wait3A_558 : memref<1x1x80xi32, #tpu.memory_space<vmem>> -> memref<80xi32, #tpu.memory_space<vmem>>
        %dma_wait3A_560 = arith.constant 0 : i32
        %dma_wait3A_561 = arith.constant 0 : i32
        %dma_wait3A_562 = tpu.memref_slice %arg14[%dma_wait3A_560, %dma_wait3A_561] : memref<1280x128xf32, #tpu.memory_space<vmem_shared>> -> memref<1280x128xf32, #tpu.memory_space<vmem_shared>>
        tpu.wait_indirect_dma semaphore(%run_scoped3A_542 : memref<!tpu.dma_semaphore, #tpu.memory_space<semaphore_mem>>) src(%dma_wait3A_556 : memref<80x128xf32, #tpu.memory_space<vmem>>) dst(%dma_wait3A_562 : memref<1280x128xf32, #tpu.memory_space<vmem_shared>>)
        tpu.yield
      }) : () -> ()
      %mul3A_344 = arith.constant 2 : i32
      %mul3A_345 = arith.muli %scan3A_317, %mul3A_344 : i32
      %rem3A_346 = arith.constant 4 : i32
      %rem3A_347 = arith.remsi %mul3A_345, %rem3A_346 : i32
      %rem3A_348 = arith.constant 4 : i32
      %rem3A_349 = arith.remsi %mul3A_345, %rem3A_348 : i32
      %dma_wait3A_350 = arith.constant 0 : i32
      %dma_wait3A_351 = arith.constant 0 : i32
      %dma_wait3A_352 = arith.constant 0 : i32
      %dma_wait3A_353 = arith.constant 0 : i32
      %dma_wait3A_354 = arith.constant 0 : i32
      %dma_wait3A_355 = tpu.memref_slice %arg9[%dma_wait3A_351, %dma_wait3A_353, %dma_wait3A_354] : memref<2x80x128xf32, #tpu.memory_space<vmem>> -> memref<1x80x128xf32, #tpu.memory_space<vmem>>
      %dma_wait3A_356 = tpu.memref_squeeze %dma_wait3A_355 : memref<1x80x128xf32, #tpu.memory_space<vmem>> -> memref<80x128xf32, #tpu.memory_space<vmem>>
      %dma_wait3A_357 = arith.constant 0 : i32
      %dma_wait3A_358 = tpu.memref_slice %arg8[%rem3A_349, %dma_wait3A_350, %dma_wait3A_357] : memref<4x4x80xi32, #tpu.memory_space<vmem>> -> memref<1x1x80xi32, #tpu.memory_space<vmem>>
      %dma_wait3A_359 = tpu.memref_squeeze %dma_wait3A_358 : memref<1x1x80xi32, #tpu.memory_space<vmem>> -> memref<80xi32, #tpu.memory_space<vmem>>
      %dma_wait3A_360 = arith.constant 0 : i32
      %dma_wait3A_361 = arith.constant 0 : i32
      %dma_wait3A_362 = tpu.memref_slice %arg2[%dma_wait3A_360, %dma_wait3A_361] : memref<10000x128xf32, #tpu.memory_space<hbm>> -> memref<10000x128xf32, #tpu.memory_space<hbm>>
      %dma_wait3A_363 = tpu.memref_slice %arg11[%dma_wait3A_352] : memref<2x!tpu.dma_semaphore, #tpu.memory_space<semaphore_mem>> -> memref<1x!tpu.dma_semaphore, #tpu.memory_space<semaphore_mem>>
      %dma_wait3A_364 = tpu.memref_squeeze %dma_wait3A_363 : memref<1x!tpu.dma_semaphore, #tpu.memory_space<semaphore_mem>> -> memref<!tpu.dma_semaphore, #tpu.memory_space<semaphore_mem>>
      tpu.wait_indirect_dma semaphore(%dma_wait3A_364 : memref<!tpu.dma_semaphore, #tpu.memory_space<semaphore_mem>>) src(%dma_wait3A_362 : memref<10000x128xf32, #tpu.memory_space<hbm>>) dst(%dma_wait3A_356 : memref<80x128xf32, #tpu.memory_space<vmem>>)
      %run_scoped3A_365 = arith.constant 0 : i32
      %run_scoped3A_366 = arith.constant 1 : i32
      "tpu.region"() ({
        %run_scoped3A_542 = tpu.sem_alloc : memref<!tpu.dma_semaphore, #tpu.memory_space<semaphore_mem>>
        %dma_start3A_543 = arith.constant 0 : i32
        %dma_start3A_544 = arith.constant 0 : i32
        %dma_start3A_545 = tpu.memref_slice %arg9[%run_scoped3A_365, %dma_start3A_543, %dma_start3A_544] : memref<2x80x128xf32, #tpu.memory_space<vmem>> -> memref<1x80x128xf32, #tpu.memory_space<vmem>>
        %dma_start3A_546 = tpu.memref_squeeze %dma_start3A_545 : memref<1x80x128xf32, #tpu.memory_space<vmem>> -> memref<80x128xf32, #tpu.memory_space<vmem>>
        %dma_start3A_547 = arith.constant 0 : i32
        %dma_start3A_548 = tpu.memref_slice %arg8[%rem3A_347, %run_scoped3A_366, %dma_start3A_547] : memref<4x4x80xi32, #tpu.memory_space<vmem>> -> memref<1x1x80xi32, #tpu.memory_space<vmem>>
        %dma_start3A_549 = tpu.memref_squeeze %dma_start3A_548 : memref<1x1x80xi32, #tpu.memory_space<vmem>> -> memref<80xi32, #tpu.memory_space<vmem>>
        %dma_start3A_550 = arith.constant 0 : i32
        %dma_start3A_551 = arith.constant 0 : i32
        %dma_start3A_552 = tpu.memref_slice %arg10[%dma_start3A_550, %dma_start3A_551] : memref<5064x128xf32, #tpu.memory_space<vmem_shared>> -> memref<5064x128xf32, #tpu.memory_space<vmem_shared>>
        tpu.enqueue_indirect_dma source(%dma_start3A_546 : memref<80x128xf32, #tpu.memory_space<vmem>>) target(%dma_start3A_552 : memref<5064x128xf32, #tpu.memory_space<vmem_shared>>) offsets(%dma_start3A_549 : memref<80xi32, #tpu.memory_space<vmem>>) semaphore(%run_scoped3A_542 : memref<!tpu.dma_semaphore, #tpu.memory_space<semaphore_mem>>) {add = true}
        %dma_wait3A_553 = arith.constant 0 : i32
        %dma_wait3A_554 = arith.constant 0 : i32
        %dma_wait3A_555 = tpu.memref_slice %arg9[%run_scoped3A_365, %dma_wait3A_553, %dma_wait3A_554] : memref<2x80x128xf32, #tpu.memory_space<vmem>> -> memref<1x80x128xf32, #tpu.memory_space<vmem>>
        %dma_wait3A_556 = tpu.memref_squeeze %dma_wait3A_555 : memref<1x80x128xf32, #tpu.memory_space<vmem>> -> memref<80x128xf32, #tpu.memory_space<vmem>>
        %dma_wait3A_557 = arith.constant 0 : i32
        %dma_wait3A_558 = tpu.memref_slice %arg8[%rem3A_347, %run_scoped3A_366, %dma_wait3A_557] : memref<4x4x80xi32, #tpu.memory_space<vmem>> -> memref<1x1x80xi32, #tpu.memory_space<vmem>>
        %dma_wait3A_559 = tpu.memref_squeeze %dma_wait3A_558 : memref<1x1x80xi32, #tpu.memory_space<vmem>> -> memref<80xi32, #tpu.memory_space<vmem>>
        %dma_wait3A_560 = arith.constant 0 : i32
        %dma_wait3A_561 = arith.constant 0 : i32
        %dma_wait3A_562 = tpu.memref_slice %arg10[%dma_wait3A_560, %dma_wait3A_561] : memref<5064x128xf32, #tpu.memory_space<vmem_shared>> -> memref<5064x128xf32, #tpu.memory_space<vmem_shared>>
        tpu.wait_indirect_dma semaphore(%run_scoped3A_542 : memref<!tpu.dma_semaphore, #tpu.memory_space<semaphore_mem>>) src(%dma_wait3A_556 : memref<80x128xf32, #tpu.memory_space<vmem>>) dst(%dma_wait3A_562 : memref<5064x128xf32, #tpu.memory_space<vmem_shared>>)
        tpu.yield
      }) : () -> ()
      %add3A_367 = arith.constant 4 : i32
      %add3A_368 = arith.addi %mul3A_345, %add3A_367 : i32
      %dma_start3A_369 = arith.constant 0 : i32
      %dma_start3A_370 = arith.constant 0 : i32
      %dma_start3A_371 = tpu.memref_slice %arg8[%rem3A_347, %dma_start3A_369, %dma_start3A_370] : memref<4x4x80xi32, #tpu.memory_space<vmem>> -> memref<1x4x80xi32, #tpu.memory_space<vmem>>
      %dma_start3A_372 = tpu.memref_squeeze %dma_start3A_371 : memref<1x4x80xi32, #tpu.memory_space<vmem>> -> memref<4x80xi32, #tpu.memory_space<vmem>>
      %dma_start3A_373 = arith.constant 0 : i32
      %dma_start3A_374 = arith.constant 0 : i32
      %dma_start3A_375 = tpu.memref_slice %arg3[%arg0, %arg1, %add3A_368, %dma_start3A_373, %dma_start3A_374] : memref<2x16x254x4x80xi32, #tpu.memory_space<hbm>> -> memref<1x1x1x4x80xi32, #tpu.memory_space<hbm>>
      %dma_start3A_376 = tpu.memref_squeeze %dma_start3A_375 : memref<1x1x1x4x80xi32, #tpu.memory_space<hbm>> -> memref<4x80xi32, #tpu.memory_space<hbm>>
      %dma_start3A_377 = tpu.memref_slice %arg12[%rem3A_347] : memref<4x!tpu.dma_semaphore, #tpu.memory_space<semaphore_mem>> -> memref<1x!tpu.dma_semaphore, #tpu.memory_space<semaphore_mem>>
      %dma_start3A_378 = tpu.memref_squeeze %dma_start3A_377 : memref<1x!tpu.dma_semaphore, #tpu.memory_space<semaphore_mem>> -> memref<!tpu.dma_semaphore, #tpu.memory_space<semaphore_mem>>
      %dma_start3A_379 = arith.constant 0 : i32
      %dma_start3A_380 = arith.constant 0 : i32
      %dma_start3A_381 = tpu.memref_slice %arg8[%rem3A_347, %dma_start3A_379, %dma_start3A_380] : memref<4x4x80xi32, #tpu.memory_space<vmem>> -> memref<1x4x80xi32, #tpu.memory_space<vmem>>
      %dma_start3A_382 = tpu.memref_squeeze %dma_start3A_381 : memref<1x4x80xi32, #tpu.memory_space<vmem>> -> memref<4x80xi32, #tpu.memory_space<vmem>>
      %dma_start3A_383 = arith.constant 0 : i32
      %dma_start3A_384 = arith.constant 0 : i32
      %dma_start3A_385 = tpu.memref_slice %arg3[%arg0, %arg1, %add3A_368, %dma_start3A_383, %dma_start3A_384] : memref<2x16x254x4x80xi32, #tpu.memory_space<hbm>> -> memref<1x1x1x4x80xi32, #tpu.memory_space<hbm>>
      %dma_start3A_386 = tpu.memref_squeeze %dma_start3A_385 : memref<1x1x1x4x80xi32, #tpu.memory_space<hbm>> -> memref<4x80xi32, #tpu.memory_space<hbm>>
      tpu.enqueue_dma source(%dma_start3A_386 : memref<4x80xi32, #tpu.memory_space<hbm>>) target(%dma_start3A_382 : memref<4x80xi32, #tpu.memory_space<vmem>>) target_semaphore(%dma_start3A_378 : memref<!tpu.dma_semaphore, #tpu.memory_space<semaphore_mem>>)
      %add3A_387 = arith.constant 2 : i32
      %add3A_388 = arith.addi %mul3A_345, %add3A_387 : i32
      %add3A_389 = arith.constant 2 : i32
      %add3A_390 = arith.addi %mul3A_345, %add3A_389 : i32
      %rem3A_391 = arith.constant 4 : i32
      %rem3A_392 = arith.remsi %add3A_390, %rem3A_391 : i32
      %dma_wait3A_393 = arith.constant 0 : i32
      %dma_wait3A_394 = arith.constant 0 : i32
      %dma_wait3A_395 = tpu.memref_slice %arg8[%rem3A_392, %dma_wait3A_393, %dma_wait3A_394] : memref<4x4x80xi32, #tpu.memory_space<vmem>> -> memref<1x4x80xi32, #tpu.memory_space<vmem>>
      %dma_wait3A_396 = tpu.memref_squeeze %dma_wait3A_395 : memref<1x4x80xi32, #tpu.memory_space<vmem>> -> memref<4x80xi32, #tpu.memory_space<vmem>>
      %dma_wait3A_397 = arith.constant 0 : i32
      %dma_wait3A_398 = arith.constant 0 : i32
      %dma_wait3A_399 = tpu.memref_slice %arg3[%arg0, %arg1, %add3A_388, %dma_wait3A_397, %dma_wait3A_398] : memref<2x16x254x4x80xi32, #tpu.memory_space<hbm>> -> memref<1x1x1x4x80xi32, #tpu.memory_space<hbm>>
      %dma_wait3A_400 = tpu.memref_squeeze %dma_wait3A_399 : memref<1x1x1x4x80xi32, #tpu.memory_space<hbm>> -> memref<4x80xi32, #tpu.memory_space<hbm>>
      %dma_wait3A_401 = tpu.memref_slice %arg12[%rem3A_392] : memref<4x!tpu.dma_semaphore, #tpu.memory_space<semaphore_mem>> -> memref<1x!tpu.dma_semaphore, #tpu.memory_space<semaphore_mem>>
      %dma_wait3A_402 = tpu.memref_squeeze %dma_wait3A_401 : memref<1x!tpu.dma_semaphore, #tpu.memory_space<semaphore_mem>> -> memref<!tpu.dma_semaphore, #tpu.memory_space<semaphore_mem>>
      %dma_wait3A_403 = arith.constant 0 : i32
      %dma_wait3A_404 = arith.constant 0 : i32
      %dma_wait3A_405 = tpu.memref_slice %arg8[%rem3A_392, %dma_wait3A_403, %dma_wait3A_404] : memref<4x4x80xi32, #tpu.memory_space<vmem>> -> memref<1x4x80xi32, #tpu.memory_space<vmem>>
      %dma_wait3A_406 = tpu.memref_squeeze %dma_wait3A_405 : memref<1x4x80xi32, #tpu.memory_space<vmem>> -> memref<4x80xi32, #tpu.memory_space<vmem>>
      %dma_wait3A_407 = arith.constant 0 : i32
      %dma_wait3A_408 = arith.constant 0 : i32
      %dma_wait3A_409 = tpu.memref_slice %arg3[%arg0, %arg1, %add3A_388, %dma_wait3A_407, %dma_wait3A_408] : memref<2x16x254x4x80xi32, #tpu.memory_space<hbm>> -> memref<1x1x1x4x80xi32, #tpu.memory_space<hbm>>
      %dma_wait3A_410 = tpu.memref_squeeze %dma_wait3A_409 : memref<1x1x1x4x80xi32, #tpu.memory_space<hbm>> -> memref<4x80xi32, #tpu.memory_space<hbm>>
      tpu.wait_dma2 semaphore(%dma_wait3A_402 : memref<!tpu.dma_semaphore, #tpu.memory_space<semaphore_mem>>) src(%dma_wait3A_410 : memref<4x80xi32, #tpu.memory_space<hbm>>) dst(%dma_wait3A_406 : memref<4x80xi32, #tpu.memory_space<vmem>>)
      %add3A_411 = arith.constant 2 : i32
      %add3A_412 = arith.addi %mul3A_345, %add3A_411 : i32
      %rem3A_413 = arith.constant 4 : i32
      %rem3A_414 = arith.remsi %add3A_412, %rem3A_413 : i32
      %dma_start3A_415 = arith.constant 0 : i32
      %dma_start3A_416 = arith.constant 0 : i32
      %dma_start3A_417 = arith.constant 0 : i32
      %dma_start3A_418 = arith.constant 0 : i32
      %dma_start3A_419 = arith.constant 0 : i32
      %dma_start3A_420 = tpu.memref_slice %arg9[%dma_start3A_416, %dma_start3A_418, %dma_start3A_419] : memref<2x80x128xf32, #tpu.memory_space<vmem>> -> memref<1x80x128xf32, #tpu.memory_space<vmem>>
      %dma_start3A_421 = tpu.memref_squeeze %dma_start3A_420 : memref<1x80x128xf32, #tpu.memory_space<vmem>> -> memref<80x128xf32, #tpu.memory_space<vmem>>
      %dma_start3A_422 = arith.constant 0 : i32
      %dma_start3A_423 = tpu.memref_slice %arg8[%rem3A_414, %dma_start3A_415, %dma_start3A_422] : memref<4x4x80xi32, #tpu.memory_space<vmem>> -> memref<1x1x80xi32, #tpu.memory_space<vmem>>
      %dma_start3A_424 = tpu.memref_squeeze %dma_start3A_423 : memref<1x1x80xi32, #tpu.memory_space<vmem>> -> memref<80xi32, #tpu.memory_space<vmem>>
      %dma_start3A_425 = arith.constant 0 : i32
      %dma_start3A_426 = arith.constant 0 : i32
      %dma_start3A_427 = tpu.memref_slice %arg2[%dma_start3A_425, %dma_start3A_426] : memref<10000x128xf32, #tpu.memory_space<hbm>> -> memref<10000x128xf32, #tpu.memory_space<hbm>>
      %dma_start3A_428 = tpu.memref_slice %arg11[%dma_start3A_417] : memref<2x!tpu.dma_semaphore, #tpu.memory_space<semaphore_mem>> -> memref<1x!tpu.dma_semaphore, #tpu.memory_space<semaphore_mem>>
      %dma_start3A_429 = tpu.memref_squeeze %dma_start3A_428 : memref<1x!tpu.dma_semaphore, #tpu.memory_space<semaphore_mem>> -> memref<!tpu.dma_semaphore, #tpu.memory_space<semaphore_mem>>
      tpu.enqueue_indirect_dma source(%dma_start3A_427 : memref<10000x128xf32, #tpu.memory_space<hbm>>) target(%dma_start3A_421 : memref<80x128xf32, #tpu.memory_space<vmem>>) offsets(%dma_start3A_424 : memref<80xi32, #tpu.memory_space<vmem>>) semaphore(%dma_start3A_429 : memref<!tpu.dma_semaphore, #tpu.memory_space<semaphore_mem>>)
      %mul3A_430 = arith.constant 2 : i32
      %mul3A_431 = arith.muli %scan3A_317, %mul3A_430 : i32
      %add3A_432 = arith.constant 1 : i32
      %add3A_433 = arith.addi %mul3A_431, %add3A_432 : i32
      %rem3A_434 = arith.constant 4 : i32
      %rem3A_435 = arith.remsi %add3A_433, %rem3A_434 : i32
      %rem3A_436 = arith.constant 4 : i32
      %rem3A_437 = arith.remsi %add3A_433, %rem3A_436 : i32
      %dma_wait3A_438 = arith.constant 0 : i32
      %dma_wait3A_439 = arith.constant 1 : i32
      %dma_wait3A_440 = arith.constant 1 : i32
      %dma_wait3A_441 = arith.constant 0 : i32
      %dma_wait3A_442 = arith.constant 0 : i32
      %dma_wait3A_443 = tpu.memref_slice %arg9[%dma_wait3A_439, %dma_wait3A_441, %dma_wait3A_442] : memref<2x80x128xf32, #tpu.memory_space<vmem>> -> memref<1x80x128xf32, #tpu.memory_space<vmem>>
      %dma_wait3A_444 = tpu.memref_squeeze %dma_wait3A_443 : memref<1x80x128xf32, #tpu.memory_space<vmem>> -> memref<80x128xf32, #tpu.memory_space<vmem>>
      %dma_wait3A_445 = arith.constant 0 : i32
      %dma_wait3A_446 = tpu.memref_slice %arg8[%rem3A_437, %dma_wait3A_438, %dma_wait3A_445] : memref<4x4x80xi32, #tpu.memory_space<vmem>> -> memref<1x1x80xi32, #tpu.memory_space<vmem>>
      %dma_wait3A_447 = tpu.memref_squeeze %dma_wait3A_446 : memref<1x1x80xi32, #tpu.memory_space<vmem>> -> memref<80xi32, #tpu.memory_space<vmem>>
      %dma_wait3A_448 = arith.constant 0 : i32
      %dma_wait3A_449 = arith.constant 0 : i32
      %dma_wait3A_450 = tpu.memref_slice %arg2[%dma_wait3A_448, %dma_wait3A_449] : memref<10000x128xf32, #tpu.memory_space<hbm>> -> memref<10000x128xf32, #tpu.memory_space<hbm>>
      %dma_wait3A_451 = tpu.memref_slice %arg11[%dma_wait3A_440] : memref<2x!tpu.dma_semaphore, #tpu.memory_space<semaphore_mem>> -> memref<1x!tpu.dma_semaphore, #tpu.memory_space<semaphore_mem>>
      %dma_wait3A_452 = tpu.memref_squeeze %dma_wait3A_451 : memref<1x!tpu.dma_semaphore, #tpu.memory_space<semaphore_mem>> -> memref<!tpu.dma_semaphore, #tpu.memory_space<semaphore_mem>>
      tpu.wait_indirect_dma semaphore(%dma_wait3A_452 : memref<!tpu.dma_semaphore, #tpu.memory_space<semaphore_mem>>) src(%dma_wait3A_450 : memref<10000x128xf32, #tpu.memory_space<hbm>>) dst(%dma_wait3A_444 : memref<80x128xf32, #tpu.memory_space<vmem>>)
      %run_scoped3A_453 = arith.constant 1 : i32
      %run_scoped3A_454 = arith.constant 1 : i32
      "tpu.region"() ({
        %run_scoped3A_542 = tpu.sem_alloc : memref<!tpu.dma_semaphore, #tpu.memory_space<semaphore_mem>>
        %dma_start3A_543 = arith.constant 0 : i32
        %dma_start3A_544 = arith.constant 0 : i32
        %dma_start3A_545 = tpu.memref_slice %arg9[%run_scoped3A_453, %dma_start3A_543, %dma_start3A_544] : memref<2x80x128xf32, #tpu.memory_space<vmem>> -> memref<1x80x128xf32, #tpu.memory_space<vmem>>
        %dma_start3A_546 = tpu.memref_squeeze %dma_start3A_545 : memref<1x80x128xf32, #tpu.memory_space<vmem>> -> memref<80x128xf32, #tpu.memory_space<vmem>>
        %dma_start3A_547 = arith.constant 0 : i32
        %dma_start3A_548 = tpu.memref_slice %arg8[%rem3A_435, %run_scoped3A_454, %dma_start3A_547] : memref<4x4x80xi32, #tpu.memory_space<vmem>> -> memref<1x1x80xi32, #tpu.memory_space<vmem>>
        %dma_start3A_549 = tpu.memref_squeeze %dma_start3A_548 : memref<1x1x80xi32, #tpu.memory_space<vmem>> -> memref<80xi32, #tpu.memory_space<vmem>>
        %dma_start3A_550 = arith.constant 0 : i32
        %dma_start3A_551 = arith.constant 0 : i32
        %dma_start3A_552 = tpu.memref_slice %arg10[%dma_start3A_550, %dma_start3A_551] : memref<5064x128xf32, #tpu.memory_space<vmem_shared>> -> memref<5064x128xf32, #tpu.memory_space<vmem_shared>>
        tpu.enqueue_indirect_dma source(%dma_start3A_546 : memref<80x128xf32, #tpu.memory_space<vmem>>) target(%dma_start3A_552 : memref<5064x128xf32, #tpu.memory_space<vmem_shared>>) offsets(%dma_start3A_549 : memref<80xi32, #tpu.memory_space<vmem>>) semaphore(%run_scoped3A_542 : memref<!tpu.dma_semaphore, #tpu.memory_space<semaphore_mem>>) {add = true}
        %dma_wait3A_553 = arith.constant 0 : i32
        %dma_wait3A_554 = arith.constant 0 : i32
        %dma_wait3A_555 = tpu.memref_slice %arg9[%run_scoped3A_453, %dma_wait3A_553, %dma_wait3A_554] : memref<2x80x128xf32, #tpu.memory_space<vmem>> -> memref<1x80x128xf32, #tpu.memory_space<vmem>>
        %dma_wait3A_556 = tpu.memref_squeeze %dma_wait3A_555 : memref<1x80x128xf32, #tpu.memory_space<vmem>> -> memref<80x128xf32, #tpu.memory_space<vmem>>
        %dma_wait3A_557 = arith.constant 0 : i32
        %dma_wait3A_558 = tpu.memref_slice %arg8[%rem3A_435, %run_scoped3A_454, %dma_wait3A_557] : memref<4x4x80xi32, #tpu.memory_space<vmem>> -> memref<1x1x80xi32, #tpu.memory_space<vmem>>
        %dma_wait3A_559 = tpu.memref_squeeze %dma_wait3A_558 : memref<1x1x80xi32, #tpu.memory_space<vmem>> -> memref<80xi32, #tpu.memory_space<vmem>>
        %dma_wait3A_560 = arith.constant 0 : i32
        %dma_wait3A_561 = arith.constant 0 : i32
        %dma_wait3A_562 = tpu.memref_slice %arg10[%dma_wait3A_560, %dma_wait3A_561] : memref<5064x128xf32, #tpu.memory_space<vmem_shared>> -> memref<5064x128xf32, #tpu.memory_space<vmem_shared>>
        tpu.wait_indirect_dma semaphore(%run_scoped3A_542 : memref<!tpu.dma_semaphore, #tpu.memory_space<semaphore_mem>>) src(%dma_wait3A_556 : memref<80x128xf32, #tpu.memory_space<vmem>>) dst(%dma_wait3A_562 : memref<5064x128xf32, #tpu.memory_space<vmem_shared>>)
        tpu.yield
      }) : () -> ()
      %add3A_455 = arith.constant 4 : i32
      %add3A_456 = arith.addi %add3A_433, %add3A_455 : i32
      %dma_start3A_457 = arith.constant 0 : i32
      %dma_start3A_458 = arith.constant 0 : i32
      %dma_start3A_459 = tpu.memref_slice %arg8[%rem3A_435, %dma_start3A_457, %dma_start3A_458] : memref<4x4x80xi32, #tpu.memory_space<vmem>> -> memref<1x4x80xi32, #tpu.memory_space<vmem>>
      %dma_start3A_460 = tpu.memref_squeeze %dma_start3A_459 : memref<1x4x80xi32, #tpu.memory_space<vmem>> -> memref<4x80xi32, #tpu.memory_space<vmem>>
      %dma_start3A_461 = arith.constant 0 : i32
      %dma_start3A_462 = arith.constant 0 : i32
      %dma_start3A_463 = tpu.memref_slice %arg3[%arg0, %arg1, %add3A_456, %dma_start3A_461, %dma_start3A_462] : memref<2x16x254x4x80xi32, #tpu.memory_space<hbm>> -> memref<1x1x1x4x80xi32, #tpu.memory_space<hbm>>
      %dma_start3A_464 = tpu.memref_squeeze %dma_start3A_463 : memref<1x1x1x4x80xi32, #tpu.memory_space<hbm>> -> memref<4x80xi32, #tpu.memory_space<hbm>>
      %dma_start3A_465 = tpu.memref_slice %arg12[%rem3A_435] : memref<4x!tpu.dma_semaphore, #tpu.memory_space<semaphore_mem>> -> memref<1x!tpu.dma_semaphore, #tpu.memory_space<semaphore_mem>>
      %dma_start3A_466 = tpu.memref_squeeze %dma_start3A_465 : memref<1x!tpu.dma_semaphore, #tpu.memory_space<semaphore_mem>> -> memref<!tpu.dma_semaphore, #tpu.memory_space<semaphore_mem>>
      %dma_start3A_467 = arith.constant 0 : i32
      %dma_start3A_468 = arith.constant 0 : i32
      %dma_start3A_469 = tpu.memref_slice %arg8[%rem3A_435, %dma_start3A_467, %dma_start3A_468] : memref<4x4x80xi32, #tpu.memory_space<vmem>> -> memref<1x4x80xi32, #tpu.memory_space<vmem>>
      %dma_start3A_470 = tpu.memref_squeeze %dma_start3A_469 : memref<1x4x80xi32, #tpu.memory_space<vmem>> -> memref<4x80xi32, #tpu.memory_space<vmem>>
      %dma_start3A_471 = arith.constant 0 : i32
      %dma_start3A_472 = arith.constant 0 : i32
      %dma_start3A_473 = tpu.memref_slice %arg3[%arg0, %arg1, %add3A_456, %dma_start3A_471, %dma_start3A_472] : memref<2x16x254x4x80xi32, #tpu.memory_space<hbm>> -> memref<1x1x1x4x80xi32, #tpu.memory_space<hbm>>
      %dma_start3A_474 = tpu.memref_squeeze %dma_start3A_473 : memref<1x1x1x4x80xi32, #tpu.memory_space<hbm>> -> memref<4x80xi32, #tpu.memory_space<hbm>>
      tpu.enqueue_dma source(%dma_start3A_474 : memref<4x80xi32, #tpu.memory_space<hbm>>) target(%dma_start3A_470 : memref<4x80xi32, #tpu.memory_space<vmem>>) target_semaphore(%dma_start3A_466 : memref<!tpu.dma_semaphore, #tpu.memory_space<semaphore_mem>>)
      %add3A_475 = arith.constant 2 : i32
      %add3A_476 = arith.addi %add3A_433, %add3A_475 : i32
      %add3A_477 = arith.constant 2 : i32
      %add3A_478 = arith.addi %add3A_433, %add3A_477 : i32
      %rem3A_479 = arith.constant 4 : i32
      %rem3A_480 = arith.remsi %add3A_478, %rem3A_479 : i32
      %dma_wait3A_481 = arith.constant 0 : i32
      %dma_wait3A_482 = arith.constant 0 : i32
      %dma_wait3A_483 = tpu.memref_slice %arg8[%rem3A_480, %dma_wait3A_481, %dma_wait3A_482] : memref<4x4x80xi32, #tpu.memory_space<vmem>> -> memref<1x4x80xi32, #tpu.memory_space<vmem>>
      %dma_wait3A_484 = tpu.memref_squeeze %dma_wait3A_483 : memref<1x4x80xi32, #tpu.memory_space<vmem>> -> memref<4x80xi32, #tpu.memory_space<vmem>>
      %dma_wait3A_485 = arith.constant 0 : i32
      %dma_wait3A_486 = arith.constant 0 : i32
      %dma_wait3A_487 = tpu.memref_slice %arg3[%arg0, %arg1, %add3A_476, %dma_wait3A_485, %dma_wait3A_486] : memref<2x16x254x4x80xi32, #tpu.memory_space<hbm>> -> memref<1x1x1x4x80xi32, #tpu.memory_space<hbm>>
      %dma_wait3A_488 = tpu.memref_squeeze %dma_wait3A_487 : memref<1x1x1x4x80xi32, #tpu.memory_space<hbm>> -> memref<4x80xi32, #tpu.memory_space<hbm>>
      %dma_wait3A_489 = tpu.memref_slice %arg12[%rem3A_480] : memref<4x!tpu.dma_semaphore, #tpu.memory_space<semaphore_mem>> -> memref<1x!tpu.dma_semaphore, #tpu.memory_space<semaphore_mem>>
      %dma_wait3A_490 = tpu.memref_squeeze %dma_wait3A_489 : memref<1x!tpu.dma_semaphore, #tpu.memory_space<semaphore_mem>> -> memref<!tpu.dma_semaphore, #tpu.memory_space<semaphore_mem>>
      %dma_wait3A_491 = arith.constant 0 : i32
      %dma_wait3A_492 = arith.constant 0 : i32
      %dma_wait3A_493 = tpu.memref_slice %arg8[%rem3A_480, %dma_wait3A_491, %dma_wait3A_492] : memref<4x4x80xi32, #tpu.memory_space<vmem>> -> memref<1x4x80xi32, #tpu.memory_space<vmem>>
      %dma_wait3A_494 = tpu.memref_squeeze %dma_wait3A_493 : memref<1x4x80xi32, #tpu.memory_space<vmem>> -> memref<4x80xi32, #tpu.memory_space<vmem>>
      %dma_wait3A_495 = arith.constant 0 : i32
      %dma_wait3A_496 = arith.constant 0 : i32
      %dma_wait3A_497 = tpu.memref_slice %arg3[%arg0, %arg1, %add3A_476, %dma_wait3A_495, %dma_wait3A_496] : memref<2x16x254x4x80xi32, #tpu.memory_space<hbm>> -> memref<1x1x1x4x80xi32, #tpu.memory_space<hbm>>
      %dma_wait3A_498 = tpu.memref_squeeze %dma_wait3A_497 : memref<1x1x1x4x80xi32, #tpu.memory_space<hbm>> -> memref<4x80xi32, #tpu.memory_space<hbm>>
      tpu.wait_dma2 semaphore(%dma_wait3A_490 : memref<!tpu.dma_semaphore, #tpu.memory_space<semaphore_mem>>) src(%dma_wait3A_498 : memref<4x80xi32, #tpu.memory_space<hbm>>) dst(%dma_wait3A_494 : memref<4x80xi32, #tpu.memory_space<vmem>>)
      %add3A_499 = arith.constant 2 : i32
      %add3A_500 = arith.addi %add3A_433, %add3A_499 : i32
      %rem3A_501 = arith.constant 4 : i32
      %rem3A_502 = arith.remsi %add3A_500, %rem3A_501 : i32
      %dma_start3A_503 = arith.constant 0 : i32
      %dma_start3A_504 = arith.constant 1 : i32
      %dma_start3A_505 = arith.constant 1 : i32
      %dma_start3A_506 = arith.constant 0 : i32
      %dma_start3A_507 = arith.constant 0 : i32
      %dma_start3A_508 = tpu.memref_slice %arg9[%dma_start3A_504, %dma_start3A_506, %dma_start3A_507] : memref<2x80x128xf32, #tpu.memory_space<vmem>> -> memref<1x80x128xf32, #tpu.memory_space<vmem>>
      %dma_start3A_509 = tpu.memref_squeeze %dma_start3A_508 : memref<1x80x128xf32, #tpu.memory_space<vmem>> -> memref<80x128xf32, #tpu.memory_space<vmem>>
      %dma_start3A_510 = arith.constant 0 : i32
      %dma_start3A_511 = tpu.memref_slice %arg8[%rem3A_502, %dma_start3A_503, %dma_start3A_510] : memref<4x4x80xi32, #tpu.memory_space<vmem>> -> memref<1x1x80xi32, #tpu.memory_space<vmem>>
      %dma_start3A_512 = tpu.memref_squeeze %dma_start3A_511 : memref<1x1x80xi32, #tpu.memory_space<vmem>> -> memref<80xi32, #tpu.memory_space<vmem>>
      %dma_start3A_513 = arith.constant 0 : i32
      %dma_start3A_514 = arith.constant 0 : i32
      %dma_start3A_515 = tpu.memref_slice %arg2[%dma_start3A_513, %dma_start3A_514] : memref<10000x128xf32, #tpu.memory_space<hbm>> -> memref<10000x128xf32, #tpu.memory_space<hbm>>
      %dma_start3A_516 = tpu.memref_slice %arg11[%dma_start3A_505] : memref<2x!tpu.dma_semaphore, #tpu.memory_space<semaphore_mem>> -> memref<1x!tpu.dma_semaphore, #tpu.memory_space<semaphore_mem>>
      %dma_start3A_517 = tpu.memref_squeeze %dma_start3A_516 : memref<1x!tpu.dma_semaphore, #tpu.memory_space<semaphore_mem>> -> memref<!tpu.dma_semaphore, #tpu.memory_space<semaphore_mem>>
      tpu.enqueue_indirect_dma source(%dma_start3A_515 : memref<10000x128xf32, #tpu.memory_space<hbm>>) target(%dma_start3A_509 : memref<80x128xf32, #tpu.memory_space<vmem>>) offsets(%dma_start3A_512 : memref<80xi32, #tpu.memory_space<vmem>>) semaphore(%dma_start3A_517 : memref<!tpu.dma_semaphore, #tpu.memory_space<semaphore_mem>>)
      %add3A_518 = arith.constant 1 : i32
      %add3A_519 = arith.addi %scan3A_317, %add3A_518 : i32
      %add3A_520 = arith.constant 1 : i32
      %add3A_521 = arith.addi %scan3A_317, %add3A_520 : i32
      %rem3A_522 = arith.constant 2 : i32
      %rem3A_523 = arith.remsi %add3A_521, %rem3A_522 : i32
      %mul3A_524 = arith.constant 2 : i32
      %mul3A_525 = arith.muli %mul3A_524, %add3A_519 : i32
      %add3A_526 = arith.addi %mul3A_525, %arg0 : i32
      %rem3A_527 = arith.constant 4 : i32
      %rem3A_528 = arith.remsi %add3A_526, %rem3A_527 : i32
      %dma_start3A_529 = arith.constant 3 : i32
      %dma_start3A_530 = arith.constant 0 : i32
      %dma_start3A_531 = arith.constant 0 : i32
      %dma_start3A_532 = tpu.memref_slice %arg13[%rem3A_523, %dma_start3A_530, %dma_start3A_531] : memref<2x80x128xf32, #tpu.memory_space<vmem>> -> memref<1x80x128xf32, #tpu.memory_space<vmem>>
      %dma_start3A_533 = tpu.memref_squeeze %dma_start3A_532 : memref<1x80x128xf32, #tpu.memory_space<vmem>> -> memref<80x128xf32, #tpu.memory_space<vmem>>
      %dma_start3A_534 = arith.constant 0 : i32
      %dma_start3A_535 = tpu.memref_slice %arg8[%rem3A_528, %dma_start3A_529, %dma_start3A_534] : memref<4x4x80xi32, #tpu.memory_space<vmem>> -> memref<1x1x80xi32, #tpu.memory_space<vmem>>
      %dma_start3A_536 = tpu.memref_squeeze %dma_start3A_535 : memref<1x1x80xi32, #tpu.memory_space<vmem>> -> memref<80xi32, #tpu.memory_space<vmem>>
      %dma_start3A_537 = arith.constant 0 : i32
      %dma_start3A_538 = arith.constant 0 : i32
      %dma_start3A_539 = tpu.memref_slice %arg5[%dma_start3A_537, %dma_start3A_538] : memref<4104x128xf32, #tpu.memory_space<hbm>> -> memref<4104x128xf32, #tpu.memory_space<hbm>>
      %dma_start3A_540 = tpu.memref_slice %arg15[%rem3A_523] : memref<2x!tpu.dma_semaphore, #tpu.memory_space<semaphore_mem>> -> memref<1x!tpu.dma_semaphore, #tpu.memory_space<semaphore_mem>>
      %dma_start3A_541 = tpu.memref_squeeze %dma_start3A_540 : memref<1x!tpu.dma_semaphore, #tpu.memory_space<semaphore_mem>> -> memref<!tpu.dma_semaphore, #tpu.memory_space<semaphore_mem>>
      tpu.enqueue_indirect_dma source(%dma_start3A_539 : memref<4104x128xf32, #tpu.memory_space<hbm>>) target(%dma_start3A_533 : memref<80x128xf32, #tpu.memory_space<vmem>>) offsets(%dma_start3A_536 : memref<80xi32, #tpu.memory_space<vmem>>) semaphore(%dma_start3A_541 : memref<!tpu.dma_semaphore, #tpu.memory_space<semaphore_mem>>)
    }
    %scan3A_188 = arith.constant 124 : i32
    %rem3A_189 = arith.constant 124 : i32
    %rem3A_190 = arith.constant 2 : i32
    %rem3A_191 = arith.remsi %rem3A_189, %rem3A_190 : i32
    %add3A_192 = arith.constant 248 : i32
    %add3A_193 = arith.addi %add3A_192, %arg0 : i32
    %rem3A_194 = arith.constant 4 : i32
    %rem3A_195 = arith.remsi %add3A_193, %rem3A_194 : i32
    %dma_wait3A_196 = arith.constant 3 : i32
    %dma_wait3A_197 = arith.constant 0 : i32
    %dma_wait3A_198 = arith.constant 0 : i32
    %dma_wait3A_199 = tpu.memref_slice %arg13[%rem3A_191, %dma_wait3A_197, %dma_wait3A_198] : memref<2x80x128xf32, #tpu.memory_space<vmem>> -> memref<1x80x128xf32, #tpu.memory_space<vmem>>
    %dma_wait3A_200 = tpu.memref_squeeze %dma_wait3A_199 : memref<1x80x128xf32, #tpu.memory_space<vmem>> -> memref<80x128xf32, #tpu.memory_space<vmem>>
    %dma_wait3A_201 = arith.constant 0 : i32
    %dma_wait3A_202 = tpu.memref_slice %arg8[%rem3A_195, %dma_wait3A_196, %dma_wait3A_201] : memref<4x4x80xi32, #tpu.memory_space<vmem>> -> memref<1x1x80xi32, #tpu.memory_space<vmem>>
    %dma_wait3A_203 = tpu.memref_squeeze %dma_wait3A_202 : memref<1x1x80xi32, #tpu.memory_space<vmem>> -> memref<80xi32, #tpu.memory_space<vmem>>
    %dma_wait3A_204 = arith.constant 0 : i32
    %dma_wait3A_205 = arith.constant 0 : i32
    %dma_wait3A_206 = tpu.memref_slice %arg5[%dma_wait3A_204, %dma_wait3A_205] : memref<4104x128xf32, #tpu.memory_space<hbm>> -> memref<4104x128xf32, #tpu.memory_space<hbm>>
    %dma_wait3A_207 = tpu.memref_slice %arg15[%rem3A_191] : memref<2x!tpu.dma_semaphore, #tpu.memory_space<semaphore_mem>> -> memref<1x!tpu.dma_semaphore, #tpu.memory_space<semaphore_mem>>
    %dma_wait3A_208 = tpu.memref_squeeze %dma_wait3A_207 : memref<1x!tpu.dma_semaphore, #tpu.memory_space<semaphore_mem>> -> memref<!tpu.dma_semaphore, #tpu.memory_space<semaphore_mem>>
    tpu.wait_indirect_dma semaphore(%dma_wait3A_208 : memref<!tpu.dma_semaphore, #tpu.memory_space<semaphore_mem>>) src(%dma_wait3A_206 : memref<4104x128xf32, #tpu.memory_space<hbm>>) dst(%dma_wait3A_200 : memref<80x128xf32, #tpu.memory_space<vmem>>)
    %add3A_209 = arith.constant 248 : i32
    %add3A_210 = arith.addi %add3A_209, %arg0 : i32
    %rem3A_211 = arith.constant 4 : i32
    %rem3A_212 = arith.remsi %add3A_210, %rem3A_211 : i32
    %run_scoped3A = arith.constant 2 : i32
    "tpu.region"() ({
      %run_scoped3A_317 = tpu.sem_alloc : memref<!tpu.dma_semaphore, #tpu.memory_space<semaphore_mem>>
      %dma_start3A_318 = arith.constant 0 : i32
      %dma_start3A_319 = arith.constant 0 : i32
      %dma_start3A_320 = tpu.memref_slice %arg13[%rem3A_191, %dma_start3A_318, %dma_start3A_319] : memref<2x80x128xf32, #tpu.memory_space<vmem>> -> memref<1x80x128xf32, #tpu.memory_space<vmem>>
      %dma_start3A_321 = tpu.memref_squeeze %dma_start3A_320 : memref<1x80x128xf32, #tpu.memory_space<vmem>> -> memref<80x128xf32, #tpu.memory_space<vmem>>
      %dma_start3A_322 = arith.constant 0 : i32
      %dma_start3A_323 = tpu.memref_slice %arg8[%rem3A_212, %run_scoped3A, %dma_start3A_322] : memref<4x4x80xi32, #tpu.memory_space<vmem>> -> memref<1x1x80xi32, #tpu.memory_space<vmem>>
      %dma_start3A_324 = tpu.memref_squeeze %dma_start3A_323 : memref<1x1x80xi32, #tpu.memory_space<vmem>> -> memref<80xi32, #tpu.memory_space<vmem>>
      %dma_start3A_325 = arith.constant 0 : i32
      %dma_start3A_326 = arith.constant 0 : i32
      %dma_start3A_327 = tpu.memref_slice %arg14[%dma_start3A_325, %dma_start3A_326] : memref<1280x128xf32, #tpu.memory_space<vmem_shared>> -> memref<1280x128xf32, #tpu.memory_space<vmem_shared>>
      tpu.enqueue_indirect_dma source(%dma_start3A_321 : memref<80x128xf32, #tpu.memory_space<vmem>>) target(%dma_start3A_327 : memref<1280x128xf32, #tpu.memory_space<vmem_shared>>) offsets(%dma_start3A_324 : memref<80xi32, #tpu.memory_space<vmem>>) semaphore(%run_scoped3A_317 : memref<!tpu.dma_semaphore, #tpu.memory_space<semaphore_mem>>) {add = true}
      %dma_wait3A_328 = arith.constant 0 : i32
      %dma_wait3A_329 = arith.constant 0 : i32
      %dma_wait3A_330 = tpu.memref_slice %arg13[%rem3A_191, %dma_wait3A_328, %dma_wait3A_329] : memref<2x80x128xf32, #tpu.memory_space<vmem>> -> memref<1x80x128xf32, #tpu.memory_space<vmem>>
      %dma_wait3A_331 = tpu.memref_squeeze %dma_wait3A_330 : memref<1x80x128xf32, #tpu.memory_space<vmem>> -> memref<80x128xf32, #tpu.memory_space<vmem>>
      %dma_wait3A_332 = arith.constant 0 : i32
      %dma_wait3A_333 = tpu.memref_slice %arg8[%rem3A_212, %run_scoped3A, %dma_wait3A_332] : memref<4x4x80xi32, #tpu.memory_space<vmem>> -> memref<1x1x80xi32, #tpu.memory_space<vmem>>
      %dma_wait3A_334 = tpu.memref_squeeze %dma_wait3A_333 : memref<1x1x80xi32, #tpu.memory_space<vmem>> -> memref<80xi32, #tpu.memory_space<vmem>>
      %dma_wait3A_335 = arith.constant 0 : i32
      %dma_wait3A_336 = arith.constant 0 : i32
      %dma_wait3A_337 = tpu.memref_slice %arg14[%dma_wait3A_335, %dma_wait3A_336] : memref<1280x128xf32, #tpu.memory_space<vmem_shared>> -> memref<1280x128xf32, #tpu.memory_space<vmem_shared>>
      tpu.wait_indirect_dma semaphore(%run_scoped3A_317 : memref<!tpu.dma_semaphore, #tpu.memory_space<semaphore_mem>>) src(%dma_wait3A_331 : memref<80x128xf32, #tpu.memory_space<vmem>>) dst(%dma_wait3A_337 : memref<1280x128xf32, #tpu.memory_space<vmem_shared>>)
      tpu.yield
    }) : () -> ()
    %rem3A_213 = arith.constant 248 : i32
    %rem3A_214 = arith.constant 4 : i32
    %rem3A_215 = arith.remsi %rem3A_213, %rem3A_214 : i32
    %rem3A_216 = arith.constant 248 : i32
    %rem3A_217 = arith.constant 4 : i32
    %rem3A_218 = arith.remsi %rem3A_216, %rem3A_217 : i32
    %dma_wait3A_219 = arith.constant 0 : i32
    %dma_wait3A_220 = arith.constant 0 : i32
    %dma_wait3A_221 = arith.constant 0 : i32
    %dma_wait3A_222 = arith.constant 0 : i32
    %dma_wait3A_223 = arith.constant 0 : i32
    %dma_wait3A_224 = tpu.memref_slice %arg9[%dma_wait3A_220, %dma_wait3A_222, %dma_wait3A_223] : memref<2x80x128xf32, #tpu.memory_space<vmem>> -> memref<1x80x128xf32, #tpu.memory_space<vmem>>
    %dma_wait3A_225 = tpu.memref_squeeze %dma_wait3A_224 : memref<1x80x128xf32, #tpu.memory_space<vmem>> -> memref<80x128xf32, #tpu.memory_space<vmem>>
    %dma_wait3A_226 = arith.constant 0 : i32
    %dma_wait3A_227 = tpu.memref_slice %arg8[%rem3A_218, %dma_wait3A_219, %dma_wait3A_226] : memref<4x4x80xi32, #tpu.memory_space<vmem>> -> memref<1x1x80xi32, #tpu.memory_space<vmem>>
    %dma_wait3A_228 = tpu.memref_squeeze %dma_wait3A_227 : memref<1x1x80xi32, #tpu.memory_space<vmem>> -> memref<80xi32, #tpu.memory_space<vmem>>
    %dma_wait3A_229 = arith.constant 0 : i32
    %dma_wait3A_230 = arith.constant 0 : i32
    %dma_wait3A_231 = tpu.memref_slice %arg2[%dma_wait3A_229, %dma_wait3A_230] : memref<10000x128xf32, #tpu.memory_space<hbm>> -> memref<10000x128xf32, #tpu.memory_space<hbm>>
    %dma_wait3A_232 = tpu.memref_slice %arg11[%dma_wait3A_221] : memref<2x!tpu.dma_semaphore, #tpu.memory_space<semaphore_mem>> -> memref<1x!tpu.dma_semaphore, #tpu.memory_space<semaphore_mem>>
    %dma_wait3A_233 = tpu.memref_squeeze %dma_wait3A_232 : memref<1x!tpu.dma_semaphore, #tpu.memory_space<semaphore_mem>> -> memref<!tpu.dma_semaphore, #tpu.memory_space<semaphore_mem>>
    tpu.wait_indirect_dma semaphore(%dma_wait3A_233 : memref<!tpu.dma_semaphore, #tpu.memory_space<semaphore_mem>>) src(%dma_wait3A_231 : memref<10000x128xf32, #tpu.memory_space<hbm>>) dst(%dma_wait3A_225 : memref<80x128xf32, #tpu.memory_space<vmem>>)
    %run_scoped3A_234 = arith.constant 0 : i32
    %run_scoped3A_235 = arith.constant 1 : i32
    "tpu.region"() ({
      %run_scoped3A_317 = tpu.sem_alloc : memref<!tpu.dma_semaphore, #tpu.memory_space<semaphore_mem>>
      %dma_start3A_318 = arith.constant 0 : i32
      %dma_start3A_319 = arith.constant 0 : i32
      %dma_start3A_320 = tpu.memref_slice %arg9[%run_scoped3A_234, %dma_start3A_318, %dma_start3A_319] : memref<2x80x128xf32, #tpu.memory_space<vmem>> -> memref<1x80x128xf32, #tpu.memory_space<vmem>>
      %dma_start3A_321 = tpu.memref_squeeze %dma_start3A_320 : memref<1x80x128xf32, #tpu.memory_space<vmem>> -> memref<80x128xf32, #tpu.memory_space<vmem>>
      %dma_start3A_322 = arith.constant 0 : i32
      %dma_start3A_323 = tpu.memref_slice %arg8[%rem3A_215, %run_scoped3A_235, %dma_start3A_322] : memref<4x4x80xi32, #tpu.memory_space<vmem>> -> memref<1x1x80xi32, #tpu.memory_space<vmem>>
      %dma_start3A_324 = tpu.memref_squeeze %dma_start3A_323 : memref<1x1x80xi32, #tpu.memory_space<vmem>> -> memref<80xi32, #tpu.memory_space<vmem>>
      %dma_start3A_325 = arith.constant 0 : i32
      %dma_start3A_326 = arith.constant 0 : i32
      %dma_start3A_327 = tpu.memref_slice %arg10[%dma_start3A_325, %dma_start3A_326] : memref<5064x128xf32, #tpu.memory_space<vmem_shared>> -> memref<5064x128xf32, #tpu.memory_space<vmem_shared>>
      tpu.enqueue_indirect_dma source(%dma_start3A_321 : memref<80x128xf32, #tpu.memory_space<vmem>>) target(%dma_start3A_327 : memref<5064x128xf32, #tpu.memory_space<vmem_shared>>) offsets(%dma_start3A_324 : memref<80xi32, #tpu.memory_space<vmem>>) semaphore(%run_scoped3A_317 : memref<!tpu.dma_semaphore, #tpu.memory_space<semaphore_mem>>) {add = true}
      %dma_wait3A_328 = arith.constant 0 : i32
      %dma_wait3A_329 = arith.constant 0 : i32
      %dma_wait3A_330 = tpu.memref_slice %arg9[%run_scoped3A_234, %dma_wait3A_328, %dma_wait3A_329] : memref<2x80x128xf32, #tpu.memory_space<vmem>> -> memref<1x80x128xf32, #tpu.memory_space<vmem>>
      %dma_wait3A_331 = tpu.memref_squeeze %dma_wait3A_330 : memref<1x80x128xf32, #tpu.memory_space<vmem>> -> memref<80x128xf32, #tpu.memory_space<vmem>>
      %dma_wait3A_332 = arith.constant 0 : i32
      %dma_wait3A_333 = tpu.memref_slice %arg8[%rem3A_215, %run_scoped3A_235, %dma_wait3A_332] : memref<4x4x80xi32, #tpu.memory_space<vmem>> -> memref<1x1x80xi32, #tpu.memory_space<vmem>>
      %dma_wait3A_334 = tpu.memref_squeeze %dma_wait3A_333 : memref<1x1x80xi32, #tpu.memory_space<vmem>> -> memref<80xi32, #tpu.memory_space<vmem>>
      %dma_wait3A_335 = arith.constant 0 : i32
      %dma_wait3A_336 = arith.constant 0 : i32
      %dma_wait3A_337 = tpu.memref_slice %arg10[%dma_wait3A_335, %dma_wait3A_336] : memref<5064x128xf32, #tpu.memory_space<vmem_shared>> -> memref<5064x128xf32, #tpu.memory_space<vmem_shared>>
      tpu.wait_indirect_dma semaphore(%run_scoped3A_317 : memref<!tpu.dma_semaphore, #tpu.memory_space<semaphore_mem>>) src(%dma_wait3A_331 : memref<80x128xf32, #tpu.memory_space<vmem>>) dst(%dma_wait3A_337 : memref<5064x128xf32, #tpu.memory_space<vmem_shared>>)
      tpu.yield
    }) : () -> ()
    %rem3A_236 = arith.constant 249 : i32
    %rem3A_237 = arith.constant 4 : i32
    %rem3A_238 = arith.remsi %rem3A_236, %rem3A_237 : i32
    %rem3A_239 = arith.constant 249 : i32
    %rem3A_240 = arith.constant 4 : i32
    %rem3A_241 = arith.remsi %rem3A_239, %rem3A_240 : i32
    %dma_wait3A_242 = arith.constant 0 : i32
    %dma_wait3A_243 = arith.constant 1 : i32
    %dma_wait3A_244 = arith.constant 1 : i32
    %dma_wait3A_245 = arith.constant 0 : i32
    %dma_wait3A_246 = arith.constant 0 : i32
    %dma_wait3A_247 = tpu.memref_slice %arg9[%dma_wait3A_243, %dma_wait3A_245, %dma_wait3A_246] : memref<2x80x128xf32, #tpu.memory_space<vmem>> -> memref<1x80x128xf32, #tpu.memory_space<vmem>>
    %dma_wait3A_248 = tpu.memref_squeeze %dma_wait3A_247 : memref<1x80x128xf32, #tpu.memory_space<vmem>> -> memref<80x128xf32, #tpu.memory_space<vmem>>
    %dma_wait3A_249 = arith.constant 0 : i32
    %dma_wait3A_250 = tpu.memref_slice %arg8[%rem3A_241, %dma_wait3A_242, %dma_wait3A_249] : memref<4x4x80xi32, #tpu.memory_space<vmem>> -> memref<1x1x80xi32, #tpu.memory_space<vmem>>
    %dma_wait3A_251 = tpu.memref_squeeze %dma_wait3A_250 : memref<1x1x80xi32, #tpu.memory_space<vmem>> -> memref<80xi32, #tpu.memory_space<vmem>>
    %dma_wait3A_252 = arith.constant 0 : i32
    %dma_wait3A_253 = arith.constant 0 : i32
    %dma_wait3A_254 = tpu.memref_slice %arg2[%dma_wait3A_252, %dma_wait3A_253] : memref<10000x128xf32, #tpu.memory_space<hbm>> -> memref<10000x128xf32, #tpu.memory_space<hbm>>
    %dma_wait3A_255 = tpu.memref_slice %arg11[%dma_wait3A_244] : memref<2x!tpu.dma_semaphore, #tpu.memory_space<semaphore_mem>> -> memref<1x!tpu.dma_semaphore, #tpu.memory_space<semaphore_mem>>
    %dma_wait3A_256 = tpu.memref_squeeze %dma_wait3A_255 : memref<1x!tpu.dma_semaphore, #tpu.memory_space<semaphore_mem>> -> memref<!tpu.dma_semaphore, #tpu.memory_space<semaphore_mem>>
    tpu.wait_indirect_dma semaphore(%dma_wait3A_256 : memref<!tpu.dma_semaphore, #tpu.memory_space<semaphore_mem>>) src(%dma_wait3A_254 : memref<10000x128xf32, #tpu.memory_space<hbm>>) dst(%dma_wait3A_248 : memref<80x128xf32, #tpu.memory_space<vmem>>)
    %run_scoped3A_257 = arith.constant 1 : i32
    %run_scoped3A_258 = arith.constant 1 : i32
    "tpu.region"() ({
      %run_scoped3A_317 = tpu.sem_alloc : memref<!tpu.dma_semaphore, #tpu.memory_space<semaphore_mem>>
      %dma_start3A_318 = arith.constant 0 : i32
      %dma_start3A_319 = arith.constant 0 : i32
      %dma_start3A_320 = tpu.memref_slice %arg9[%run_scoped3A_257, %dma_start3A_318, %dma_start3A_319] : memref<2x80x128xf32, #tpu.memory_space<vmem>> -> memref<1x80x128xf32, #tpu.memory_space<vmem>>
      %dma_start3A_321 = tpu.memref_squeeze %dma_start3A_320 : memref<1x80x128xf32, #tpu.memory_space<vmem>> -> memref<80x128xf32, #tpu.memory_space<vmem>>
      %dma_start3A_322 = arith.constant 0 : i32
      %dma_start3A_323 = tpu.memref_slice %arg8[%rem3A_238, %run_scoped3A_258, %dma_start3A_322] : memref<4x4x80xi32, #tpu.memory_space<vmem>> -> memref<1x1x80xi32, #tpu.memory_space<vmem>>
      %dma_start3A_324 = tpu.memref_squeeze %dma_start3A_323 : memref<1x1x80xi32, #tpu.memory_space<vmem>> -> memref<80xi32, #tpu.memory_space<vmem>>
      %dma_start3A_325 = arith.constant 0 : i32
      %dma_start3A_326 = arith.constant 0 : i32
      %dma_start3A_327 = tpu.memref_slice %arg10[%dma_start3A_325, %dma_start3A_326] : memref<5064x128xf32, #tpu.memory_space<vmem_shared>> -> memref<5064x128xf32, #tpu.memory_space<vmem_shared>>
      tpu.enqueue_indirect_dma source(%dma_start3A_321 : memref<80x128xf32, #tpu.memory_space<vmem>>) target(%dma_start3A_327 : memref<5064x128xf32, #tpu.memory_space<vmem_shared>>) offsets(%dma_start3A_324 : memref<80xi32, #tpu.memory_space<vmem>>) semaphore(%run_scoped3A_317 : memref<!tpu.dma_semaphore, #tpu.memory_space<semaphore_mem>>) {add = true}
      %dma_wait3A_328 = arith.constant 0 : i32
      %dma_wait3A_329 = arith.constant 0 : i32
      %dma_wait3A_330 = tpu.memref_slice %arg9[%run_scoped3A_257, %dma_wait3A_328, %dma_wait3A_329] : memref<2x80x128xf32, #tpu.memory_space<vmem>> -> memref<1x80x128xf32, #tpu.memory_space<vmem>>
      %dma_wait3A_331 = tpu.memref_squeeze %dma_wait3A_330 : memref<1x80x128xf32, #tpu.memory_space<vmem>> -> memref<80x128xf32, #tpu.memory_space<vmem>>
      %dma_wait3A_332 = arith.constant 0 : i32
      %dma_wait3A_333 = tpu.memref_slice %arg8[%rem3A_238, %run_scoped3A_258, %dma_wait3A_332] : memref<4x4x80xi32, #tpu.memory_space<vmem>> -> memref<1x1x80xi32, #tpu.memory_space<vmem>>
      %dma_wait3A_334 = tpu.memref_squeeze %dma_wait3A_333 : memref<1x1x80xi32, #tpu.memory_space<vmem>> -> memref<80xi32, #tpu.memory_space<vmem>>
      %dma_wait3A_335 = arith.constant 0 : i32
      %dma_wait3A_336 = arith.constant 0 : i32
      %dma_wait3A_337 = tpu.memref_slice %arg10[%dma_wait3A_335, %dma_wait3A_336] : memref<5064x128xf32, #tpu.memory_space<vmem_shared>> -> memref<5064x128xf32, #tpu.memory_space<vmem_shared>>
      tpu.wait_indirect_dma semaphore(%run_scoped3A_317 : memref<!tpu.dma_semaphore, #tpu.memory_space<semaphore_mem>>) src(%dma_wait3A_331 : memref<80x128xf32, #tpu.memory_space<vmem>>) dst(%dma_wait3A_337 : memref<5064x128xf32, #tpu.memory_space<vmem_shared>>)
      tpu.yield
    }) : () -> ()
    %rem3A_259 = arith.constant 250 : i32
    %rem3A_260 = arith.constant 4 : i32
    %rem3A_261 = arith.remsi %rem3A_259, %rem3A_260 : i32
    %dma_wait3A_262 = arith.constant 250 : i32
    %dma_wait3A_263 = arith.constant 0 : i32
    %dma_wait3A_264 = arith.constant 0 : i32
    %dma_wait3A_265 = tpu.memref_slice %arg8[%rem3A_261, %dma_wait3A_263, %dma_wait3A_264] : memref<4x4x80xi32, #tpu.memory_space<vmem>> -> memref<1x4x80xi32, #tpu.memory_space<vmem>>
    %dma_wait3A_266 = tpu.memref_squeeze %dma_wait3A_265 : memref<1x4x80xi32, #tpu.memory_space<vmem>> -> memref<4x80xi32, #tpu.memory_space<vmem>>
    %dma_wait3A_267 = arith.constant 0 : i32
    %dma_wait3A_268 = arith.constant 0 : i32
    %dma_wait3A_269 = tpu.memref_slice %arg3[%arg0, %arg1, %dma_wait3A_262, %dma_wait3A_267, %dma_wait3A_268] : memref<2x16x254x4x80xi32, #tpu.memory_space<hbm>> -> memref<1x1x1x4x80xi32, #tpu.memory_space<hbm>>
    %dma_wait3A_270 = tpu.memref_squeeze %dma_wait3A_269 : memref<1x1x1x4x80xi32, #tpu.memory_space<hbm>> -> memref<4x80xi32, #tpu.memory_space<hbm>>
    %dma_wait3A_271 = tpu.memref_slice %arg12[%rem3A_261] : memref<4x!tpu.dma_semaphore, #tpu.memory_space<semaphore_mem>> -> memref<1x!tpu.dma_semaphore, #tpu.memory_space<semaphore_mem>>
    %dma_wait3A_272 = tpu.memref_squeeze %dma_wait3A_271 : memref<1x!tpu.dma_semaphore, #tpu.memory_space<semaphore_mem>> -> memref<!tpu.dma_semaphore, #tpu.memory_space<semaphore_mem>>
    %dma_wait3A_273 = arith.constant 0 : i32
    %dma_wait3A_274 = arith.constant 0 : i32
    %dma_wait3A_275 = tpu.memref_slice %arg8[%rem3A_261, %dma_wait3A_273, %dma_wait3A_274] : memref<4x4x80xi32, #tpu.memory_space<vmem>> -> memref<1x4x80xi32, #tpu.memory_space<vmem>>
    %dma_wait3A_276 = tpu.memref_squeeze %dma_wait3A_275 : memref<1x4x80xi32, #tpu.memory_space<vmem>> -> memref<4x80xi32, #tpu.memory_space<vmem>>
    %dma_wait3A_277 = arith.constant 0 : i32
    %dma_wait3A_278 = arith.constant 0 : i32
    %dma_wait3A_279 = tpu.memref_slice %arg3[%arg0, %arg1, %dma_wait3A_262, %dma_wait3A_277, %dma_wait3A_278] : memref<2x16x254x4x80xi32, #tpu.memory_space<hbm>> -> memref<1x1x1x4x80xi32, #tpu.memory_space<hbm>>
    %dma_wait3A_280 = tpu.memref_squeeze %dma_wait3A_279 : memref<1x1x1x4x80xi32, #tpu.memory_space<hbm>> -> memref<4x80xi32, #tpu.memory_space<hbm>>
    tpu.wait_dma2 semaphore(%dma_wait3A_272 : memref<!tpu.dma_semaphore, #tpu.memory_space<semaphore_mem>>) src(%dma_wait3A_280 : memref<4x80xi32, #tpu.memory_space<hbm>>) dst(%dma_wait3A_276 : memref<4x80xi32, #tpu.memory_space<vmem>>)
    %rem3A_281 = arith.constant 251 : i32
    %rem3A_282 = arith.constant 4 : i32
    %rem3A_283 = arith.remsi %rem3A_281, %rem3A_282 : i32
    %dma_wait3A_284 = arith.constant 251 : i32
    %dma_wait3A_285 = arith.constant 0 : i32
    %dma_wait3A_286 = arith.constant 0 : i32
    %dma_wait3A_287 = tpu.memref_slice %arg8[%rem3A_283, %dma_wait3A_285, %dma_wait3A_286] : memref<4x4x80xi32, #tpu.memory_space<vmem>> -> memref<1x4x80xi32, #tpu.memory_space<vmem>>
    %dma_wait3A_288 = tpu.memref_squeeze %dma_wait3A_287 : memref<1x4x80xi32, #tpu.memory_space<vmem>> -> memref<4x80xi32, #tpu.memory_space<vmem>>
    %dma_wait3A_289 = arith.constant 0 : i32
    %dma_wait3A_290 = arith.constant 0 : i32
    %dma_wait3A_291 = tpu.memref_slice %arg3[%arg0, %arg1, %dma_wait3A_284, %dma_wait3A_289, %dma_wait3A_290] : memref<2x16x254x4x80xi32, #tpu.memory_space<hbm>> -> memref<1x1x1x4x80xi32, #tpu.memory_space<hbm>>
    %dma_wait3A_292 = tpu.memref_squeeze %dma_wait3A_291 : memref<1x1x1x4x80xi32, #tpu.memory_space<hbm>> -> memref<4x80xi32, #tpu.memory_space<hbm>>
    %dma_wait3A_293 = tpu.memref_slice %arg12[%rem3A_283] : memref<4x!tpu.dma_semaphore, #tpu.memory_space<semaphore_mem>> -> memref<1x!tpu.dma_semaphore, #tpu.memory_space<semaphore_mem>>
    %dma_wait3A_294 = tpu.memref_squeeze %dma_wait3A_293 : memref<1x!tpu.dma_semaphore, #tpu.memory_space<semaphore_mem>> -> memref<!tpu.dma_semaphore, #tpu.memory_space<semaphore_mem>>
    %dma_wait3A_295 = arith.constant 0 : i32
    %dma_wait3A_296 = arith.constant 0 : i32
    %dma_wait3A_297 = tpu.memref_slice %arg8[%rem3A_283, %dma_wait3A_295, %dma_wait3A_296] : memref<4x4x80xi32, #tpu.memory_space<vmem>> -> memref<1x4x80xi32, #tpu.memory_space<vmem>>
    %dma_wait3A_298 = tpu.memref_squeeze %dma_wait3A_297 : memref<1x4x80xi32, #tpu.memory_space<vmem>> -> memref<4x80xi32, #tpu.memory_space<vmem>>
    %dma_wait3A_299 = arith.constant 0 : i32
    %dma_wait3A_300 = arith.constant 0 : i32
    %dma_wait3A_301 = tpu.memref_slice %arg3[%arg0, %arg1, %dma_wait3A_284, %dma_wait3A_299, %dma_wait3A_300] : memref<2x16x254x4x80xi32, #tpu.memory_space<hbm>> -> memref<1x1x1x4x80xi32, #tpu.memory_space<hbm>>
    %dma_wait3A_302 = tpu.memref_squeeze %dma_wait3A_301 : memref<1x1x1x4x80xi32, #tpu.memory_space<hbm>> -> memref<4x80xi32, #tpu.memory_space<hbm>>
    tpu.wait_dma2 semaphore(%dma_wait3A_294 : memref<!tpu.dma_semaphore, #tpu.memory_space<semaphore_mem>>) src(%dma_wait3A_302 : memref<4x80xi32, #tpu.memory_space<hbm>>) dst(%dma_wait3A_298 : memref<4x80xi32, #tpu.memory_space<vmem>>)
    %barrier3A_303 = arith.constant 0 : index
    tpu.barrier barrier_id(%barrier3A_303)
    %mul3A_304 = arith.constant 312 : i32
    %mul3A_305 = arith.muli %arg1, %mul3A_304 : i32
    %mul3A_306 = arith.constant 312 : i32
    %mul3A_307 = arith.muli %arg1, %mul3A_306 : i32
    "tpu.region"() ({
      %run_scoped3A_317 = tpu.sem_alloc : memref<!tpu.dma_semaphore, #tpu.memory_space<semaphore_mem>>
      %dma_start3A_318 = arith.constant 0 : i32
      %dma_start3A_319 = tpu.memref_slice %arg6[%arg0, %mul3A_307, %dma_start3A_318] : memref<2x5064x128xf32, #tpu.memory_space<hbm>> -> memref<1x312x128xf32, #tpu.memory_space<hbm>>
      %dma_start3A_320 = tpu.memref_squeeze %dma_start3A_319 : memref<1x312x128xf32, #tpu.memory_space<hbm>> -> memref<312x128xf32, #tpu.memory_space<hbm>>
      %dma_start3A_321 = arith.constant 0 : i32
      %dma_start3A_322 = tpu.memref_slice %arg10[%mul3A_305, %dma_start3A_321] : memref<5064x128xf32, #tpu.memory_space<vmem_shared>> -> memref<312x128xf32, #tpu.memory_space<vmem_shared>>
      tpu.enqueue_dma source(%dma_start3A_322 : memref<312x128xf32, #tpu.memory_space<vmem_shared>>) target(%dma_start3A_320 : memref<312x128xf32, #tpu.memory_space<hbm>>) target_semaphore(%run_scoped3A_317 : memref<!tpu.dma_semaphore, #tpu.memory_space<semaphore_mem>>)
      %dma_wait3A_323 = arith.constant 0 : i32
      %dma_wait3A_324 = tpu.memref_slice %arg6[%arg0, %mul3A_307, %dma_wait3A_323] : memref<2x5064x128xf32, #tpu.memory_space<hbm>> -> memref<1x312x128xf32, #tpu.memory_space<hbm>>
      %dma_wait3A_325 = tpu.memref_squeeze %dma_wait3A_324 : memref<1x312x128xf32, #tpu.memory_space<hbm>> -> memref<312x128xf32, #tpu.memory_space<hbm>>
      %dma_wait3A_326 = arith.constant 0 : i32
      %dma_wait3A_327 = tpu.memref_slice %arg10[%mul3A_305, %dma_wait3A_326] : memref<5064x128xf32, #tpu.memory_space<vmem_shared>> -> memref<312x128xf32, #tpu.memory_space<vmem_shared>>
      tpu.wait_dma2 semaphore(%run_scoped3A_317 : memref<!tpu.dma_semaphore, #tpu.memory_space<semaphore_mem>>) src(%dma_wait3A_327 : memref<312x128xf32, #tpu.memory_space<vmem_shared>>) dst(%dma_wait3A_325 : memref<312x128xf32, #tpu.memory_space<hbm>>)
      tpu.yield
    }) : () -> ()
    %eq3A_308 = arith.constant 15 : i32
    %eq3A_309 = arith.cmpi eq, %arg1, %eq3A_308 : i32
    %convert_element_type3A_310 = arith.extui %eq3A_309 : i1 to i32
    %cond3A_311 = arith.constant 0 : i32
    %cond3A_312 = arith.cmpi ne, %convert_element_type3A_310, %cond3A_311 : i32
    scf.if %cond3A_312 {
      "tpu.region"() ({
        %run_scoped3A_317 = tpu.sem_alloc : memref<!tpu.dma_semaphore, #tpu.memory_space<semaphore_mem>>
        %dma_start3A_318 = arith.constant 4992 : i32
        %dma_start3A_319 = arith.constant 0 : i32
        %dma_start3A_320 = tpu.memref_slice %arg6[%arg0, %dma_start3A_318, %dma_start3A_319] : memref<2x5064x128xf32, #tpu.memory_space<hbm>> -> memref<1x72x128xf32, #tpu.memory_space<hbm>>
        %dma_start3A_321 = tpu.memref_squeeze %dma_start3A_320 : memref<1x72x128xf32, #tpu.memory_space<hbm>> -> memref<72x128xf32, #tpu.memory_space<hbm>>
        %dma_start3A_322 = arith.constant 4992 : i32
        %dma_start3A_323 = arith.constant 0 : i32
        %dma_start3A_324 = tpu.memref_slice %arg10[%dma_start3A_322, %dma_start3A_323] : memref<5064x128xf32, #tpu.memory_space<vmem_shared>> -> memref<72x128xf32, #tpu.memory_space<vmem_shared>>
        tpu.enqueue_dma source(%dma_start3A_324 : memref<72x128xf32, #tpu.memory_space<vmem_shared>>) target(%dma_start3A_321 : memref<72x128xf32, #tpu.memory_space<hbm>>) target_semaphore(%run_scoped3A_317 : memref<!tpu.dma_semaphore, #tpu.memory_space<semaphore_mem>>)
        %dma_wait3A_325 = arith.constant 4992 : i32
        %dma_wait3A_326 = arith.constant 0 : i32
        %dma_wait3A_327 = tpu.memref_slice %arg6[%arg0, %dma_wait3A_325, %dma_wait3A_326] : memref<2x5064x128xf32, #tpu.memory_space<hbm>> -> memref<1x72x128xf32, #tpu.memory_space<hbm>>
        %dma_wait3A_328 = tpu.memref_squeeze %dma_wait3A_327 : memref<1x72x128xf32, #tpu.memory_space<hbm>> -> memref<72x128xf32, #tpu.memory_space<hbm>>
        %dma_wait3A_329 = arith.constant 4992 : i32
        %dma_wait3A_330 = arith.constant 0 : i32
        %dma_wait3A_331 = tpu.memref_slice %arg10[%dma_wait3A_329, %dma_wait3A_330] : memref<5064x128xf32, #tpu.memory_space<vmem_shared>> -> memref<72x128xf32, #tpu.memory_space<vmem_shared>>
        tpu.wait_dma2 semaphore(%run_scoped3A_317 : memref<!tpu.dma_semaphore, #tpu.memory_space<semaphore_mem>>) src(%dma_wait3A_331 : memref<72x128xf32, #tpu.memory_space<vmem_shared>>) dst(%dma_wait3A_328 : memref<72x128xf32, #tpu.memory_space<hbm>>)
        tpu.yield
      }) : () -> ()
    } else {
    }
    %mul3A_313 = arith.constant 80 : i32
    %mul3A_314 = arith.muli %arg1, %mul3A_313 : i32
    %mul3A_315 = arith.constant 80 : i32
    %mul3A_316 = arith.muli %arg1, %mul3A_315 : i32
    "tpu.region"() ({
      %run_scoped3A_317 = tpu.sem_alloc : memref<!tpu.dma_semaphore, #tpu.memory_space<semaphore_mem>>
      %dma_start3A_318 = arith.constant 0 : i32
      %dma_start3A_319 = tpu.memref_slice %arg7[%arg0, %mul3A_316, %dma_start3A_318] : memref<2x1280x128xf32, #tpu.memory_space<hbm>> -> memref<1x80x128xf32, #tpu.memory_space<hbm>>
      %dma_start3A_320 = tpu.memref_squeeze %dma_start3A_319 : memref<1x80x128xf32, #tpu.memory_space<hbm>> -> memref<80x128xf32, #tpu.memory_space<hbm>>
      %dma_start3A_321 = arith.constant 0 : i32
      %dma_start3A_322 = tpu.memref_slice %arg14[%mul3A_314, %dma_start3A_321] : memref<1280x128xf32, #tpu.memory_space<vmem_shared>> -> memref<80x128xf32, #tpu.memory_space<vmem_shared>>
      tpu.enqueue_dma source(%dma_start3A_322 : memref<80x128xf32, #tpu.memory_space<vmem_shared>>) target(%dma_start3A_320 : memref<80x128xf32, #tpu.memory_space<hbm>>) target_semaphore(%run_scoped3A_317 : memref<!tpu.dma_semaphore, #tpu.memory_space<semaphore_mem>>)
      %dma_wait3A_323 = arith.constant 0 : i32
      %dma_wait3A_324 = tpu.memref_slice %arg7[%arg0, %mul3A_316, %dma_wait3A_323] : memref<2x1280x128xf32, #tpu.memory_space<hbm>> -> memref<1x80x128xf32, #tpu.memory_space<hbm>>
      %dma_wait3A_325 = tpu.memref_squeeze %dma_wait3A_324 : memref<1x80x128xf32, #tpu.memory_space<hbm>> -> memref<80x128xf32, #tpu.memory_space<hbm>>
      %dma_wait3A_326 = arith.constant 0 : i32
      %dma_wait3A_327 = tpu.memref_slice %arg14[%mul3A_314, %dma_wait3A_326] : memref<1280x128xf32, #tpu.memory_space<vmem_shared>> -> memref<80x128xf32, #tpu.memory_space<vmem_shared>>
      tpu.wait_dma2 semaphore(%run_scoped3A_317 : memref<!tpu.dma_semaphore, #tpu.memory_space<semaphore_mem>>) src(%dma_wait3A_327 : memref<80x128xf32, #tpu.memory_space<vmem_shared>>) dst(%dma_wait3A_325 : memref<80x128xf32, #tpu.memory_space<hbm>>)
      tpu.yield
    }) : () -> ()
    return
  }
}

module attributes {stable_mosaic.version = 14 : i64} {
  func.func @_tc1_body(%arg0: i32, %arg1: memref<2000x128xf32, #tpu.memory_space<vmem>>, %arg2: memref<2000x1xf32, #tpu.memory_space<vmem>>, %arg3: memref<2000x128xf32, #tpu.memory_space<vmem>>, %arg4: memref<128x128xf32, #tpu.memory_space<vmem>>, %arg5: memref<1x128xf32, #tpu.memory_space<vmem>>, %arg6: memref<128x128xf32, #tpu.memory_space<vmem>>, %arg7: memref<2000x128xf32, #tpu.memory_space<vmem>>, %arg8: memref<2000x1xf32, #tpu.memory_space<vmem>>) attributes {dimension_semantics = [#tpu.dimension_semantics<arbitrary>], iteration_bounds = array<i64: 5>, scalar_prefetch = 0 : i64, scratch_operands = 0 : i64, tpu.core_type = #tpu.core_type<tc>, window_params = [{transform_indices = @transform_0, window_bounds = array<i64: 2000, 128>}, {transform_indices = @transform_1, window_bounds = array<i64: 2000, 1>}, {transform_indices = @transform_2, window_bounds = array<i64: 2000, 128>}, {pipeline_mode = #tpu.pipeline_mode<synchronous>, transform_indices = @transform_3, window_bounds = array<i64: 128, 128>}, {pipeline_mode = #tpu.pipeline_mode<synchronous>, transform_indices = @transform_4, window_bounds = array<i64: 1, 128>}, {pipeline_mode = #tpu.pipeline_mode<synchronous>, transform_indices = @transform_5, window_bounds = array<i64: 128, 128>}, {transform_indices = @transform_6, window_bounds = array<i64: 2000, 128>}, {transform_indices = @transform_7, window_bounds = array<i64: 2000, 1>}]} {
    %get3A = arith.constant 0 : index
    %get3A_0 = arith.constant 0 : index
    %get3A_1 = vector.load %arg2[%get3A, %get3A_0] : memref<2000x1xf32, #tpu.memory_space<vmem>>, vector<2000x1xf32>
    %max3A = arith.constant 1.000000e+00 : f32
    %max3A_2 = vector.broadcast %max3A : f32 to vector<2000x1xf32>
    %max3A_3 = arith.maximumf %get3A_1, %max3A_2 : vector<2000x1xf32>
    %div3A = arith.constant 1.000000e+00 : f32
    %div3A_4 = vector.broadcast %div3A : f32 to vector<2000x1xf32>
    %div3A_5 = arith.divf %div3A_4, %max3A_3 : vector<2000x1xf32>
    %get3A_6 = arith.constant 0 : index
    %get3A_7 = arith.constant 0 : index
    %get3A_8 = vector.load %arg1[%get3A_6, %get3A_7] : memref<2000x128xf32, #tpu.memory_space<vmem>>, vector<2000x128xf32>
    %mul3A = vector.broadcast %div3A_5 : vector<2000x1xf32> to vector<2000x128xf32>
    %mul3A_9 = arith.mulf %get3A_8, %mul3A : vector<2000x128xf32>
    %get3A_10 = arith.constant 0 : index
    %get3A_11 = arith.constant 0 : index
    %get3A_12 = vector.load %arg4[%get3A_10, %get3A_11] : memref<128x128xf32, #tpu.memory_space<vmem>>, vector<128x128xf32>
    %dot_general3A = arith.constant dense<0.000000e+00> : vector<2000x128xf32>
    %dot_general3A_13 = tpu.matmul %mul3A_9, %get3A_12, %dot_general3A {dimension_numbers = #tpu.dot_dimension_numbers<[1], [0], [0], [1], [0, 0, 1, 1], [], []>, precision = #tpu.contract_precision<fp32>, transpose_lhs_hint = false} : vector<2000x128xf32>, vector<128x128xf32>, vector<2000x128xf32> -> vector<2000x128xf32>
    %get3A_14 = arith.constant 0 : index
    %get3A_15 = arith.constant 0 : index
    %get3A_16 = vector.load %arg5[%get3A_14, %get3A_15] : memref<1x128xf32, #tpu.memory_space<vmem>>, vector<1x128xf32>
    %add3A = vector.broadcast %get3A_16 : vector<1x128xf32> to vector<2000x128xf32>
    %add3A_17 = arith.addf %dot_general3A_13, %add3A : vector<2000x128xf32>
    %get3A_18 = arith.constant 0 : index
    %get3A_19 = arith.constant 0 : index
    %get3A_20 = vector.load %arg3[%get3A_18, %get3A_19] : memref<2000x128xf32, #tpu.memory_space<vmem>>, vector<2000x128xf32>
    %get3A_21 = arith.constant 0 : index
    %get3A_22 = arith.constant 0 : index
    %get3A_23 = vector.load %arg6[%get3A_21, %get3A_22] : memref<128x128xf32, #tpu.memory_space<vmem>>, vector<128x128xf32>
    %dot_general3A_24 = arith.constant dense<0.000000e+00> : vector<2000x128xf32>
    %dot_general3A_25 = tpu.matmul %get3A_20, %get3A_23, %dot_general3A_24 {dimension_numbers = #tpu.dot_dimension_numbers<[1], [0], [0], [1], [0, 0, 1, 1], [], []>, precision = #tpu.contract_precision<fp32>, transpose_lhs_hint = false} : vector<2000x128xf32>, vector<128x128xf32>, vector<2000x128xf32> -> vector<2000x128xf32>
    %add3A_26 = arith.addf %add3A_17, %dot_general3A_25 : vector<2000x128xf32>
    %logistic3A = arith.negf %add3A_26 : vector<2000x128xf32>
    %logistic3A_27 = math.exp %logistic3A : vector<2000x128xf32>
    %logistic3A_28 = arith.constant 1.000000e+00 : f32
    %logistic3A_29 = vector.broadcast %logistic3A_28 : f32 to vector<2000x128xf32>
    %logistic3A_30 = arith.addf %logistic3A_29, %logistic3A_27 : vector<2000x128xf32>
    %logistic3A_31 = arith.divf %logistic3A_29, %logistic3A_30 : vector<2000x128xf32>
    %mul3A_32 = arith.mulf %logistic3A_31, %logistic3A_31 : vector<2000x128xf32>
    %reduce_sum3A = arith.constant dense<0.000000e+00> : vector<2000xf32>
    %reduce_sum3A_33 = vector.multi_reduction <add>, %mul3A_32, %reduce_sum3A [1] : vector<2000x128xf32> to vector<2000xf32>
    %broadcast_in_dim3A = vector.shape_cast %reduce_sum3A_33 : vector<2000xf32> to vector<2000x1xf32>
    %sqrt3A = math.sqrt %broadcast_in_dim3A : vector<2000x1xf32>
    %max3A_34 = arith.constant 9.99999996E-13 : f32
    %max3A_35 = vector.broadcast %max3A_34 : f32 to vector<2000x1xf32>
    %max3A_36 = arith.maximumf %sqrt3A, %max3A_35 : vector<2000x1xf32>
    %div3A_37 = vector.broadcast %max3A_36 : vector<2000x1xf32> to vector<2000x128xf32>
    %div3A_38 = arith.divf %logistic3A_31, %div3A_37 : vector<2000x128xf32>
    %swap3A = arith.constant 0 : index
    %swap3A_39 = arith.constant 0 : index
    %swap3A_40 = vector.load %arg7[%swap3A, %swap3A_39] : memref<2000x128xf32, #tpu.memory_space<vmem>>, vector<2000x128xf32>
    tpu.vector_store %arg7[%swap3A, %swap3A_39], %div3A_38 {strides = array<i32>} : memref<2000x128xf32, #tpu.memory_space<vmem>>, vector<2000x128xf32>,
    %swap3A_41 = arith.constant 0 : index
    %swap3A_42 = arith.constant 0 : index
    %swap3A_43 = vector.load %arg8[%swap3A_41, %swap3A_42] : memref<2000x1xf32, #tpu.memory_space<vmem>>, vector<2000x1xf32>
    tpu.vector_store %arg8[%swap3A_41, %swap3A_42], %div3A_5 {strides = array<i32>} : memref<2000x1xf32, #tpu.memory_space<vmem>>, vector<2000x1xf32>,
    return
  }
  func.func @transform_0(%arg0: i32) -> (i32, i32) {
    %c0_i32 = arith.constant 0 : i32
    %c0_i32_0 = arith.constant 0 : i32
    return %arg0, %c0_i32 : i32, i32
  }
  func.func @transform_1(%arg0: i32) -> (i32, i32) {
    %c0_i32 = arith.constant 0 : i32
    %c0_i32_0 = arith.constant 0 : i32
    return %arg0, %c0_i32 : i32, i32
  }
  func.func @transform_2(%arg0: i32) -> (i32, i32) {
    %c0_i32 = arith.constant 0 : i32
    %c0_i32_0 = arith.constant 0 : i32
    return %arg0, %c0_i32 : i32, i32
  }
  func.func @transform_3(%arg0: i32) -> (i32, i32) {
    %c0_i32 = arith.constant 0 : i32
    %c0_i32_0 = arith.constant 0 : i32
    %c0_i32_1 = arith.constant 0 : i32
    return %c0_i32, %c0_i32_0 : i32, i32
  }
  func.func @transform_4(%arg0: i32) -> (i32, i32) {
    %c0_i32 = arith.constant 0 : i32
    %c0_i32_0 = arith.constant 0 : i32
    %c0_i32_1 = arith.constant 0 : i32
    return %c0_i32, %c0_i32_0 : i32, i32
  }
  func.func @transform_5(%arg0: i32) -> (i32, i32) {
    %c0_i32 = arith.constant 0 : i32
    %c0_i32_0 = arith.constant 0 : i32
    %c0_i32_1 = arith.constant 0 : i32
    return %c0_i32, %c0_i32_0 : i32, i32
  }
  func.func @transform_6(%arg0: i32) -> (i32, i32) {
    %c0_i32 = arith.constant 0 : i32
    %c0_i32_0 = arith.constant 0 : i32
    return %arg0, %c0_i32 : i32, i32
  }
  func.func @transform_7(%arg0: i32) -> (i32, i32) {
    %c0_i32 = arith.constant 0 : i32
    %c0_i32_0 = arith.constant 0 : i32
    return %arg0, %c0_i32 : i32, i32
  }
}

module attributes {stable_mosaic.version = 14 : i64} {
  func.func @_tc2_body(%arg0: i32, %arg1: memref<2000x128xf32, #tpu.memory_space<vmem>>, %arg2: memref<2000x1xf32, #tpu.memory_space<vmem>>, %arg3: memref<2000x128xf32, #tpu.memory_space<vmem>>, %arg4: memref<128x256xf32, #tpu.memory_space<vmem>>, %arg5: memref<1x256xf32, #tpu.memory_space<vmem>>, %arg6: memref<128x256xf32, #tpu.memory_space<vmem>>, %arg7: memref<2000x256xf32, #tpu.memory_space<vmem>>) attributes {dimension_semantics = [#tpu.dimension_semantics<arbitrary>], iteration_bounds = array<i64: 5>, scalar_prefetch = 0 : i64, scratch_operands = 0 : i64, tpu.core_type = #tpu.core_type<tc>, window_params = [{transform_indices = @transform_0, window_bounds = array<i64: 2000, 128>}, {transform_indices = @transform_1, window_bounds = array<i64: 2000, 1>}, {transform_indices = @transform_2, window_bounds = array<i64: 2000, 128>}, {pipeline_mode = #tpu.pipeline_mode<synchronous>, transform_indices = @transform_3, window_bounds = array<i64: 128, 256>}, {pipeline_mode = #tpu.pipeline_mode<synchronous>, transform_indices = @transform_4, window_bounds = array<i64: 1, 256>}, {pipeline_mode = #tpu.pipeline_mode<synchronous>, transform_indices = @transform_5, window_bounds = array<i64: 128, 256>}, {transform_indices = @transform_6, window_bounds = array<i64: 2000, 256>}]} {
    %get3A = arith.constant 0 : index
    %get3A_0 = arith.constant 0 : index
    %get3A_1 = vector.load %arg1[%get3A, %get3A_0] : memref<2000x128xf32, #tpu.memory_space<vmem>>, vector<2000x128xf32>
    %get3A_2 = arith.constant 0 : index
    %get3A_3 = arith.constant 0 : index
    %get3A_4 = vector.load %arg2[%get3A_2, %get3A_3] : memref<2000x1xf32, #tpu.memory_space<vmem>>, vector<2000x1xf32>
    %mul3A = vector.broadcast %get3A_4 : vector<2000x1xf32> to vector<2000x128xf32>
    %mul3A_5 = arith.mulf %get3A_1, %mul3A : vector<2000x128xf32>
    %get3A_6 = arith.constant 0 : index
    %get3A_7 = arith.constant 0 : index
    %get3A_8 = vector.load %arg4[%get3A_6, %get3A_7] : memref<128x256xf32, #tpu.memory_space<vmem>>, vector<128x256xf32>
    %dot_general3A = arith.constant dense<0.000000e+00> : vector<2000x256xf32>
    %dot_general3A_9 = tpu.matmul %mul3A_5, %get3A_8, %dot_general3A {dimension_numbers = #tpu.dot_dimension_numbers<[1], [0], [0], [1], [0, 0, 1, 1], [], []>, precision = #tpu.contract_precision<fp32>, transpose_lhs_hint = false} : vector<2000x128xf32>, vector<128x256xf32>, vector<2000x256xf32> -> vector<2000x256xf32>
    %get3A_10 = arith.constant 0 : index
    %get3A_11 = arith.constant 0 : index
    %get3A_12 = vector.load %arg5[%get3A_10, %get3A_11] : memref<1x256xf32, #tpu.memory_space<vmem>>, vector<1x256xf32>
    %add3A = vector.broadcast %get3A_12 : vector<1x256xf32> to vector<2000x256xf32>
    %add3A_13 = arith.addf %dot_general3A_9, %add3A : vector<2000x256xf32>
    %get3A_14 = arith.constant 0 : index
    %get3A_15 = arith.constant 0 : index
    %get3A_16 = vector.load %arg3[%get3A_14, %get3A_15] : memref<2000x128xf32, #tpu.memory_space<vmem>>, vector<2000x128xf32>
    %get3A_17 = arith.constant 0 : index
    %get3A_18 = arith.constant 0 : index
    %get3A_19 = vector.load %arg6[%get3A_17, %get3A_18] : memref<128x256xf32, #tpu.memory_space<vmem>>, vector<128x256xf32>
    %dot_general3A_20 = arith.constant dense<0.000000e+00> : vector<2000x256xf32>
    %dot_general3A_21 = tpu.matmul %get3A_16, %get3A_19, %dot_general3A_20 {dimension_numbers = #tpu.dot_dimension_numbers<[1], [0], [0], [1], [0, 0, 1, 1], [], []>, precision = #tpu.contract_precision<fp32>, transpose_lhs_hint = false} : vector<2000x128xf32>, vector<128x256xf32>, vector<2000x256xf32> -> vector<2000x256xf32>
    %add3A_22 = arith.addf %add3A_13, %dot_general3A_21 : vector<2000x256xf32>
    %logistic3A = arith.negf %add3A_22 : vector<2000x256xf32>
    %logistic3A_23 = math.exp %logistic3A : vector<2000x256xf32>
    %logistic3A_24 = arith.constant 1.000000e+00 : f32
    %logistic3A_25 = vector.broadcast %logistic3A_24 : f32 to vector<2000x256xf32>
    %logistic3A_26 = arith.addf %logistic3A_25, %logistic3A_23 : vector<2000x256xf32>
    %logistic3A_27 = arith.divf %logistic3A_25, %logistic3A_26 : vector<2000x256xf32>
    %mul3A_28 = arith.mulf %logistic3A_27, %logistic3A_27 : vector<2000x256xf32>
    %reduce_sum3A = arith.constant dense<0.000000e+00> : vector<2000xf32>
    %reduce_sum3A_29 = vector.multi_reduction <add>, %mul3A_28, %reduce_sum3A [1] : vector<2000x256xf32> to vector<2000xf32>
    %broadcast_in_dim3A = vector.shape_cast %reduce_sum3A_29 : vector<2000xf32> to vector<2000x1xf32>
    %sqrt3A = math.sqrt %broadcast_in_dim3A : vector<2000x1xf32>
    %max3A = arith.constant 9.99999996E-13 : f32
    %max3A_30 = vector.broadcast %max3A : f32 to vector<2000x1xf32>
    %max3A_31 = arith.maximumf %sqrt3A, %max3A_30 : vector<2000x1xf32>
    %div3A = vector.broadcast %max3A_31 : vector<2000x1xf32> to vector<2000x256xf32>
    %div3A_32 = arith.divf %logistic3A_27, %div3A : vector<2000x256xf32>
    %reduce_max3A = arith.constant dense<0xFF800000> : vector<2000xf32>
    %reduce_max3A_33 = vector.multi_reduction <maximumf>, %div3A_32, %reduce_max3A [1] : vector<2000x256xf32> to vector<2000xf32>
    %broadcast_in_dim3A_34 = vector.shape_cast %reduce_max3A_33 : vector<2000xf32> to vector<2000x1xf32>
    %sub3A = vector.broadcast %broadcast_in_dim3A_34 : vector<2000x1xf32> to vector<2000x256xf32>
    %sub3A_35 = arith.subf %div3A_32, %sub3A : vector<2000x256xf32>
    %exp3A = math.exp %sub3A_35 : vector<2000x256xf32>
    %reduce_sum3A_36 = arith.constant dense<0.000000e+00> : vector<2000xf32>
    %reduce_sum3A_37 = vector.multi_reduction <add>, %exp3A, %reduce_sum3A_36 [1] : vector<2000x256xf32> to vector<2000xf32>
    %broadcast_in_dim3A_38 = vector.shape_cast %reduce_sum3A_37 : vector<2000xf32> to vector<2000x1xf32>
    %log3A = math.log %broadcast_in_dim3A_38 : vector<2000x1xf32>
    %add3A_39 = arith.addf %broadcast_in_dim3A_34, %log3A : vector<2000x1xf32>
    %sub3A_40 = vector.broadcast %add3A_39 : vector<2000x1xf32> to vector<2000x256xf32>
    %sub3A_41 = arith.subf %div3A_32, %sub3A_40 : vector<2000x256xf32>
    %swap3A = arith.constant 0 : index
    %swap3A_42 = arith.constant 0 : index
    %swap3A_43 = vector.load %arg7[%swap3A, %swap3A_42] : memref<2000x256xf32, #tpu.memory_space<vmem>>, vector<2000x256xf32>
    tpu.vector_store %arg7[%swap3A, %swap3A_42], %sub3A_41 {strides = array<i32>} : memref<2000x256xf32, #tpu.memory_space<vmem>>, vector<2000x256xf32>,
    return
  }
  func.func @transform_0(%arg0: i32) -> (i32, i32) {
    %c0_i32 = arith.constant 0 : i32
    %c0_i32_0 = arith.constant 0 : i32
    return %arg0, %c0_i32 : i32, i32
  }
  func.func @transform_1(%arg0: i32) -> (i32, i32) {
    %c0_i32 = arith.constant 0 : i32
    %c0_i32_0 = arith.constant 0 : i32
    return %arg0, %c0_i32 : i32, i32
  }
  func.func @transform_2(%arg0: i32) -> (i32, i32) {
    %c0_i32 = arith.constant 0 : i32
    %c0_i32_0 = arith.constant 0 : i32
    return %arg0, %c0_i32 : i32, i32
  }
  func.func @transform_3(%arg0: i32) -> (i32, i32) {
    %c0_i32 = arith.constant 0 : i32
    %c0_i32_0 = arith.constant 0 : i32
    %c0_i32_1 = arith.constant 0 : i32
    return %c0_i32, %c0_i32_0 : i32, i32
  }
  func.func @transform_4(%arg0: i32) -> (i32, i32) {
    %c0_i32 = arith.constant 0 : i32
    %c0_i32_0 = arith.constant 0 : i32
    %c0_i32_1 = arith.constant 0 : i32
    return %c0_i32, %c0_i32_0 : i32, i32
  }
  func.func @transform_5(%arg0: i32) -> (i32, i32) {
    %c0_i32 = arith.constant 0 : i32
    %c0_i32_0 = arith.constant 0 : i32
    %c0_i32_1 = arith.constant 0 : i32
    return %c0_i32, %c0_i32_0 : i32, i32
  }
  func.func @transform_6(%arg0: i32) -> (i32, i32) {
    %c0_i32 = arith.constant 0 : i32
    %c0_i32_0 = arith.constant 0 : i32
    return %arg0, %c0_i32 : i32, i32
  }
}

</mosaic_0001>

<sc_bundles>
// kernel: kernel.6.cloned.1.call-start
scs
__scs_entry_jumppad:
0x0: {  	(pc) =	sbr.rel $0x88, $3  }
0x1: {  	(tag) =	ssettag $0x0;
	lr =	simm.s32 $0x1  }
0x2: {  	[smem:$0x3F99] =	sst lr;
	_ =	strace $0xD0000000  }
0x3: {  	_ = 	snop  }
0x4: {  	_ = 	snop  }
0x5: {  	_ = 	snop  }
0x6: {  	_ = 	snop  }
0x7: {  	_ = 	snop  }
__scs_overlays_trampoline_lowered:
0x8: {  	[smem:$0x3FA8] =	sst s0  }
0x9: {  	[smem:$0x3FA9] =	sst s1  }
0xa: {  	[smem:$0x3FAA] =	sst s2  }
0xb: {  	[smem:$0x3FAB] =	sst s3  }
0xc: {  	[smem:$0x3FAC] =	sst s4  }
0xd: {  	[smem:$0x3FAD] =	sst s5  }
0xe: {  	[smem:$0x3FAE] =	sst s6  }
0xf: {  	[smem:$0x3FAF] =	sst s7  }
0x10: {  	[smem:$0x3FB0] =	sst s8  }
0x11: {  	[smem:$0x3FB1] =	sst s9;
	s0 =	simm.s32 @!p0 $0x0  }
0x12: {  	s1 =	sld [smem:$0x3F97];
	s0 =	simm.s32 @p0 $0x1  }
0x13: {  	[smem:$0x3FB2] =	sst s0;
	s0 =	simm.s32 @!p1 $0x0  }
0x14: {  	s2 =	sld [smem:$0x3F96];
	s0 =	simm.s32 @p1 $0x1  }
0x15: {  	[smem:$0x3FB3] =	sst s0;
	s0 =	simm.s32 @!p2 $0x0  }
0x16: {  	s3 =	sld [smem:$0x3FDB];
	s0 =	simm.s32 @p2 $0x1  }
0x17: {  	s4 =	simm.s32 $0x1BF5;
	[smem:$0x3FB5] =	sst s0  }
0x18: {  	s0 =	sld [smem:$0x3F98];
	_ =	swait.ge [sflag:s4], $0x0  }
0x19: {  	s7 =	sld [smem:$0x3F99]  }
0x1a: {  	s8 =	sadd.s32 $0xFFFFE003, lr  }
0x1b: {  	s9 =	sadd.s32 $0xFFFFFEF7, lr;
	s5 =	simm.s32 $0xFFFFFFFF;
	p2 =	slt.u32 s8, $0xFFFFF086  }
0x1c: {  	p1 =	slt.u32 s9, $0xF7A;
	s5 =	simm.s32 @!p2 $0x0  }
0x1d: {  	s5 =	simm.s32 @p1 $0x1;
	p0 =	seq.s32 s7, s2  }
0x1e: {  	s7 =	smul.u32 @!p0 $0xF7A, s2;
	p2 =	seq.s32 @!p0 s5, $0x0  }
0x1f: {  	s9 =	smul.u32 $0xF7A, s1;
	s8 =	simm.s32 @!p0 $0x1BF5;
	p2 =	por !p2, p0  }
0x20: {  	[sflag:s8] =	ssyncset.s32 @!p0 $0xFFFFF086;
	s6 =	sadd.s32 @!p0 s3, s7;
	s7 =	simm.s32 @!p0 $0x108  }
0x21: {  	s3 =	sadd.s32 s3, s9;
	s6 =	sadd.s32 @!p0 $0x88, s6;
	s7 =	simm.s32 @p2 $0x1082  }
0x22: {  	[simem:s7], [sflag:s8] =	dma.local @!p0 [hbm:s6], $0xF7A  }
0x23: {  	s9 =	sor.u32 $0xD0000000, s2;
	s6 =	simm.s32 $0x108;
	_ =	swait.ge @!p0 [sflag:s8], $0x0  }
0x24: {  	s3 =	sadd.s32 $0x88, s3;
	s6 =	simm.s32 @!p1 $0x1082;
	[sflag:s4] =	ssyncset.s32 $0xFFFFF086  }
0x25: {  	[simem:s6], [sflag:s4] =	dma.local [hbm:s3], $0xF7A  }
0x26: {  	[smem:$0x3F99] =	sst s1;
	(tag) =	ssettag s2;
	_ =	strace s9  }
0x27: {  	s1 =	sld [smem:$0x3FA9]  }
0x28: {  	s2 =	sld [smem:$0x3FAA]  }
0x29: {  	s4 =	sld [smem:$0x3FAC]  }
0x2a: {  	p0 =	seq.s32 s5, $0x0;
	s5 =	sld [smem:$0x3FAD]  }
0x2b: {  	s6 =	sld [smem:$0x3FAE]  }
0x2c: {  	s7 =	sld [smem:$0x3FAF]  }
0x2d: {  	s3 =	simm.s32 $0x108;
	s8 =	sld [smem:$0x3FB0]  }
0x2e: {  	s3 =	simm.s32 @!p0 $0x1082;
	s9 =	sld [smem:$0x3FB1]  }
0x2f: {  	lr =	sadd.s32 s0, s3;
	s0 =	sld [smem:$0x3FA8]  }
0x30: {  	s3 =	sld [smem:$0x3FAB]  }
0x31: {  	[smem:$0x3FB4] =	sst s10  }
0x32: {  	s10 =	sld [smem:$0x3FB2];
	_ =	sdelay $0x3  }
0x33: {  	p0 =	seq.s32 s10, $0x1;
	s10 =	sld [smem:$0x3FB4];
	_ =	sdelay $0x3  }
0x34: {  	[smem:$0x3FB4] =	sst s10  }
0x35: {  	s10 =	sld [smem:$0x3FB3];
	_ =	sdelay $0x3  }
0x36: {  	p1 =	seq.s32 s10, $0x1;
	s10 =	sld [smem:$0x3FB4];
	_ =	sdelay $0x3  }
0x37: {  	[smem:$0x3FB4] =	sst s10  }
0x38: {  	s10 =	sld [smem:$0x3FB5]  }
0x39: {  	_ = 	snop;
	(pc) =	sbr.ind lr, $3  }
0x3a: {  	_ = 	snop  }
0x3b: {  	_ = 	snop  }
0x3c: {  	p2 =	seq.s32 s10, $0x1;
	s10 =	sld [smem:$0x3FB4]  }
0x3d: {  	_ =	shalt  }
0x3e: {  	_ =	shalt  }
0x3f: {  	_ =	shalt  }
0x40: {  	_ =	shalt  }
0x41: {  	_ =	shalt  }
0x42: {  	_ =	shalt  }
0x43: {  	_ =	shalt  }
0x44: {  	_ =	shalt  }
0x45: {  	_ =	shalt  }
0x46: {  	_ =	shalt  }
0x47: {  	_ =	shalt  }
0x48: {  	_ =	shalt  }
0x49: {  	_ =	shalt  }
0x4a: {  	_ =	shalt  }
0x4b: {  	_ =	shalt  }
0x4c: {  	_ =	shalt  }
0x4d: {  	_ =	shalt  }
0x4e: {  	_ =	shalt  }
0x4f: {  	_ =	shalt  }
0x50: {  	_ =	shalt  }
0x51: {  	_ =	shalt  }
0x52: {  	_ =	shalt  }
0x53: {  	_ =	shalt  }
0x54: {  	_ =	shalt  }
0x55: {  	_ =	shalt  }
0x56: {  	_ =	shalt  }
0x57: {  	_ =	shalt  }
0x58: {  	_ =	shalt  }
0x59: {  	_ =	shalt  }
0x5a: {  	_ =	shalt  }
0x5b: {  	_ =	shalt  }
0x5c: {  	_ =	shalt  }
0x5d: {  	_ =	shalt  }
0x5e: {  	_ =	shalt  }
0x5f: {  	_ =	shalt  }
0x60: {  	_ =	shalt  }
0x61: {  	_ =	shalt  }
0x62: {  	_ =	shalt  }
0x63: {  	_ =	shalt  }
0x64: {  	_ =	shalt  }
0x65: {  	_ =	shalt  }
0x66: {  	_ =	shalt  }
0x67: {  	_ =	shalt  }
0x68: {  	_ =	shalt  }
0x69: {  	_ =	shalt  }
0x6a: {  	_ =	shalt  }
0x6b: {  	_ =	shalt  }
0x6c: {  	_ =	shalt  }
0x6d: {  	_ =	shalt  }
0x6e: {  	_ =	shalt  }
0x6f: {  	_ =	shalt  }
0x70: {  	_ =	shalt  }
0x71: {  	_ =	shalt  }
0x72: {  	_ =	shalt  }
0x73: {  	_ =	shalt  }
0x74: {  	_ =	shalt  }
0x75: {  	_ =	shalt  }
0x76: {  	_ =	shalt  }
0x77: {  	_ =	shalt  }
0x78: {  	_ =	shalt  }
0x79: {  	_ =	shalt  }
0x7a: {  	_ =	shalt  }
0x7b: {  	_ =	shalt  }
0x7c: {  	_ =	shalt  }
0x7d: {  	_ =	shalt  }
0x7e: {  	_ =	shalt  }
0x7f: {  	_ =	shalt  }
0x80: {  	_ =	shalt  }
0x81: {  	_ =	shalt  }
0x82: {  	_ =	shalt  }
0x83: {  	_ =	shalt  }
0x84: {  	_ =	shalt  }
0x85: {  	_ =	shalt  }
0x86: {  	_ =	shalt  }
0x87: {  	_ =	shalt  }
.Lfunc_end0:
.L_simem_size_0:
called_computation_lowered:
.L_overlay_start_0:
0x88: {  	s2 =	sld [smem:$0x3FD9]  }
0x89: {  	s3 =	sld [smem:$0x3FFE];
	_ =	sdelay $0x1  }
0x8a: {  	s1 =	srdreg.scid  }
0x8b: {  	s0 =	sand.u32 $0x1, s1  }
0x8c: {  	s17 =	sshll.u32 s0, $0xA;
	s2 =	sadd.s32 s3, s2  }
0x8d: {  	s2 =	sadd.s32 s2, s17  }
0x8e: {  	[smem:$0x3FC0] =	sst s2  }
0x8f: {  	_ = 	snop  }
0x90: {  	s2 =	sld [smem:$0x3FC9]  }
0x91: {  	s18 =	sld [smem:$0x3FD0];
	(tm) =	ssettm $0x1  }
0x92: {  	s4 =	sld [smem:$0x3FFB];
	_ =	sdelay $0x3  }
0x93: {  	_ =	strace s4  }
0x94: {  	s4 =	sld [smem:$0x3FFC];
	_ =	sdelay $0x3  }
0x95: {  	_ =	strace s4  }
0x96: {  	s4 =	sld [smem:$0x3FFD];
	_ =	sdelay $0x3  }
0x97: {  	_ =	strace s4  }
0x98: {  	_ =	strace $0x8FFFFFFF  }
0x99: {  	s19 =	sld [smem:$0x3FDB];
	_ =	sdelay $0x1  }
0x9a: {  	s5 =	simm.s32 $_scs_section_size  }
0x9b: {  	s6 =	simm.s32 $_size__tile_overlayer_lowered;
	s7 =	simm.s32 $_tile_overlayer_lowered  }
0x9c: {  	s22 =	simm.s32 $0x1BFF;
	s21 =	sshll.u32 s7, $0x1;
	s4 =	sadd.s32 s5, s19  }
0x9d: {  	s8 =	simm.s32 $0x0;
	s20 =	sshll.u32 s6, $0x1;
	s6 =	sadd.s32 s21, s4  }
0x9e: {  	[timem:s8], [sflag:s22] =	dma.local [hbm:s6], s20  }
0x9f: {  	_ =	swait.ge [sflag:s22], s20  }
0xa0: {  	s5 =	ssub.s32 $0x0, s20;
	[sflag:s22] =	ssyncset.done $0x0  }
0xa1: {  	[sflag:s22] =	ssyncadd.s32 s5;
	_ =	sdelay $0x1  }
0xa2: {  	s23 =	simm.s32 $0x1B8B  }
0xa3: {  	_ =	swait.ge [sflag:s23], $0x1  }
0xa4: {  	[sflag:s23] =	ssyncset.done $0x0  }
0xa5: {  	s25 =	simm.s32 $0x1B8E;
	s24 =	sld [smem:$0x3FFE];
	[sflag:s23] =	ssyncadd.s32 $0xFFFFFFFF  }
0xa6: {  	s26 =	simm.s32 $execute0_lowered;
	[smem:$0x3FD2] =	sst s25  }
0xa7: {  	s6 =	sshll.u32 s26, $0x1;
	_ =	strace $0x80000046;
	[dreg:$0x1] =	wrdreg $0xFFFFFFFF  }
0xa8: {  	s28 =	simm.s32 $_size_execute0_lowered;
	s4 =	sadd.s32 s4, s6;
	[dreg:$0x0] =	wrdreg $0x0  }
0xa9: {  	s6 =	sshll.u32 s28, $0x1;
	[dreg:$0x2] =	wrdreg s4  }
0xaa: {  	[dreg:$0x3] =	wrdreg s6  }
0xab: {  	[dreg:$0x4] =	wrdreg $0xC0  }
0xac: {  	_ =	task [dreg:s8], $0x5FFFF  }
0xad: {  	[dreg:$0x1] =	wrdreg $0xFFFFFFFF  }
0xae: {  	[dreg:$0x0] =	wrdreg $0x60  }
0xaf: {  	[dreg:$0x2] =	wrdreg s2  }
0xb0: {  	[dreg:$0x3] =	wrdreg s24  }
0xb1: {  	[dreg:$0x4] =	wrdreg s18  }
0xb2: {  	[dreg:$0x5] =	wrdreg $0x58000  }
0xb3: {  	[dreg:$0x6] =	wrdreg $0x146400  }
0xb4: {  	[dreg:$0x7] =	wrdreg $0x9  }
0xb5: {  	_ =	task.clear_ibuf [dreg:s8], $0x8FFFF;
	_ =	strace $0x90000046  }
0xb6: {  	s29 =	simm.s32 $0x9;
	_ =	strace $0x80000048  }
0xb7: {  	_ =	swait.ge [sflag:s29], $0x1  }
0xb8: {  	[sflag:s29] =	ssyncadd.s32 $0xFFFFFFFF  }
0xb9: {  	_ =	strace $0x90000048  }
0xba: {  	_ =	sfence  }
0xbb: {  	s30 =	sld [smem:$0x0];
	_ =	sdelay $0x2  }
0xbc: {  	s31 =	sshll.u32 s1, $0xD;
	s1 =	sshrl.u32 s1, $0x2  }
0xbd: {  	s3 =	sand.u32 $0x4000, s31;
	s1 =	sadd.s32 s1, s30  }
0xbe: {  	s0 =	sor.u32 s3, s0;
	s1 =	sshll.u32 s1, $0x11  }
0xbf: {  	s0 =	sor.u32 s1, s0  }
0xc0: {  	s0 =	sadd.s32 $0x8F2B, s0  }
0xc1: {  	[sflag:s0] =	ssyncadd.remote.s32 $0x1  }
0xc2: {  	_ =	sfence.sel $0xFFFF  }
0xc3: {  	[dreg:$0x0] =	wrdreg $0xFFFFFFFF;
	(pc) =	sbr.abs _section_cstart, $3  }
0xc4: {  	[dreg:$0x1] =	wrdreg $0xFFFFFFFF  }
0xc5: {  	_ =	task.clear_ibuf [dreg:s8], $0x2FFFF;
	_ =	strace $0x9FFFFFFF  }
0xc6: {  	(tm) =	ssettm $0x7FFFFFFF  }
0xc7: {  	_ =	shalt  }
tec
execute0_lowered:
.L_overlay_start_1:
0x0: {  	(tag) =	ssettag $0x1  }
0x1: {  	s1 =	rddreg [dreg:$0x0]  }
0x2: {  	s0 =	rddreg [dreg:$0x1]  }
0x3: {  	s4 =	rddreg [dreg:$0x2]  }
0x4: {  	s2 =	rddreg [dreg:$0x3]  }
0x5: {  	s3 =	rddreg [dreg:$0x4];
	s16 =	stileid.u32  }
0x6: {  	s5 =	srdreg.scid;
	s9 =	smul.u32 $0x2800, s16  }
0x7: {  	s6 =	simm.s32 $0x0;
	s28 =	simm.s32 $0x9;
	s11 =	smul.u32 $0x27000, s16  }
0x8: {  	s30 =	simm.s32 $0x800;
	s5 =	sand.u32 $0x1, s5;
	s13 =	smul.u32 $0x9C00, s16  }
0x9: {  	[smem:$0x7FF] =	sst s6;
	s10 =	sadd.s32 $0x11800, s0;
	s14 =	smul.u32 $0x1FC00, s16  }
0xa: {  	s15 =	sadd.s32 $0x90800, s0;
	s8 =	sadd.s32 $0x1600, s0;
	s25 =	smul.u32 $0xA000, s16  }
0xb: {  	s24 =	sshll.u32 s16, $0x6;
	s17 =	sadd.s32 $0x9C000, s2;
	s7 =	smul.u32 $0x28000, s5  }
0xc: {  	p0 =	sne.s32 s16, $0xF;
	_ =	strace $0x80000047;
	s22 =	smul.u32 $0x1FC000, s5  }
0xd: {  	s21 =	ssub.s32 $0x2, s5;
	[dreg:$0x6] =	wrdreg s15;
	s26 =	smul.u32 $0x9E400, s5  }
0xe: {  	[dreg:$0xa] =	wrdreg s17;
	s12 =	sshrl.u32 s21, $0x1;
	s11 =	sshrl.u32 s11, $0x2  }
0xf: {  	s23 =	sshrl.u32 s13, $0x3;
	s7 =	sadd.s32 s9, s7;
	s9 =	ssub.s32 s21, s12  }
0x10: {  	s11 =	sadd.s32 s11, s2;
	s12 =	sadd.s32 s14, s22;
	s22 =	sshll.u32 s5, $0x9  }
0x11: {  	s7 =	sshrl.u32 s7, $0x3;
	[dreg:$0x7] =	wrdreg s11;
	s11 =	sadd.s32 s15, s23  }
0x12: {  	s15 =	sshrl.u32 s25, $0x2;
	s25 =	sor.u32 $0x100, s22;
	[dreg:$0x8] =	wrdreg s11  }
0x13: {  	s7 =	sadd.s32 s7, s0;
	s0 =	sadd.s32 $0xA4000, s0;
	[dreg:$0x14] =	wrdreg s25  }
0x14: {  	s29 =	sshrl.u32 s12, $0x3;
	s15 =	sadd.s32 s15, s3;
	[dreg:$0xb] =	wrdreg s0  }
0x15: {  	s11 =	sor.u32 $0x1C09, s24;
	s24 =	sor.u32 $0x180, s22;
	[dreg:$0xd] =	wrdreg s15  }
0x16: {  	s17 =	sadd.s32 s10, s29;
	s29 =	smax.u32 s9, $0x1;
	[dreg:$0x13] =	wrdreg s24  }
0x17: {  	s31 =	sadd.s32 s13, s26;
	s20 =	sshrl.u32 s26, $0x3;
	[dreg:$0x17] =	wrdreg s29  }
0x18: {  	s13 =	simm.s32 $0xF640;
	s21 =	sadd.s32 $0xA00, s12;
	[dreg:$0xc] =	wrdreg s17  }
0x19: {  	s12 =	sadd.s32 $0x800, s12;
	s18 =	sadd.s32 $0x40, s17;
	[dreg:$0x9] =	wrdreg s11  }
0x1a: {  	s12 =	sshrl.u32 s12, $0x3;
	s19 =	sadd.s32 $0x80, s17;
	[dreg:$0xe] =	wrdreg s18  }
0x1b: {  	s9 =	simm.s32 $0x3000;
	s23 =	sadd.s32 s12, s10;
	[dreg:$0xf] =	wrdreg s19  }
0x1c: {  	s0 =	sshrl.u32 s31, $0x3;
	s26 =	sadd.s32 $0xA4600, s7;
	[dreg:$0x12] =	wrdreg s23  }
0x1d: {  	s31 =	sadd.s32 $0xC0, s17;
	s0 =	sadd.s32 s4, s0;
	[dreg:$0x16] =	wrdreg s26  }
0x1e: {  	[dreg:$0x10] =	wrdreg s0;
	s0 =	sadd.s32 s4, s20;
	s4 =	sshrl.u32 s21, $0x3  }
0x1f: {  	s12 =	simm.s32 $0x2;
	[dreg:$0x18] =	wrdreg s31;
	s4 =	sadd.s32 s4, s10  }
0x20: {  	s17 =	simm.s32 $0x0;
	s0 =	sadd.s32 $0x13800, s0;
	[dreg:$0x11] =	wrdreg s4  }
0x21: {  	s10 =	simm.s32 $0x1;
	[dreg:$0x15] =	wrdreg s0;
	s4 =	simm.s32 $0x50  }
.LBB2_1:
0x22: {  	s0 =	rddreg [dreg:$0x7]  }
0x23: {  	s16 =	rddreg [dreg:$0x8];
	s7 =	sshrl.u32 s0, $0x3  }
0x24: {  	[dreg:$0x19] =	wrdreg s7  }
0x25: {  	[spmem:s7], [sflag:s11] =	dma.local [hbm:s16], $0x1380  }
0x26: {  	_ =	swait.ge [sflag:s28], $0x1380  }
0x27: {  	s0 =	rddreg [dreg:$0xa]  }
0x28: {  	[sflag:s28] =	ssyncset.done $0x0;
	s7 =	sshrl.u32 @!p0 s0, $0x3;
	s0 =	rddreg [dreg:$0xb]  }
0x29: {  	[sflag:s28] =	ssyncadd.s32 $0xFFFFEC80;
	[dreg:$0x1a] =	wrdreg s7  }
0x2a: {  	[spmem:s7], [sflag:s11] =	dma.local @!p0 [hbm:s0], $0x480  }
0x2b: {  	s0 =	simm.s32 @!p0 $0x9  }
0x2c: {  	_ =	swait.ge @!p0 [sflag:s0], $0x480  }
0x2d: {  	s18 =	rddreg [dreg:$0xd]  }
0x2e: {  	[sflag:s0] =	ssyncset.done @!p0 $0x0;
	s20 =	rddreg [dreg:$0x6];
	s19 =	sshrl.u32 s18, $0x3  }
0x2f: {  	[sflag:s0] =	ssyncadd.s32 @!p0 $0xFFFFFB80;
	[dreg:$0x1b] =	wrdreg s19  }
0x30: {  	[spmem:s19], [sflag:s11] =	dma.local [hbm:s20], $0x500  }
0x31: {  	_ =	swait.ge [sflag:s28], $0x500  }
0x32: {  	[sflag:s28] =	ssyncset.done $0x0  }
0x33: {  	[sflag:s28] =	ssyncadd.s32 $0xFFFFFB00  }
0x34: {  	[bflag:$0x0] =	sbarrier.arrive $0xFFFF  }
0x35: {  	s21 =	rddreg [dreg:$0xc]  }
0x36: {  	[tilespmem:s6], [sflag:$0x3] =	stream.linear.gather [hbm4b:s21+s6], $0x200, $0x38;
	[tilespmem:$0x16E40] =	vst v63  }
0x37: {  	s23 =	simm.s32 $0x200;
	s22 =	rddreg [dreg:$0xe]  }
0x38: {  	[tilespmem:s23], [sflag:$0x4] =	stream.linear.gather [hbm4b:s22+s6], $0x200, $0x38;
	[tilespmem:$0x16E40] =	vst v63  }
0x39: {  	s25 =	simm.s32 $0x400;
	s24 =	rddreg [dreg:$0xf]  }
0x3a: {  	[tilespmem:s25], [sflag:$0x5] =	stream.linear.gather [hbm4b:s24+s6], $0x200, $0x38;
	[tilespmem:$0x16E40] =	vst v63  }
0x3b: {  	s31 =	simm.s32 $0x600;
	s14 =	simm.s32 $0x3;
	s26 =	rddreg [dreg:$0x18]  }
0x3c: {  	[tilespmem:s31], [sflag:$0x6] =	stream.linear.gather [hbm4b:s26+s6], $0x200, $0x38;
	[tilespmem:$0x16E40] =	vst v63  }
0x3d: {  	_ =	swait.ge [sflag:s14], $0x200  }
0x3e: {  	[sflag:s14] =	ssyncset.done $0x0  }
0x3f: {  	s15 =	simm.s32 $0x4;
	[sflag:s14] =	ssyncadd.s32 $0xFFFFFE00  }
0x40: {  	[tilespmem:s30], [sflag:$0x1] =	stream.indirect.gather [hbm4b:s1+s4], $0x80, s6, s4, $0xb8;
	[tilespmem:$0x16E40] =	vst v63  }
0x41: {  	_ =	swait.ge [sflag:s15], $0x200  }
0x42: {  	s18 =	simm.s32 $0x0;
	[sflag:s15] =	ssyncset.done $0x0  }
0x43: {  	s7 =	sand.u32 $0x2, s6;
	s0 =	sand.u32 $0x1, s18;
	[sflag:s15] =	ssyncadd.s32 $0xFFFFFE00  }
0x44: {  	[tilespmem:s9], [sflag:$0x2] =	stream.indirect.gather [hbm4b:s1+s4], $0x80, s23, s4, $0xb8;
	[tilespmem:$0x16E40] =	vst v63  }
0x45: {  	s19 =	smul.u32 $0xA000, s0;
	s0 =	sadd.s32 $0x7, s0;
	s16 =	rddreg [dreg:$0x13]  }
0x46: {  	[tilespmem:s13], [sflag:$0x7] =	stream.indirect.gather [hbm4b:s8+s4], $0x80, s16, s4, $0xb8;
	[tilespmem:$0x16E40] =	vst v63  }
0x47: {  	s14 =	sor.u32 s5, s7;
	_ =	swait.ge [sflag:s0], $0x2800  }
0x48: {  	s14 =	sshll.u32 s14, $0x9;
	s13 =	sshrl.u32 s19, $0x2;
	[sflag:s0] =	ssyncset.done $0x0  }
0x49: {  	s20 =	sor.u32 $0x100, s14;
	s13 =	sadd.s32 $0xF640, s13;
	[sflag:s0] =	ssyncadd.s32 $0xFFFFD800  }
0x4a: {  	[spmem:s3] =	stream.indirect.scatter.add.f32 [tilespmem:s13], [sflag:$0x9], $0x80, s20, s4, $0xb8;
	[tilespmem:$0x16E40] =	vst v63  }
0x4b: {  	_ =	swait.ge [sflag:s28], $0x2800  }
0x4c: {  	[sflag:s28] =	ssyncset.done $0x0  }
0x4d: {  	[sflag:s28] =	ssyncadd.s32 $0xFFFFD800  }
0x4e: {  	_ =	swait.ge [sflag:s10], $0x2800  }
0x4f: {  	s0 =	sshll.u32 s7, $0x9;
	[sflag:s10] =	ssyncset.done $0x0  }
0x50: {  	s21 =	sor.u32 $0x80, s0;
	[sflag:s10] =	ssyncadd.s32 $0xFFFFD800  }
0x51: {  	[spmem:s2] =	stream.indirect.scatter.add.f32 [tilespmem:s30], [sflag:$0x9], $0x80, s21, s4, $0xb8;
	[tilespmem:$0x16E40] =	vst v63  }
0x52: {  	s24 =	sxor.u32 $0x2, s7;
	s26 =	sand.u32 $0x1, s10;
	_ =	swait.ge [sflag:s28], $0x2800  }
0x53: {  	s14 =	sshll.u32 s24, $0x9;
	s15 =	sadd.s32 $0x3, s7;
	[sflag:s28] =	ssyncset.done $0x0  }
0x54: {  	s16 =	sadd.s32 $0x3, s24;
	s25 =	rddreg [dreg:$0x12];
	[sflag:s28] =	ssyncadd.s32 $0xFFFFD800  }
0x55: {  	[tilespmem:s0], [sflag:s15] =	stream.linear.gather [hbm4b:s25+s6], $0x200, $0x38;
	[tilespmem:$0x16E40] =	vst v63  }
0x56: {  	s23 =	simm.s32 $0x2;
	s19 =	simm.s32 $0x4;
	_ =	swait.ge [sflag:s16], $0x200  }
0x57: {  	s22 =	sand.u32 $0x2, s23;
	s31 =	sand.u32 $0x2, s19;
	[sflag:s16] =	ssyncset.done $0x0  }
0x58: {  	s18 =	sor.u32 s5, s31;
	s31 =	simm.s32 $0x1;
	[sflag:s16] =	ssyncadd.s32 $0xFFFFFE00  }
0x59: {  	[tilespmem:s30], [sflag:$0x1] =	stream.indirect.gather [hbm4b:s1+s4], $0x80, s14, s4, $0xb8;
	[tilespmem:$0x16E40] =	vst v63  }
0x5a: {  	s24 =	sshll.u32 s18, $0x9;
	s7 =	sor.u32 $0x4, s7;
	_ =	swait.ge [sflag:s12], $0x2800  }
0x5b: {  	s18 =	sand.u32 $0x1, s31;
	s13 =	sor.u32 s5, s22;
	[sflag:s12] =	ssyncset.done $0x0  }
0x5c: {  	s20 =	sor.u32 $0x280, s0;
	s13 =	sshll.u32 s13, $0x9;
	[sflag:s12] =	ssyncadd.s32 $0xFFFFD800  }
0x5d: {  	[spmem:s2] =	stream.indirect.scatter.add.f32 [tilespmem:s9], [sflag:$0x9], $0x80, s20, s4, $0xb8;
	[tilespmem:$0x16E40] =	vst v63  }
0x5e: {  	s13 =	sor.u32 $0x180, s13;
	s21 =	simm.s32 $0xFFFFFFFF;
	_ =	swait.ge [sflag:s28], $0x2800  }
0x5f: {  	s25 =	sadd.s32 $0x80, s25;
	s0 =	sor.u32 $0x200, s0;
	[sflag:s28] =	ssyncset.done $0x0  }
0x60: {  	s20 =	sand.u32 $0x3, s21;
	s22 =	rddreg [dreg:$0x11];
	[sflag:s28] =	ssyncadd.s32 $0xFFFFD800  }
0x61: {  	[tilespmem:s0], [sflag:s7] =	stream.linear.gather [hbm4b:s22+s6], $0x200, $0x38;
	[tilespmem:$0x16E40] =	vst v63  }
0x62: {  	s16 =	smul.u32 $0xA000, s26;
	s21 =	sadd.s32 $0x3, s20;
	s7 =	simm.s32 $0x2  }
0x63: {  	s29 =	sadd.s32 $0x80, s22;
	s14 =	sand.u32 $0x1, s7;
	_ =	swait.ge [sflag:s21], $0x200  }
.LBB2_2:
0x64: {  	s31 =	sand.u32 $0x2, s23;
	s22 =	sshrl.u32 s16, $0x2;
	s15 =	smov.u32 s23  }
0x65: {  	s23 =	smov.u32 s19;
	s0 =	sadd.s32 $0x2, s19;
	s16 =	smov.u32 s24  }
0x66: {  	s24 =	smul.u32 $0xA000, s18;
	[sflag:s21] =	ssyncset.done $0x0;
	s22 =	sadd.s32 $0xF640, s22  }
0x67: {  	s20 =	sshll.u32 s20, $0x9;
	s11 =	sor.u32 s5, s31;
	[sflag:s21] =	ssyncadd.s32 $0xFFFFFE00  }
0x68: {  	[tilespmem:s9], [sflag:$0x2] =	stream.indirect.gather [hbm4b:s1+s4], $0x80, s20, s4, $0xb8;
	[tilespmem:$0x16E40] =	vst v63  }
0x69: {  	s18 =	sadd.s32 $0x7, s18;
	s11 =	sshll.u32 s11, $0x9;
	s20 =	sadd.s32 $0x7, s26  }
0x6a: {  	[tilespmem:s22], [sflag:s20] =	stream.indirect.gather [hbm4b:s8+s4], $0x80, s13, s4, $0xb8;
	[tilespmem:$0x16E40] =	vst v63  }
0x6b: {  	p1 =	sne.s32 s19, $0xF6;
	s13 =	sand.u32 $0x2, s0;
	_ =	swait.ge [sflag:s18], $0x2800  }
0x6c: {  	s19 =	sshrl.u32 s24, $0x2;
	s13 =	sor.u32 s5, s13;
	[sflag:s18] =	ssyncset.done $0x0  }
0x6d: {  	s19 =	sadd.s32 $0xF640, s19;
	s11 =	sor.u32 $0x100, s11;
	[sflag:s18] =	ssyncadd.s32 $0xFFFFD800  }
0x6e: {  	[spmem:s3] =	stream.indirect.scatter.add.f32 [tilespmem:s19], [sflag:$0x9], $0x80, s11, s4, $0xb8;
	[tilespmem:$0x16E40] =	vst v63  }
0x6f: {  	s24 =	sshll.u32 s13, $0x9;
	s19 =	smov.u32 s29;
	_ =	swait.ge [sflag:s28], $0x2800  }
0x70: {  	s26 =	smov.u32 s14;
	s11 =	sshll.u32 s31, $0x9;
	[sflag:s28] =	ssyncset.done $0x0  }
0x71: {  	s13 =	sor.u32 $0x80, s11;
	[sflag:s28] =	ssyncadd.s32 $0xFFFFD800  }
0x72: {  	_ =	swait.ge [sflag:s10], $0x2800  }
0x73: {  	[sflag:s10] =	ssyncset.done $0x0  }
0x74: {  	[sflag:s10] =	ssyncadd.s32 $0xFFFFD800  }
0x75: {  	[spmem:s2] =	stream.indirect.scatter.add.f32 [tilespmem:s30], [sflag:$0x9], $0x80, s13, s4, $0xb8;
	[tilespmem:$0x16E40] =	vst v63  }
0x76: {  	_ =	swait.ge [sflag:s28], $0x2800  }
0x77: {  	s13 =	sxor.u32 $0x2, s31;
	[sflag:s28] =	ssyncset.done $0x0  }
0x78: {  	s14 =	sadd.s32 $0x3, s31;
	s18 =	sadd.s32 $0x3, s13;
	[sflag:s28] =	ssyncadd.s32 $0xFFFFD800  }
0x79: {  	[tilespmem:s11], [sflag:s14] =	stream.linear.gather [hbm4b:s25+s6], $0x200, $0x38;
	[tilespmem:$0x16E40] =	vst v63  }
0x7a: {  	_ =	swait.ge [sflag:s18], $0x200  }
0x7b: {  	s7 =	sadd.s32 $0x1, s7;
	[sflag:s18] =	ssyncset.done $0x0  }
0x7c: {  	s15 =	sadd.s32 $0xFFFFFFFF, s15;
	s13 =	sshll.u32 s13, $0x9;
	[sflag:s18] =	ssyncadd.s32 $0xFFFFFE00  }
0x7d: {  	[tilespmem:s30], [sflag:$0x1] =	stream.indirect.gather [hbm4b:s1+s4], $0x80, s13, s4, $0xb8;
	[tilespmem:$0x16E40] =	vst v63  }
0x7e: {  	s25 =	sadd.s32 $0x80, s25;
	s13 =	sor.u32 $0x180, s16;
	_ =	swait.ge [sflag:s12], $0x2800  }
0x7f: {  	s29 =	sadd.s32 $0x80, s29;
	s16 =	smul.u32 $0xA000, s26;
	[sflag:s12] =	ssyncset.done $0x0  }
0x80: {  	s20 =	sand.u32 $0x3, s15;
	s14 =	sor.u32 $0x280, s11;
	[sflag:s12] =	ssyncadd.s32 $0xFFFFD800  }
0x81: {  	[spmem:s2] =	stream.indirect.scatter.add.f32 [tilespmem:s9], [sflag:$0x9], $0x80, s14, s4, $0xb8;
	[tilespmem:$0x16E40] =	vst v63  }
.Ltmp0:
0x82: {  	s15 =	sadd.s32 $0xFFFFFFFF, s7;
	_ =	swait.ge [sflag:s28], $0x2800;
	(pc) =	sbr.rel @p1 .LBB2_2-.Ltmp0, $4  }
0x83: {  	s21 =	sadd.s32 $0x3, s20;
	s14 =	sor.u32 $0x4, s31;
	[sflag:s28] =	ssyncset.done $0x0  }
0x84: {  	s11 =	sor.u32 $0x200, s11;
	s18 =	sand.u32 $0x1, s15;
	[sflag:s28] =	ssyncadd.s32 $0xFFFFD800  }
0x85: {  	[tilespmem:s11], [sflag:s14] =	stream.linear.gather [hbm4b:s19+s6], $0x200, $0x38;
	[tilespmem:$0x16E40] =	vst v63  }
0x86: {  	s14 =	sand.u32 $0x1, s7;
	s19 =	smov.u32 s0;
	_ =	swait.ge [sflag:s21], $0x200  }
0x87: {  	[sflag:s21] =	ssyncset.done $0x0;
	s0 =	sshll.u32 s20, $0x9;
	s22 =	sshrl.u32 s16, $0x2  }
0x88: {  	s7 =	sadd.s32 $0x7, s26;
	s31 =	sand.u32 $0x2, s23;
	[sflag:s21] =	ssyncadd.s32 $0xFFFFFE00  }
0x89: {  	[tilespmem:s9], [sflag:$0x2] =	stream.indirect.gather [hbm4b:s1+s4], $0x80, s0, s4, $0xb8;
	[tilespmem:$0x16E40] =	vst v63  }
0x8a: {  	s15 =	smul.u32 $0xA000, s18;
	s11 =	sadd.s32 $0x7, s18;
	s0 =	sadd.s32 $0xF640, s22  }
0x8b: {  	[tilespmem:s0], [sflag:s7] =	stream.indirect.gather [hbm4b:s8+s4], $0x80, s13, s4, $0xb8;
	[tilespmem:$0x16E40] =	vst v63  }
0x8c: {  	s16 =	sor.u32 s5, s31;
	_ =	swait.ge [sflag:s11], $0x2800  }
0x8d: {  	s13 =	sshll.u32 s16, $0x9;
	s7 =	sshrl.u32 s15, $0x2;
	[sflag:s11] =	ssyncset.done $0x0  }
0x8e: {  	s7 =	sadd.s32 $0xF640, s7;
	s18 =	sor.u32 $0x100, s13;
	[sflag:s11] =	ssyncadd.s32 $0xFFFFD800  }
0x8f: {  	[spmem:s3] =	stream.indirect.scatter.add.f32 [tilespmem:s7], [sflag:$0x9], $0x80, s18, s4, $0xb8;
	[tilespmem:$0x16E40] =	vst v63  }
0x90: {  	_ =	swait.ge [sflag:s28], $0x2800  }
0x91: {  	[sflag:s28] =	ssyncset.done $0x0  }
0x92: {  	[sflag:s28] =	ssyncadd.s32 $0xFFFFD800  }
0x93: {  	_ =	swait.ge [sflag:s10], $0x2800  }
0x94: {  	s19 =	sshll.u32 s31, $0x9;
	[sflag:s10] =	ssyncset.done $0x0  }
0x95: {  	s20 =	sor.u32 $0x80, s19;
	[sflag:s10] =	ssyncadd.s32 $0xFFFFD800  }
0x96: {  	[spmem:s2] =	stream.indirect.scatter.add.f32 [tilespmem:s30], [sflag:$0x9], $0x80, s20, s4, $0xb8;
	[tilespmem:$0x16E40] =	vst v63  }
0x97: {  	_ =	swait.ge [sflag:s28], $0x2800  }
0x98: {  	[sflag:s28] =	ssyncset.done $0x0  }
0x99: {  	s21 =	sadd.s32 $0x3, s31;
	s22 =	sxor.u32 $0x2, s31;
	[sflag:s28] =	ssyncadd.s32 $0xFFFFD800  }
0x9a: {  	[tilespmem:s19], [sflag:s21] =	stream.linear.gather [hbm4b:s25+s6], $0x200, $0x38;
	[tilespmem:$0x16E40] =	vst v63  }
0x9b: {  	s25 =	sadd.s32 $0x3, s22  }
0x9c: {  	_ =	swait.ge [sflag:s25], $0x200  }
0x9d: {  	[sflag:s25] =	ssyncset.done $0x0  }
0x9e: {  	s11 =	sshll.u32 s22, $0x9;
	[sflag:s25] =	ssyncadd.s32 $0xFFFFFE00  }
0x9f: {  	[tilespmem:s30], [sflag:$0x1] =	stream.indirect.gather [hbm4b:s1+s4], $0x80, s11, s4, $0xb8;
	[tilespmem:$0x16E40] =	vst v63  }
0xa0: {  	_ =	swait.ge [sflag:s12], $0x2800  }
0xa1: {  	[sflag:s12] =	ssyncset.done $0x0  }
0xa2: {  	s26 =	sor.u32 $0x280, s19;
	[sflag:s12] =	ssyncadd.s32 $0xFFFFD800  }
0xa3: {  	[spmem:s2] =	stream.indirect.scatter.add.f32 [tilespmem:s9], [sflag:$0x9], $0x80, s26, s4, $0xb8;
	[tilespmem:$0x16E40] =	vst v63  }
0xa4: {  	_ =	swait.ge [sflag:s28], $0x2800  }
0xa5: {  	[sflag:s28] =	ssyncset.done $0x0  }
0xa6: {  	s0 =	sor.u32 $0x4, s31;
	s7 =	sor.u32 $0x200, s19;
	[sflag:s28] =	ssyncadd.s32 $0xFFFFD800  }
0xa7: {  	[tilespmem:s7], [sflag:s0] =	stream.linear.gather [hbm4b:s29+s6], $0x200, $0x38;
	[tilespmem:$0x16E40] =	vst v63  }
0xa8: {  	s29 =	sadd.s32 $0xFFFFFFFF, s23  }
0xa9: {  	s0 =	sand.u32 $0x3, s29  }
0xaa: {  	s31 =	sadd.s32 $0x3, s0  }
0xab: {  	s11 =	smul.u32 $0xA000, s14;
	_ =	swait.ge [sflag:s31], $0x200  }
0xac: {  	s15 =	sor.u32 $0x180, s24;
	[sflag:s31] =	ssyncset.done $0x0  }
0xad: {  	s13 =	sshrl.u32 s11, $0x2;
	s0 =	sshll.u32 s0, $0x9;
	[sflag:s31] =	ssyncadd.s32 $0xFFFFFE00  }
0xae: {  	[tilespmem:s9], [sflag:$0x2] =	stream.indirect.gather [hbm4b:s1+s4], $0x80, s0, s4, $0xb8;
	[tilespmem:$0x16E40] =	vst v63  }
0xaf: {  	s16 =	sadd.s32 $0x7, s14;
	s18 =	simm.s32 $0x7;
	s0 =	sadd.s32 $0xF640, s13  }
0xb0: {  	[tilespmem:s0], [sflag:s16] =	stream.indirect.gather [hbm4b:s8+s4], $0x80, s15, s4, $0xb8;
	[tilespmem:$0x16E40] =	vst v63  }
0xb1: {  	_ =	swait.ge [sflag:s18], $0x2800  }
0xb2: {  	[sflag:s18] =	ssyncset.done $0x0  }
0xb3: {  	s13 =	simm.s32 $0xF640;
	s19 =	rddreg [dreg:$0x14];
	[sflag:s18] =	ssyncadd.s32 $0xFFFFD800  }
0xb4: {  	[spmem:s3] =	stream.indirect.scatter.add.f32 [tilespmem:s13], [sflag:$0x9], $0x80, s19, s4, $0xb8;
	[tilespmem:$0x16E40] =	vst v63  }
0xb5: {  	_ =	swait.ge [sflag:s28], $0x2800  }
0xb6: {  	[sflag:s28] =	ssyncset.done $0x0  }
0xb7: {  	[sflag:s28] =	ssyncadd.s32 $0xFFFFD800  }
0xb8: {  	_ =	swait.ge [sflag:s10], $0x2800  }
0xb9: {  	[sflag:s10] =	ssyncset.done $0x0  }
0xba: {  	s20 =	simm.s32 $0x80;
	[sflag:s10] =	ssyncadd.s32 $0xFFFFD800  }
0xbb: {  	[spmem:s2] =	stream.indirect.scatter.add.f32 [tilespmem:s30], [sflag:$0x9], $0x80, s20, s4, $0xb8;
	[tilespmem:$0x16E40] =	vst v63  }
0xbc: {  	_ =	swait.ge [sflag:s28], $0x2800  }
0xbd: {  	[sflag:s28] =	ssyncset.done $0x0  }
0xbe: {  	[sflag:s28] =	ssyncadd.s32 $0xFFFFD800  }
0xbf: {  	_ =	swait.ge [sflag:s12], $0x2800  }
0xc0: {  	[sflag:s12] =	ssyncset.done $0x0  }
0xc1: {  	s21 =	simm.s32 $0x280;
	[sflag:s12] =	ssyncadd.s32 $0xFFFFD800  }
0xc2: {  	[spmem:s2] =	stream.indirect.scatter.add.f32 [tilespmem:s9], [sflag:$0x9], $0x80, s21, s4, $0xb8;
	[tilespmem:$0x16E40] =	vst v63  }
0xc3: {  	_ =	swait.ge [sflag:s28], $0x2800  }
0xc4: {  	[sflag:s28] =	ssyncset.done $0x0  }
0xc5: {  	s22 =	simm.s32 $0x5;
	[sflag:s28] =	ssyncadd.s32 $0xFFFFD800  }
0xc6: {  	_ =	swait.ge [sflag:s22], $0x200  }
0xc7: {  	[sflag:s22] =	ssyncset.done $0x0  }
0xc8: {  	s23 =	simm.s32 $0x6;
	[sflag:s22] =	ssyncadd.s32 $0xFFFFFE00  }
0xc9: {  	_ =	swait.ge [sflag:s23], $0x200  }
0xca: {  	[sflag:s23] =	ssyncset.done $0x0  }
0xcb: {  	[sflag:s23] =	ssyncadd.s32 $0xFFFFFE00  }
0xcc: {  	[bflag:$0x0] =	sbarrier.arrive $0xFFFF  }
0xcd: {  	s11 =	rddreg [dreg:$0x9]  }
0xce: {  	s24 =	rddreg [dreg:$0x10]  }
0xcf: {  	s25 =	rddreg [dreg:$0x19]  }
0xd0: {  	[hbm:s24], [sflag:s11] =	dma.local [spmem:s25], $0x1380  }
0xd1: {  	_ =	swait.ge [sflag:s28], $0x1380  }
0xd2: {  	[sflag:s28] =	ssyncset.done $0x0;
	s0 =	rddreg [dreg:$0x15]  }
0xd3: {  	s7 =	rddreg [dreg:$0x1a];
	[sflag:s28] =	ssyncadd.s32 $0xFFFFEC80  }
0xd4: {  	[hbm:s0], [sflag:s11] =	dma.local @!p0 [spmem:s7], $0x480  }
0xd5: {  	s0 =	simm.s32 @!p0 $0x9  }
0xd6: {  	_ =	swait.ge @!p0 [sflag:s0], $0x480  }
0xd7: {  	[sflag:s0] =	ssyncset.done @!p0 $0x0;
	s26 =	rddreg [dreg:$0x16]  }
0xd8: {  	s29 =	rddreg [dreg:$0x1b];
	[sflag:s0] =	ssyncadd.s32 @!p0 $0xFFFFFB80  }
0xd9: {  	[hbm:s26], [sflag:s11] =	dma.local [spmem:s29], $0x500  }
0xda: {  	_ =	swait.ge [sflag:s28], $0x500  }
0xdb: {  	s17 =	sadd.s32 $0x1, s17;
	s31 =	rddreg [dreg:$0x17]  }
0xdc: {  	p1 =	sne.s32 s17, s31  }
.Ltmp1:
0xdd: {  	_ = 	snop;
	(pc) =	sbr.rel @p1 .LBB2_1-.Ltmp1, $3  }
0xde: {  	_ =	sdelay $0x1  }
0xdf: {  	[sflag:s28] =	ssyncset.done $0x0  }
0xe0: {  	[sflag:s28] =	ssyncadd.s32 $0xFFFFFB00  }
0xe1: {  	_ =	sfence.sel $0x180000  }
0xe2: {  	[bflag:$0x0] =	sbarrier.arrive $0xFFFF  }
0xe3: {  	_ =	strace $0x90000047  }
0xe4: {  	s0 =	stileid.u32;
	[bflag:$0x2] =	sbarrier.arrive $0xFFFF  }
0xe5: {  	p0 =	sne.s32 s0, $0x0;
	s0 =	rddreg [dreg:$0x5]  }
0xe6: {  	s0 =	sadd.s32 @!p0 $0x100000, s0  }
0xe7: {  	[sflag:s0] =	ssyncadd.tile.s32 @!p0 $0x1;
	_ =	shalt  }
.Lfunc_end2:
_tile_overlayer_lowered:
.L_overlay_start_2:
0xe8: {  	(tag) =	ssettag $0x2  }
0xe9: {  	s0 =	rddreg [dreg:$0x0];
	s2 =	stileid.u32  }
0xea: {  	s1 =	rddreg [dreg:$0x1];
	p0 =	sne.s32 s2, $0x0  }
0xeb: {  	s3 =	rddreg [dreg:$0x2];
	[bflag:$0x3] =	sbarrier.arrive $0xFFFF;
	s2 =	simm.s32 @!p0 $0x1C09  }
0xec: {  	[timem:s3], [sflag:s2] =	dma.local @!p0 [hbm:s0], s1  }
0xed: {  	s0 =	simm.s32 @!p0 $0x9  }
0xee: {  	_ =	swait.ge @!p0 [sflag:s0], s1  }
0xef: {  	s1 =	ssub.s32 @!p0 $0x0, s1;
	[sflag:s0] =	ssyncset.done @!p0 $0x0  }
0xf0: {  	[sflag:s0] =	ssyncadd.s32 @!p0 s1  }
0xf1: {  	[bflag:$0x3] =	sbarrier.arrive $0xFFFF  }
0xf2: {  	_ =	shalt  }

// kernel: kernel.9.cloned.1.call-start
scs
__scs_entry_jumppad:
0x0: {  	(pc) =	sbr.rel $0x88, $3  }
0x1: {  	(tag) =	ssettag $0x0;
	lr =	simm.s32 $0x1  }
0x2: {  	[smem:$0x3F99] =	sst lr;
	_ =	strace $0xD0000000  }
0x3: {  	_ = 	snop  }
0x4: {  	_ = 	snop  }
0x5: {  	_ = 	snop  }
0x6: {  	_ = 	snop  }
0x7: {  	_ = 	snop  }
__scs_overlays_trampoline_lowered:
0x8: {  	[smem:$0x3FA8] =	sst s0  }
0x9: {  	[smem:$0x3FA9] =	sst s1  }
0xa: {  	[smem:$0x3FAA] =	sst s2  }
0xb: {  	[smem:$0x3FAB] =	sst s3  }
0xc: {  	[smem:$0x3FAC] =	sst s4  }
0xd: {  	[smem:$0x3FAD] =	sst s5  }
0xe: {  	[smem:$0x3FAE] =	sst s6  }
0xf: {  	[smem:$0x3FAF] =	sst s7  }
0x10: {  	[smem:$0x3FB0] =	sst s8  }
0x11: {  	[smem:$0x3FB1] =	sst s9;
	s0 =	simm.s32 @!p0 $0x0  }
0x12: {  	s1 =	sld [smem:$0x3F97];
	s0 =	simm.s32 @p0 $0x1  }
0x13: {  	[smem:$0x3FB2] =	sst s0;
	s0 =	simm.s32 @!p1 $0x0  }
0x14: {  	s2 =	sld [smem:$0x3F96];
	s0 =	simm.s32 @p1 $0x1  }
0x15: {  	[smem:$0x3FB3] =	sst s0;
	s0 =	simm.s32 @!p2 $0x0  }
0x16: {  	s3 =	sld [smem:$0x3FDB];
	s0 =	simm.s32 @p2 $0x1  }
0x17: {  	s4 =	simm.s32 $0x1BF5;
	[smem:$0x3FB5] =	sst s0  }
0x18: {  	s0 =	sld [smem:$0x3F98];
	_ =	swait.ge [sflag:s4], $0x0  }
0x19: {  	s7 =	sld [smem:$0x3F99]  }
0x1a: {  	s8 =	sadd.s32 $0xFFFFE003, lr  }
0x1b: {  	s9 =	sadd.s32 $0xFFFFFEF7, lr;
	s5 =	simm.s32 $0xFFFFFFFF;
	p2 =	slt.u32 s8, $0xFFFFF086  }
0x1c: {  	p1 =	slt.u32 s9, $0xF7A;
	s5 =	simm.s32 @!p2 $0x0  }
0x1d: {  	s5 =	simm.s32 @p1 $0x1;
	p0 =	seq.s32 s7, s2  }
0x1e: {  	s7 =	smul.u32 @!p0 $0xF7A, s2;
	p2 =	seq.s32 @!p0 s5, $0x0  }
0x1f: {  	s9 =	smul.u32 $0xF7A, s1;
	s8 =	simm.s32 @!p0 $0x1BF5;
	p2 =	por !p2, p0  }
0x20: {  	[sflag:s8] =	ssyncset.s32 @!p0 $0xFFFFF086;
	s6 =	sadd.s32 @!p0 s3, s7;
	s7 =	simm.s32 @!p0 $0x108  }
0x21: {  	s3 =	sadd.s32 s3, s9;
	s6 =	sadd.s32 @!p0 $0x88, s6;
	s7 =	simm.s32 @p2 $0x1082  }
0x22: {  	[simem:s7], [sflag:s8] =	dma.local @!p0 [hbm:s6], $0xF7A  }
0x23: {  	s9 =	sor.u32 $0xD0000000, s2;
	s6 =	simm.s32 $0x108;
	_ =	swait.ge @!p0 [sflag:s8], $0x0  }
0x24: {  	s3 =	sadd.s32 $0x88, s3;
	s6 =	simm.s32 @!p1 $0x1082;
	[sflag:s4] =	ssyncset.s32 $0xFFFFF086  }
0x25: {  	[simem:s6], [sflag:s4] =	dma.local [hbm:s3], $0xF7A  }
0x26: {  	[smem:$0x3F99] =	sst s1;
	(tag) =	ssettag s2;
	_ =	strace s9  }
0x27: {  	s1 =	sld [smem:$0x3FA9]  }
0x28: {  	s2 =	sld [smem:$0x3FAA]  }
0x29: {  	s4 =	sld [smem:$0x3FAC]  }
0x2a: {  	p0 =	seq.s32 s5, $0x0;
	s5 =	sld [smem:$0x3FAD]  }
0x2b: {  	s6 =	sld [smem:$0x3FAE]  }
0x2c: {  	s7 =	sld [smem:$0x3FAF]  }
0x2d: {  	s3 =	simm.s32 $0x108;
	s8 =	sld [smem:$0x3FB0]  }
0x2e: {  	s3 =	simm.s32 @!p0 $0x1082;
	s9 =	sld [smem:$0x3FB1]  }
0x2f: {  	lr =	sadd.s32 s0, s3;
	s0 =	sld [smem:$0x3FA8]  }
0x30: {  	s3 =	sld [smem:$0x3FAB]  }
0x31: {  	[smem:$0x3FB4] =	sst s10  }
0x32: {  	s10 =	sld [smem:$0x3FB2];
	_ =	sdelay $0x3  }
0x33: {  	p0 =	seq.s32 s10, $0x1;
	s10 =	sld [smem:$0x3FB4];
	_ =	sdelay $0x3  }
0x34: {  	[smem:$0x3FB4] =	sst s10  }
0x35: {  	s10 =	sld [smem:$0x3FB3];
	_ =	sdelay $0x3  }
0x36: {  	p1 =	seq.s32 s10, $0x1;
	s10 =	sld [smem:$0x3FB4];
	_ =	sdelay $0x3  }
0x37: {  	[smem:$0x3FB4] =	sst s10  }
0x38: {  	s10 =	sld [smem:$0x3FB5]  }
0x39: {  	_ = 	snop;
	(pc) =	sbr.ind lr, $3  }
0x3a: {  	_ = 	snop  }
0x3b: {  	_ = 	snop  }
0x3c: {  	p2 =	seq.s32 s10, $0x1;
	s10 =	sld [smem:$0x3FB4]  }
0x3d: {  	_ =	shalt  }
0x3e: {  	_ =	shalt  }
0x3f: {  	_ =	shalt  }
0x40: {  	_ =	shalt  }
0x41: {  	_ =	shalt  }
0x42: {  	_ =	shalt  }
0x43: {  	_ =	shalt  }
0x44: {  	_ =	shalt  }
0x45: {  	_ =	shalt  }
0x46: {  	_ =	shalt  }
0x47: {  	_ =	shalt  }
0x48: {  	_ =	shalt  }
0x49: {  	_ =	shalt  }
0x4a: {  	_ =	shalt  }
0x4b: {  	_ =	shalt  }
0x4c: {  	_ =	shalt  }
0x4d: {  	_ =	shalt  }
0x4e: {  	_ =	shalt  }
0x4f: {  	_ =	shalt  }
0x50: {  	_ =	shalt  }
0x51: {  	_ =	shalt  }
0x52: {  	_ =	shalt  }
0x53: {  	_ =	shalt  }
0x54: {  	_ =	shalt  }
0x55: {  	_ =	shalt  }
0x56: {  	_ =	shalt  }
0x57: {  	_ =	shalt  }
0x58: {  	_ =	shalt  }
0x59: {  	_ =	shalt  }
0x5a: {  	_ =	shalt  }
0x5b: {  	_ =	shalt  }
0x5c: {  	_ =	shalt  }
0x5d: {  	_ =	shalt  }
0x5e: {  	_ =	shalt  }
0x5f: {  	_ =	shalt  }
0x60: {  	_ =	shalt  }
0x61: {  	_ =	shalt  }
0x62: {  	_ =	shalt  }
0x63: {  	_ =	shalt  }
0x64: {  	_ =	shalt  }
0x65: {  	_ =	shalt  }
0x66: {  	_ =	shalt  }
0x67: {  	_ =	shalt  }
0x68: {  	_ =	shalt  }
0x69: {  	_ =	shalt  }
0x6a: {  	_ =	shalt  }
0x6b: {  	_ =	shalt  }
0x6c: {  	_ =	shalt  }
0x6d: {  	_ =	shalt  }
0x6e: {  	_ =	shalt  }
0x6f: {  	_ =	shalt  }
0x70: {  	_ =	shalt  }
0x71: {  	_ =	shalt  }
0x72: {  	_ =	shalt  }
0x73: {  	_ =	shalt  }
0x74: {  	_ =	shalt  }
0x75: {  	_ =	shalt  }
0x76: {  	_ =	shalt  }
0x77: {  	_ =	shalt  }
0x78: {  	_ =	shalt  }
0x79: {  	_ =	shalt  }
0x7a: {  	_ =	shalt  }
0x7b: {  	_ =	shalt  }
0x7c: {  	_ =	shalt  }
0x7d: {  	_ =	shalt  }
0x7e: {  	_ =	shalt  }
0x7f: {  	_ =	shalt  }
0x80: {  	_ =	shalt  }
0x81: {  	_ =	shalt  }
0x82: {  	_ =	shalt  }
0x83: {  	_ =	shalt  }
0x84: {  	_ =	shalt  }
0x85: {  	_ =	shalt  }
0x86: {  	_ =	shalt  }
0x87: {  	_ =	shalt  }
.Lfunc_end0:
.L_simem_size_0:
called_computation.1_lowered:
.L_overlay_start_0:
0x88: {  	s2 =	sld [smem:$0x3FD9]  }
0x89: {  	s3 =	sld [smem:$0x3FFE];
	_ =	sdelay $0x1  }
0x8a: {  	s1 =	srdreg.scid  }
0x8b: {  	s0 =	sand.u32 $0x1, s1  }
0x8c: {  	s17 =	sshll.u32 s0, $0xA;
	s2 =	sadd.s32 s3, s2  }
0x8d: {  	s2 =	sadd.s32 s2, s17  }
0x8e: {  	[smem:$0x3FC0] =	sst s2  }
0x8f: {  	_ = 	snop  }
0x90: {  	s2 =	sld [smem:$0x3FD0];
	(tm) =	ssettm $0x1  }
0x91: {  	s18 =	sld [smem:$0x3FFB];
	_ =	sdelay $0x3  }
0x92: {  	_ =	strace s18  }
0x93: {  	s3 =	sld [smem:$0x3FFC];
	_ =	sdelay $0x3  }
0x94: {  	_ =	strace s3  }
0x95: {  	s3 =	sld [smem:$0x3FFD];
	_ =	sdelay $0x3  }
0x96: {  	_ =	strace s3  }
0x97: {  	_ =	strace $0x8FFFFFFF  }
0x98: {  	s19 =	sld [smem:$0x3FDB];
	_ =	sdelay $0x1  }
0x99: {  	s4 =	simm.s32 $_scs_section_size  }
0x9a: {  	s5 =	simm.s32 $_size__tile_overlayer_lowered;
	s6 =	simm.s32 $_tile_overlayer_lowered  }
0x9b: {  	s22 =	simm.s32 $0x1BFF;
	s21 =	sshll.u32 s6, $0x1;
	s3 =	sadd.s32 s4, s19  }
0x9c: {  	s7 =	simm.s32 $0x0;
	s20 =	sshll.u32 s5, $0x1;
	s5 =	sadd.s32 s21, s3  }
0x9d: {  	[timem:s7], [sflag:s22] =	dma.local [hbm:s5], s20  }
0x9e: {  	_ =	swait.ge [sflag:s22], s20  }
0x9f: {  	s4 =	ssub.s32 $0x0, s20;
	[sflag:s22] =	ssyncset.done $0x0  }
0xa0: {  	[sflag:s22] =	ssyncadd.s32 s4;
	_ =	sdelay $0x1  }
0xa1: {  	s23 =	simm.s32 $0x1B8B  }
0xa2: {  	_ =	swait.ge [sflag:s23], $0x1  }
0xa3: {  	[sflag:s23] =	ssyncset.done $0x0  }
0xa4: {  	s25 =	simm.s32 $0x1B8E;
	s24 =	sld [smem:$0x3FFE];
	[sflag:s23] =	ssyncadd.s32 $0xFFFFFFFF  }
0xa5: {  	s26 =	simm.s32 $execute0_lowered;
	[smem:$0x3FD2] =	sst s25  }
0xa6: {  	s5 =	sshll.u32 s26, $0x1;
	_ =	strace $0x80000049;
	[dreg:$0x1] =	wrdreg $0xFFFFFFFF  }
0xa7: {  	s28 =	simm.s32 $_size_execute0_lowered;
	s3 =	sadd.s32 s3, s5;
	[dreg:$0x0] =	wrdreg $0x0  }
0xa8: {  	s5 =	sshll.u32 s28, $0x1;
	[dreg:$0x2] =	wrdreg s3  }
0xa9: {  	[dreg:$0x3] =	wrdreg s5  }
0xaa: {  	[dreg:$0x4] =	wrdreg $0xC0  }
0xab: {  	_ =	task [dreg:s7], $0x5FFFF  }
0xac: {  	[dreg:$0x1] =	wrdreg $0xFFFFFFFF  }
0xad: {  	[dreg:$0x0] =	wrdreg $0x60  }
0xae: {  	[dreg:$0x2] =	wrdreg s24  }
0xaf: {  	[dreg:$0x3] =	wrdreg s2  }
0xb0: {  	[dreg:$0x4] =	wrdreg $0x58000  }
0xb1: {  	[dreg:$0x5] =	wrdreg $0x9  }
0xb2: {  	_ =	task.clear_ibuf [dreg:s7], $0x6FFFF;
	_ =	strace $0x90000049  }
0xb3: {  	s29 =	simm.s32 $0x9;
	_ =	strace $0x8000004B  }
0xb4: {  	_ =	swait.ge [sflag:s29], $0x1  }
0xb5: {  	[sflag:s29] =	ssyncadd.s32 $0xFFFFFFFF  }
0xb6: {  	_ =	strace $0x9000004B  }
0xb7: {  	_ =	sfence  }
0xb8: {  	s30 =	sld [smem:$0x0];
	_ =	sdelay $0x2  }
0xb9: {  	s31 =	sshll.u32 s1, $0xD;
	s1 =	sshrl.u32 s1, $0x2  }
0xba: {  	s3 =	sand.u32 $0x4000, s31;
	s1 =	sadd.s32 s1, s30  }
0xbb: {  	s0 =	sor.u32 s3, s0;
	s1 =	sshll.u32 s1, $0x11  }
0xbc: {  	s0 =	sor.u32 s1, s0  }
0xbd: {  	s0 =	sadd.s32 $0x8F2B, s0  }
0xbe: {  	[sflag:s0] =	ssyncadd.remote.s32 $0x1  }
0xbf: {  	_ =	sfence.sel $0xFFFF  }
0xc0: {  	[dreg:$0x0] =	wrdreg $0xFFFFFFFF;
	(pc) =	sbr.abs _section_cstart, $3  }
0xc1: {  	[dreg:$0x1] =	wrdreg $0xFFFFFFFF  }
0xc2: {  	_ =	task.clear_ibuf [dreg:s7], $0x2FFFF;
	_ =	strace $0x9FFFFFFF  }
0xc3: {  	(tm) =	ssettm $0x7FFFFFFF  }
tec
execute0_lowered:
.L_overlay_start_1:
0x0: {  	(tag) =	ssettag $0x1  }
0x1: {  	s0 =	rddreg [dreg:$0x0]  }
0x2: {  	s1 =	rddreg [dreg:$0x1]  }
0x3: {  	s2 =	rddreg [dreg:$0x2];
	s3 =	simm.s32 $0x0  }
0x4: {  	s18 =	stileid.u32;
	s6 =	srdreg.scid;
	s28 =	simm.s32 $0x1  }
0x5: {  	s29 =	simm.s32 $0x2;
	[smem:$0x7FF] =	sst s3;
	s5 =	smul.u32 $0x9C00, s18  }
0x6: {  	s4 =	sadd.s32 $0xA4600, s0;
	s16 =	sadd.s32 $0x11800, s0;
	s8 =	smul.u32 $0x27000, s18  }
0x7: {  	s6 =	sand.u32 $0x1, s6;
	s12 =	smul.u32 $0x1FC00, s18;
	s19 =	sadd.s32 $0x9C000, s2  }
0x8: {  	p0 =	sne.s32 s18, $0xF;
	_ =	strace $0x8000004A;
	s10 =	smul.u32 $0x1FC000, s6  }
0x9: {  	s9 =	ssub.s32 $0x2, s6;
	s15 =	smul.u32 $0x9E400, s6;
	s19 =	sshrl.u32 @!p0 s19, $0x3  }
0xa: {  	s7 =	sshrl.u32 s5, $0x3;
	s11 =	sshrl.u32 s9, $0x1;
	s8 =	sshrl.u32 s8, $0x2  }
0xb: {  	s7 =	sadd.s32 s7, s0;
	s14 =	ssub.s32 s9, s11;
	s17 =	sadd.s32 s8, s2  }
0xc: {  	s11 =	sshll.u32 s18, $0x6;
	s13 =	sadd.s32 s12, s10;
	s0 =	sadd.s32 $0xA4000, s0  }
0xd: {  	s20 =	sadd.s32 s5, s15;
	s24 =	sshrl.u32 s15, $0x3;
	s18 =	simm.s32 $0x7  }
0xe: {  	s7 =	sadd.s32 $0x90800, s7;
	s6 =	sor.u32 $0x1C07, s11;
	s12 =	sshrl.u32 s13, $0x3  }
0xf: {  	[dreg:$0x5] =	wrdreg s0;
	s0 =	sshrl.u32 s20, $0x3;
	s25 =	sadd.s32 $0xA00, s13  }
0x10: {  	s26 =	sadd.s32 $0x800, s13;
	s14 =	smax.u32 s14, $0x1;
	s17 =	sshrl.u32 s17, $0x3  }
0x11: {  	s20 =	simm.s32 $0x200;
	[dreg:$0x4] =	wrdreg s7;
	s8 =	sadd.s32 s16, s12  }
0x12: {  	s0 =	sadd.s32 s1, s0;
	s30 =	sshrl.u32 s25, $0x3;
	s31 =	sshrl.u32 s26, $0x3  }
0x13: {  	s25 =	simm.s32 $0x4;
	s26 =	simm.s32 $0x3000;
	s21 =	sadd.s32 $0x40, s8  }
0x14: {  	s22 =	sadd.s32 $0x80, s8;
	s23 =	sadd.s32 $0xC0, s8;
	[dreg:$0x9] =	wrdreg s0  }
0x15: {  	s0 =	sadd.s32 s1, s24;
	s15 =	sadd.s32 s30, s16;
	[dreg:$0x6] =	wrdreg s21  }
0x16: {  	s16 =	sadd.s32 s31, s16;
	s24 =	simm.s32 $0x800;
	[dreg:$0x7] =	wrdreg s22  }
0x17: {  	s1 =	simm.s32 $0x6;
	[dreg:$0x8] =	wrdreg s23;
	s13 =	sadd.s32 $0x13800, s0  }
0x18: {  	s23 =	simm.s32 $0x50;
	s0 =	simm.s32 $0x5;
	s21 =	simm.s32 $0x0  }
.LBB2_1:
0x19: {  	s5 =	rddreg [dreg:$0x4]  }
0x1a: {  	[spmem:s17], [sflag:s6] =	dma.local [hbm:s5], $0x1380  }
0x1b: {  	_ =	swait.ge [sflag:s18], $0x1380  }
0x1c: {  	[sflag:s18] =	ssyncset.done $0x0  }
0x1d: {  	s5 =	rddreg [dreg:$0x5];
	[sflag:s18] =	ssyncadd.s32 $0xFFFFEC80  }
0x1e: {  	[spmem:s19], [sflag:s6] =	dma.local @!p0 [hbm:s5], $0x480  }
0x1f: {  	s5 =	simm.s32 @!p0 $0x7  }
0x20: {  	_ =	swait.ge @!p0 [sflag:s5], $0x480  }
0x21: {  	[sflag:s5] =	ssyncset.done @!p0 $0x0  }
0x22: {  	[sflag:s5] =	ssyncadd.s32 @!p0 $0xFFFFFB80  }
0x23: {  	[bflag:$0x0] =	sbarrier.arrive $0xFFFF  }
0x24: {  	[tilespmem:s3], [sflag:$0x3] =	stream.linear.gather [hbm4b:s8+s3], $0x200, $0x38;
	[tilespmem:$0xF640] =	vst v63  }
0x25: {  	s12 =	rddreg [dreg:$0x6]  }
0x26: {  	[tilespmem:s20], [sflag:$0x4] =	stream.linear.gather [hbm4b:s12+s3], $0x200, $0x38;
	[tilespmem:$0xF640] =	vst v63  }
0x27: {  	s7 =	simm.s32 $0x400;
	s22 =	rddreg [dreg:$0x7]  }
0x28: {  	[tilespmem:s7], [sflag:$0x5] =	stream.linear.gather [hbm4b:s22+s3], $0x200, $0x38;
	[tilespmem:$0xF640] =	vst v63  }
0x29: {  	s10 =	simm.s32 $0x600;
	s5 =	simm.s32 $0x3;
	s9 =	rddreg [dreg:$0x8]  }
0x2a: {  	[tilespmem:s10], [sflag:$0x6] =	stream.linear.gather [hbm4b:s9+s3], $0x200, $0x38;
	[tilespmem:$0xF640] =	vst v63  }
0x2b: {  	_ =	swait.ge [sflag:s5], $0x200  }
0x2c: {  	[sflag:s5] =	ssyncset.done $0x0  }
0x2d: {  	[sflag:s5] =	ssyncadd.s32 $0xFFFFFE00  }
0x2e: {  	[tilespmem:s24], [sflag:$0x1] =	stream.indirect.gather [hbm4b:s4+s23], $0x80, s3, s23, $0xb8;
	[tilespmem:$0xF640] =	vst v63  }
0x2f: {  	_ =	swait.ge [sflag:s25], $0x200  }
0x30: {  	[sflag:s25] =	ssyncset.done $0x0  }
0x31: {  	s22 =	simm.s32 $0x0;
	[sflag:s25] =	ssyncadd.s32 $0xFFFFFE00  }
0x32: {  	[tilespmem:s26], [sflag:$0x2] =	stream.indirect.gather [hbm4b:s4+s23], $0x80, s20, s23, $0xb8;
	[tilespmem:$0xF640] =	vst v63  }
0x33: {  	s22 =	sand.u32 $0x2, s22;
	_ =	swait.ge [sflag:s28], $0x2800  }
0x34: {  	s30 =	sshll.u32 s22, $0x9;
	[sflag:s28] =	ssyncset.done $0x0  }
0x35: {  	s31 =	sor.u32 $0x80, s30;
	[sflag:s28] =	ssyncadd.s32 $0xFFFFD800  }
0x36: {  	[spmem:s2] =	stream.indirect.scatter.add.f32 [tilespmem:s24], [sflag:$0x7], $0x80, s31, s23, $0xb8;
	[tilespmem:$0xF640] =	vst v63  }
0x37: {  	_ =	swait.ge [sflag:s18], $0x2800  }
0x38: {  	s31 =	sxor.u32 $0x2, s22;
	[sflag:s18] =	ssyncset.done $0x0  }
0x39: {  	s11 =	sadd.s32 $0x3, s22;
	s12 =	sadd.s32 $0x3, s31;
	[sflag:s18] =	ssyncadd.s32 $0xFFFFD800  }
0x3a: {  	[tilespmem:s30], [sflag:s11] =	stream.linear.gather [hbm4b:s16+s3], $0x200, $0x38;
	[tilespmem:$0xF640] =	vst v63  }
0x3b: {  	_ =	swait.ge [sflag:s12], $0x200  }
0x3c: {  	[sflag:s12] =	ssyncset.done $0x0  }
0x3d: {  	s9 =	sshll.u32 s31, $0x9;
	[sflag:s12] =	ssyncadd.s32 $0xFFFFFE00  }
0x3e: {  	[tilespmem:s24], [sflag:$0x1] =	stream.indirect.gather [hbm4b:s4+s23], $0x80, s9, s23, $0xb8;
	[tilespmem:$0xF640] =	vst v63  }
0x3f: {  	_ =	swait.ge [sflag:s29], $0x2800  }
0x40: {  	[sflag:s29] =	ssyncset.done $0x0  }
0x41: {  	s10 =	sor.u32 $0x280, s30;
	[sflag:s29] =	ssyncadd.s32 $0xFFFFD800  }
0x42: {  	[spmem:s2] =	stream.indirect.scatter.add.f32 [tilespmem:s26], [sflag:$0x7], $0x80, s10, s23, $0xb8;
	[tilespmem:$0xF640] =	vst v63  }
0x43: {  	s5 =	sand.u32 $0x3, s5;
	_ =	swait.ge [sflag:s18], $0x2800  }
0x44: {  	s31 =	sadd.s32 $0x3, s5;
	[sflag:s18] =	ssyncset.done $0x0  }
0x45: {  	s11 =	sor.u32 $0x4, s22;
	s12 =	sor.u32 $0x200, s30;
	[sflag:s18] =	ssyncadd.s32 $0xFFFFD800  }
0x46: {  	[tilespmem:s12], [sflag:s11] =	stream.linear.gather [hbm4b:s15+s3], $0x200, $0x38;
	[tilespmem:$0xF640] =	vst v63  }
0x47: {  	_ =	swait.ge [sflag:s31], $0x200  }
0x48: {  	s5 =	sshll.u32 s5, $0x9;
	s22 =	simm.s32 $0x5;
	[sflag:s31] =	ssyncset.done $0x0  }
0x49: {  	s30 =	sadd.s32 $0x80, s16;
	[sflag:s31] =	ssyncadd.s32 $0xFFFFFE00;
	s31 =	sadd.s32 $0x80, s15  }
.LBB2_2:
0x4a: {  	[tilespmem:s26], [sflag:$0x2] =	stream.indirect.gather [hbm4b:s4+s23], $0x80, s5, s23, $0xb8;
	[tilespmem:$0xF640] =	vst v63  }
0x4b: {  	s5 =	smov.u32 s22  }
0x4c: {  	p1 =	sne.s32 s22, $0xF9;
	s22 =	sadd.s32 $0x2, s22;
	s7 =	sadd.s32 $0xFFFFFFFD, s5  }
0x4d: {  	s7 =	sand.u32 $0x2, s7;
	_ =	swait.ge [sflag:s28], $0x2800  }
0x4e: {  	[sflag:s28] =	ssyncset.done $0x0;
	s9 =	sshll.u32 s7, $0x9;
	s10 =	sxor.u32 $0x2, s7  }
0x4f: {  	[sflag:s28] =	ssyncadd.s32 $0xFFFFD800;
	s11 =	sor.u32 $0x80, s9  }
0x50: {  	[spmem:s2] =	stream.indirect.scatter.add.f32 [tilespmem:s24], [sflag:$0x7], $0x80, s11, s23, $0xb8;
	[tilespmem:$0xF640] =	vst v63  }
0x51: {  	_ =	swait.ge [sflag:s18], $0x2800  }
0x52: {  	[sflag:s18] =	ssyncset.done $0x0  }
0x53: {  	s12 =	sadd.s32 $0x3, s10;
	s11 =	sadd.s32 $0x3, s7;
	[sflag:s18] =	ssyncadd.s32 $0xFFFFD800  }
0x54: {  	[tilespmem:s9], [sflag:s11] =	stream.linear.gather [hbm4b:s30+s3], $0x200, $0x38;
	[tilespmem:$0xF640] =	vst v63  }
0x55: {  	_ =	swait.ge [sflag:s12], $0x200  }
0x56: {  	[sflag:s12] =	ssyncset.done $0x0  }
0x57: {  	s10 =	sshll.u32 s10, $0x9;
	[sflag:s12] =	ssyncadd.s32 $0xFFFFFE00  }
0x58: {  	[tilespmem:s24], [sflag:$0x1] =	stream.indirect.gather [hbm4b:s4+s23], $0x80, s10, s23, $0xb8;
	[tilespmem:$0xF640] =	vst v63  }
0x59: {  	_ =	swait.ge [sflag:s29], $0x2800  }
0x5a: {  	[sflag:s29] =	ssyncset.done $0x0  }
0x5b: {  	s10 =	sor.u32 $0x280, s9;
	[sflag:s29] =	ssyncadd.s32 $0xFFFFD800  }
0x5c: {  	[spmem:s2] =	stream.indirect.scatter.add.f32 [tilespmem:s26], [sflag:$0x7], $0x80, s10, s23, $0xb8;
	[tilespmem:$0xF640] =	vst v63  }
0x5d: {  	s5 =	sand.u32 $0x3, s5;
	_ =	swait.ge [sflag:s18], $0x2800  }
0x5e: {  	s7 =	sor.u32 $0x4, s7;
	s9 =	sor.u32 $0x200, s9;
	[sflag:s18] =	ssyncset.done $0x0  }
.Ltmp0:
0x5f: {  	s10 =	sadd.s32 $0x3, s5;
	[sflag:s18] =	ssyncadd.s32 $0xFFFFD800;
	(pc) =	sbr.rel @p1 .LBB2_2-.Ltmp0, $4  }
0x60: {  	[tilespmem:s9], [sflag:s7] =	stream.linear.gather [hbm4b:s31+s3], $0x200, $0x38;
	[tilespmem:$0xF640] =	vst v63  }
0x61: {  	_ =	swait.ge [sflag:s10], $0x200  }
0x62: {  	s30 =	sadd.s32 $0x80, s30;
	[sflag:s10] =	ssyncset.done $0x0  }
0x63: {  	s5 =	sshll.u32 s5, $0x9;
	s31 =	sadd.s32 $0x80, s31;
	[sflag:s10] =	ssyncadd.s32 $0xFFFFFE00  }
0x64: {  	[tilespmem:s26], [sflag:$0x2] =	stream.indirect.gather [hbm4b:s4+s23], $0x80, s5, s23, $0xb8;
	[tilespmem:$0xF640] =	vst v63  }
0x65: {  	_ =	swait.ge [sflag:s28], $0x2800  }
0x66: {  	[sflag:s28] =	ssyncset.done $0x0  }
0x67: {  	s22 =	simm.s32 $0x80;
	[sflag:s28] =	ssyncadd.s32 $0xFFFFD800  }
0x68: {  	[spmem:s2] =	stream.indirect.scatter.add.f32 [tilespmem:s24], [sflag:$0x7], $0x80, s22, s23, $0xb8;
	[tilespmem:$0xF640] =	vst v63  }
0x69: {  	_ =	swait.ge [sflag:s18], $0x2800  }
0x6a: {  	[sflag:s18] =	ssyncset.done $0x0  }
0x6b: {  	[sflag:s18] =	ssyncadd.s32 $0xFFFFD800  }
0x6c: {  	_ =	swait.ge [sflag:s29], $0x2800  }
0x6d: {  	[sflag:s29] =	ssyncset.done $0x0  }
0x6e: {  	s30 =	simm.s32 $0x280;
	[sflag:s29] =	ssyncadd.s32 $0xFFFFD800  }
0x6f: {  	[spmem:s2] =	stream.indirect.scatter.add.f32 [tilespmem:s26], [sflag:$0x7], $0x80, s30, s23, $0xb8;
	[tilespmem:$0xF640] =	vst v63  }
0x70: {  	_ =	swait.ge [sflag:s18], $0x2800  }
0x71: {  	[sflag:s18] =	ssyncset.done $0x0  }
0x72: {  	[sflag:s18] =	ssyncadd.s32 $0xFFFFD800  }
0x73: {  	_ =	swait.ge [sflag:s0], $0x200  }
0x74: {  	[sflag:s0] =	ssyncset.done $0x0  }
0x75: {  	[sflag:s0] =	ssyncadd.s32 $0xFFFFFE00  }
0x76: {  	_ =	swait.ge [sflag:s1], $0x200  }
0x77: {  	[sflag:s1] =	ssyncset.done $0x0  }
0x78: {  	[sflag:s1] =	ssyncadd.s32 $0xFFFFFE00  }
0x79: {  	[bflag:$0x0] =	sbarrier.arrive $0xFFFF  }
0x7a: {  	s31 =	rddreg [dreg:$0x9]  }
0x7b: {  	[hbm:s31], [sflag:s6] =	dma.local [spmem:s17], $0x1380  }
0x7c: {  	s21 =	sadd.s32 $0x1, s21;
	_ =	swait.ge [sflag:s18], $0x1380  }
0x7d: {  	p1 =	sne.s32 s21, s14;
	[sflag:s18] =	ssyncset.done $0x0  }
.Ltmp1:
0x7e: {  	s5 =	simm.s32 @!p0 $0x7;
	[sflag:s18] =	ssyncadd.s32 $0xFFFFEC80;
	(pc) =	sbr.rel @p1 .LBB2_1-.Ltmp1, $4  }
0x7f: {  	[hbm:s13], [sflag:s6] =	dma.local @!p0 [spmem:s19], $0x480  }
0x80: {  	_ =	swait.ge @!p0 [sflag:s5], $0x480  }
0x81: {  	[sflag:s5] =	ssyncset.done @!p0 $0x0  }
0x82: {  	[sflag:s5] =	ssyncadd.s32 @!p0 $0xFFFFFB80  }
0x83: {  	_ =	sfence.sel $0x180000  }
0x84: {  	[bflag:$0x0] =	sbarrier.arrive $0xFFFF  }
0x85: {  	_ =	strace $0x9000004A  }
0x86: {  	s0 =	stileid.u32;
	[bflag:$0x2] =	sbarrier.arrive $0xFFFF  }
0x87: {  	p0 =	sne.s32 s0, $0x0;
	s0 =	rddreg [dreg:$0x3]  }
0x88: {  	s0 =	sadd.s32 @!p0 $0x100000, s0  }
0x89: {  	[sflag:s0] =	ssyncadd.tile.s32 @!p0 $0x1;
	_ =	shalt  }
.Lfunc_end2:
_tile_overlayer_lowered:
.L_overlay_start_2:
0x8a: {  	(tag) =	ssettag $0x2  }
0x8b: {  	s0 =	rddreg [dreg:$0x0];
	s2 =	stileid.u32  }
0x8c: {  	s1 =	rddreg [dreg:$0x1];
	p0 =	sne.s32 s2, $0x0  }
0x8d: {  	s3 =	rddreg [dreg:$0x2];
	[bflag:$0x3] =	sbarrier.arrive $0xFFFF;
	s2 =	simm.s32 @!p0 $0x1C07  }
0x8e: {  	[timem:s3], [sflag:s2] =	dma.local @!p0 [hbm:s0], s1  }
0x8f: {  	s0 =	simm.s32 @!p0 $0x7  }
0x90: {  	_ =	swait.ge @!p0 [sflag:s0], s1  }
0x91: {  	s1 =	ssub.s32 @!p0 $0x0, s1;
	[sflag:s0] =	ssyncset.done @!p0 $0x0  }
0x92: {  	[sflag:s0] =	ssyncadd.s32 @!p0 s1  }
0x93: {  	[bflag:$0x3] =	sbarrier.arrive $0xFFFF  }
0x94: {  	_ =	shalt  }

</sc_bundles>
